<compile_context>
chip_gen: v7x
topology: tpu7x:2x2x1
jax: 0.10.2.dev20260603
libtpu: 0.0.44.dev20260713+nightly
codegen_flags: <defaults>
</compile_context>

<pallas_src>
import functools

import jax
import jax.numpy as jnp
from jax import lax
from jax.experimental import pallas as pl
from jax.experimental.pallas import tpu as pltpu
from jax.experimental.pallas import tpu_sc as plsc

VOCAB = 100000
HIDDEN = 64
NUM_PIXEL = 4096
BATCH = 64

NUM_CORES = 2
NUM_SUBCORES = 16
NUM_WORKERS = NUM_CORES * NUM_SUBCORES
PPW = NUM_PIXEL // NUM_WORKERS
LANES = 16
NBUF = 8

_mesh = plsc.VectorSubcoreMesh(core_axis_name="c", subcore_axis_name="s")


@functools.partial(
    pl.kernel,
    out_type=jax.ShapeDtypeStruct((BATCH, NUM_PIXEL, 2 * HIDDEN), jnp.float32),
    mesh=_mesh,
    scratch_types=[
        pltpu.VMEM((BATCH // 8, 8, PPW), jnp.int32),
        pltpu.VMEM((NBUF, PPW, HIDDEN), jnp.float32),
        [pltpu.SemaphoreType.DMA] * NBUF,
        [pltpu.SemaphoreType.DMA] * NBUF,
        [pltpu.SemaphoreType.DMA] * NBUF,
    ],
    compiler_params=pltpu.CompilerParams(use_tc_tiling_on_sc=False),
)
def _emb_kernel(idx_hbm, table_hbm, pos_hbm, out_hbm,
                idx_v, buf_v, gsems, osems, fsems):
    c = lax.axis_index("c")
    s = lax.axis_index("s")
    w = s * NUM_CORES + c
    base = w * PPW

    pltpu.sync_copy(idx_hbm.at[:, w, :, :], idx_v)
    def fill(d):
        pltpu.async_copy(pos_hbm.at[pl.ds(base, PPW), :], buf_v.at[d],
                         fsems[d])

    def fill_wait(d):
        pltpu.make_async_copy(
            pos_hbm.at[pl.ds(base, PPW), :], buf_v.at[d], fsems[d]).wait()

    def gather_add(b, d):
        pltpu.async_copy(
            table_hbm.at[idx_v.at[b // 8, b % 8]], buf_v.at[d], gsems[d],
            add=True)

    def gather_wait(b, d):
        pltpu.make_async_copy(
            table_hbm.at[idx_v.at[b // 8, b % 8]], buf_v.at[d],
            gsems[d]).wait()

    def out_copy(b, d):
        return pltpu.make_async_copy(
            buf_v.at[d],
            out_hbm.at[b, pl.ds(base, PPW), pl.ds(0, HIDDEN)],
            osems[d])

    for d in range(NBUF - 1):
        fill(d)
    for d in range(NBUF - 2):
        fill_wait(d)
        gather_add(d, d)

    @pl.loop(0, BATCH, step=NBUF)
    def _group(g):
        for dd in range(NBUF):
            b = g + dd
            gather_wait(b, dd)
            out_copy(b, dd).start()

            mf = b + NBUF - 1
            df = (dd + NBUF - 1) % NBUF

            @pl.when(mf < BATCH)
            def _():
                @pl.when(mf >= NBUF)
                def _():
                    out_copy(mf - NBUF, df).wait()
                fill(df)

            mg = b + NBUF - 2
            dg = (dd + NBUF - 2) % NBUF

            @pl.when(jnp.logical_and(mg >= NBUF - 2, mg < BATCH))
            def _():
                fill_wait(dg)
                gather_add(mg, dg)

    for d in range(NBUF):
        out_copy(BATCH - NBUF + d, d).wait()


def kernel(pixel_values, token_table, position_embedding):
    idx = pixel_values.astype(jnp.int32)
    idx_t = idx.reshape(BATCH // 8, 8, NUM_WORKERS, PPW).transpose(0, 2, 1, 3)
    pos2 = position_embedding.reshape(NUM_PIXEL, HIDDEN)
    out = _emb_kernel(idx_t, token_table, pos2)
    return out[:, :, :HIDDEN]

# --- scband reference (transcript-rebuilt; emitter-appended) ---
"""Pipeline reference for scband-ict-embeddings-65085934403810 (READ-ONLY COPY).

The authoritative reference and input builder live on the scoring server;
editing this copy changes nothing except your own understanding.
"""

import jax, jax.numpy as jnp
import numpy as np

VOCAB = 100000
HIDDEN = 64
IMAGE = 64
NUM_PIXEL = IMAGE * IMAGE  # 4096
BATCH = 64

def setup_inputs(seed: int = 0) -> dict:
    key = jax.random.key(seed)
    k1, k2, k3 = jax.random.split(key, 3)
    pixel_values = jax.random.randint(k1, (BATCH, NUM_PIXEL), 0, VOCAB, dtype=jnp.int64 if jax.config.jax_enable_x64 else jnp.int32)
    token_table = jax.random.normal(k2, (VOCAB, HIDDEN), dtype=jnp.float32) * 0.02
    position_embedding = jax.random.normal(k3, (1, NUM_PIXEL, HIDDEN), dtype=jnp.float32) * 0.02
    return {"pixel_values": pixel_values, "token_table": token_table, "position_embedding": position_embedding}

def reference(pixel_values, token_table, position_embedding):
    # token embedding lookup (gather)
    embeddings = jnp.take(token_table, pixel_values, axis=0)  # [B, num_pixel, hidden]
    num_pixel = pixel_values.shape[1]
    # add position embeddings (sliced to num_pixel)
    position_embeds = position_embedding[:, :num_pixel, :]
    embeddings = embeddings + position_embeds
    # dropout with p=0.0 (eval) is identity
    return embeddings

if __name__ == "__main__":
    import jax
    _d = setup_inputs()
    print(jax.jit(kernel)(*tuple(_d.values())))

</pallas_src>

<mosaic_0001>
#map = affine_map<(d0, d1) -> (0, 0, 0, 0)>
#map1 = affine_map<(d0, d1) -> (0, 0)>
#map2 = affine_map<(d0, d1) -> (0, 0, 0)>
module attributes {stable_mosaic.version = 14 : i64} {
  func.func @_emb_kernel(%arg0: i32, %arg1: i32, %arg2: memref<8x32x8x128xi32, #tpu.memory_space<hbm>>, %arg3: memref<100000x64xf32, #tpu.memory_space<hbm>>, %arg4: memref<4096x64xf32, #tpu.memory_space<hbm>>, %arg5: memref<64x4096x128xf32, #tpu.memory_space<hbm>>, %arg6: memref<8x8x128xi32, #tpu.memory_space<vmem>>, %arg7: memref<8x128x64xf32, #tpu.memory_space<vmem>>, %arg8: memref<!tpu.dma_semaphore, #tpu.memory_space<semaphore_mem>>, %arg9: memref<!tpu.dma_semaphore, #tpu.memory_space<semaphore_mem>>, %arg10: memref<!tpu.dma_semaphore, #tpu.memory_space<semaphore_mem>>, %arg11: memref<!tpu.dma_semaphore, #tpu.memory_space<semaphore_mem>>, %arg12: memref<!tpu.dma_semaphore, #tpu.memory_space<semaphore_mem>>, %arg13: memref<!tpu.dma_semaphore, #tpu.memory_space<semaphore_mem>>, %arg14: memref<!tpu.dma_semaphore, #tpu.memory_space<semaphore_mem>>, %arg15: memref<!tpu.dma_semaphore, #tpu.memory_space<semaphore_mem>>, %arg16: memref<!tpu.dma_semaphore, #tpu.memory_space<semaphore_mem>>, %arg17: memref<!tpu.dma_semaphore, #tpu.memory_space<semaphore_mem>>, %arg18: memref<!tpu.dma_semaphore, #tpu.memory_space<semaphore_mem>>, %arg19: memref<!tpu.dma_semaphore, #tpu.memory_space<semaphore_mem>>, %arg20: memref<!tpu.dma_semaphore, #tpu.memory_space<semaphore_mem>>, %arg21: memref<!tpu.dma_semaphore, #tpu.memory_space<semaphore_mem>>, %arg22: memref<!tpu.dma_semaphore, #tpu.memory_space<semaphore_mem>>, %arg23: memref<!tpu.dma_semaphore, #tpu.memory_space<semaphore_mem>>, %arg24: memref<!tpu.dma_semaphore, #tpu.memory_space<semaphore_mem>>, %arg25: memref<!tpu.dma_semaphore, #tpu.memory_space<semaphore_mem>>, %arg26: memref<!tpu.dma_semaphore, #tpu.memory_space<semaphore_mem>>, %arg27: memref<!tpu.dma_semaphore, #tpu.memory_space<semaphore_mem>>, %arg28: memref<!tpu.dma_semaphore, #tpu.memory_space<semaphore_mem>>, %arg29: memref<!tpu.dma_semaphore, #tpu.memory_space<semaphore_mem>>, %arg30: memref<!tpu.dma_semaphore, #tpu.memory_space<semaphore_mem>>, %arg31: memref<!tpu.dma_semaphore, #tpu.memory_space<semaphore_mem>>) attributes {dimension_semantics = [#tpu.dimension_semantics<core_parallel>, #tpu.dimension_semantics<subcore_parallel>], iteration_bounds = array<i64: 2, 16>, scalar_prefetch = 0 : i64, scratch_operands = 26 : i64, tpu.core_type = #tpu.core_type<sc_vector_subcore>, window_params = [{transform_indices = #map}, {transform_indices = #map1}, {transform_indices = #map1}, {transform_indices = #map2}]} {
    %mul3A = arith.constant 2 : i32
    %mul3A_0 = arith.muli %arg1, %mul3A : i32
    %add3A = arith.addi %mul3A_0, %arg0 : i32
    %mul3A_1 = arith.constant 128 : i32
    %mul3A_2 = arith.muli %add3A, %mul3A_1 : i32
    "tpu.region"() ({
      %run_scoped3A = tpu.sem_alloc : memref<!tpu.dma_semaphore, #tpu.memory_space<semaphore_mem>>
      %dma_start3A_380 = arith.constant 0 : i32
      %dma_start3A_381 = arith.constant 0 : i32
      %dma_start3A_382 = arith.constant 0 : i32
      %dma_start3A_383 = tpu.memref_slice %arg2[%dma_start3A_380, %add3A, %dma_start3A_381, %dma_start3A_382] : memref<8x32x8x128xi32, #tpu.memory_space<hbm>> -> memref<8x1x8x128xi32, #tpu.memory_space<hbm>>
      %dma_start3A_384 = tpu.memref_squeeze %dma_start3A_383 : memref<8x1x8x128xi32, #tpu.memory_space<hbm>> -> memref<8x8x128xi32, #tpu.memory_space<hbm>>
      %dma_start3A_385 = arith.constant 0 : i32
      %dma_start3A_386 = arith.constant 0 : i32
      %dma_start3A_387 = arith.constant 0 : i32
      %dma_start3A_388 = tpu.memref_slice %arg2[%dma_start3A_385, %add3A, %dma_start3A_386, %dma_start3A_387] : memref<8x32x8x128xi32, #tpu.memory_space<hbm>> -> memref<8x1x8x128xi32, #tpu.memory_space<hbm>>
      %dma_start3A_389 = tpu.memref_squeeze %dma_start3A_388 : memref<8x1x8x128xi32, #tpu.memory_space<hbm>> -> memref<8x8x128xi32, #tpu.memory_space<hbm>>
      tpu.enqueue_dma source(%dma_start3A_389 : memref<8x8x128xi32, #tpu.memory_space<hbm>>) target(%arg6 : memref<8x8x128xi32, #tpu.memory_space<vmem>>) target_semaphore(%run_scoped3A : memref<!tpu.dma_semaphore, #tpu.memory_space<semaphore_mem>>)
      %dma_wait3A_390 = arith.constant 0 : i32
      %dma_wait3A_391 = arith.constant 0 : i32
      %dma_wait3A_392 = arith.constant 0 : i32
      %dma_wait3A_393 = tpu.memref_slice %arg2[%dma_wait3A_390, %add3A, %dma_wait3A_391, %dma_wait3A_392] : memref<8x32x8x128xi32, #tpu.memory_space<hbm>> -> memref<8x1x8x128xi32, #tpu.memory_space<hbm>>
      %dma_wait3A_394 = tpu.memref_squeeze %dma_wait3A_393 : memref<8x1x8x128xi32, #tpu.memory_space<hbm>> -> memref<8x8x128xi32, #tpu.memory_space<hbm>>
      %dma_wait3A_395 = arith.constant 0 : i32
      %dma_wait3A_396 = arith.constant 0 : i32
      %dma_wait3A_397 = arith.constant 0 : i32
      %dma_wait3A_398 = tpu.memref_slice %arg2[%dma_wait3A_395, %add3A, %dma_wait3A_396, %dma_wait3A_397] : memref<8x32x8x128xi32, #tpu.memory_space<hbm>> -> memref<8x1x8x128xi32, #tpu.memory_space<hbm>>
      %dma_wait3A_399 = tpu.memref_squeeze %dma_wait3A_398 : memref<8x1x8x128xi32, #tpu.memory_space<hbm>> -> memref<8x8x128xi32, #tpu.memory_space<hbm>>
      tpu.wait_dma2 semaphore(%run_scoped3A : memref<!tpu.dma_semaphore, #tpu.memory_space<semaphore_mem>>) src(%dma_wait3A_399 : memref<8x8x128xi32, #tpu.memory_space<hbm>>) dst(%arg6 : memref<8x8x128xi32, #tpu.memory_space<vmem>>)
      tpu.yield
    }) : () -> ()
    %dma_start3A = arith.constant 0 : i32
    %dma_start3A_3 = arith.constant 0 : i32
    %dma_start3A_4 = arith.constant 0 : i32
    %dma_start3A_5 = tpu.memref_slice %arg7[%dma_start3A, %dma_start3A_3, %dma_start3A_4] : memref<8x128x64xf32, #tpu.memory_space<vmem>> -> memref<1x128x64xf32, #tpu.memory_space<vmem>>
    %dma_start3A_6 = tpu.memref_squeeze %dma_start3A_5 : memref<1x128x64xf32, #tpu.memory_space<vmem>> -> memref<128x64xf32, #tpu.memory_space<vmem>>
    %dma_start3A_7 = arith.constant 0 : i32
    %dma_start3A_8 = tpu.memref_slice %arg4[%mul3A_2, %dma_start3A_7] : memref<4096x64xf32, #tpu.memory_space<hbm>> -> memref<128x64xf32, #tpu.memory_space<hbm>>
    %dma_start3A_9 = arith.constant 0 : i32
    %dma_start3A_10 = arith.constant 0 : i32
    %dma_start3A_11 = tpu.memref_slice %arg7[%dma_start3A, %dma_start3A_9, %dma_start3A_10] : memref<8x128x64xf32, #tpu.memory_space<vmem>> -> memref<1x128x64xf32, #tpu.memory_space<vmem>>
    %dma_start3A_12 = tpu.memref_squeeze %dma_start3A_11 : memref<1x128x64xf32, #tpu.memory_space<vmem>> -> memref<128x64xf32, #tpu.memory_space<vmem>>
    %dma_start3A_13 = arith.constant 0 : i32
    %dma_start3A_14 = tpu.memref_slice %arg4[%mul3A_2, %dma_start3A_13] : memref<4096x64xf32, #tpu.memory_space<hbm>> -> memref<128x64xf32, #tpu.memory_space<hbm>>
    tpu.enqueue_dma source(%dma_start3A_14 : memref<128x64xf32, #tpu.memory_space<hbm>>) target(%dma_start3A_12 : memref<128x64xf32, #tpu.memory_space<vmem>>) target_semaphore(%arg24 : memref<!tpu.dma_semaphore, #tpu.memory_space<semaphore_mem>>)
    %dma_start3A_15 = arith.constant 1 : i32
    %dma_start3A_16 = arith.constant 0 : i32
    %dma_start3A_17 = arith.constant 0 : i32
    %dma_start3A_18 = tpu.memref_slice %arg7[%dma_start3A_15, %dma_start3A_16, %dma_start3A_17] : memref<8x128x64xf32, #tpu.memory_space<vmem>> -> memref<1x128x64xf32, #tpu.memory_space<vmem>>
    %dma_start3A_19 = tpu.memref_squeeze %dma_start3A_18 : memref<1x128x64xf32, #tpu.memory_space<vmem>> -> memref<128x64xf32, #tpu.memory_space<vmem>>
    %dma_start3A_20 = arith.constant 0 : i32
    %dma_start3A_21 = tpu.memref_slice %arg4[%mul3A_2, %dma_start3A_20] : memref<4096x64xf32, #tpu.memory_space<hbm>> -> memref<128x64xf32, #tpu.memory_space<hbm>>
    %dma_start3A_22 = arith.constant 0 : i32
    %dma_start3A_23 = arith.constant 0 : i32
    %dma_start3A_24 = tpu.memref_slice %arg7[%dma_start3A_15, %dma_start3A_22, %dma_start3A_23] : memref<8x128x64xf32, #tpu.memory_space<vmem>> -> memref<1x128x64xf32, #tpu.memory_space<vmem>>
    %dma_start3A_25 = tpu.memref_squeeze %dma_start3A_24 : memref<1x128x64xf32, #tpu.memory_space<vmem>> -> memref<128x64xf32, #tpu.memory_space<vmem>>
    %dma_start3A_26 = arith.constant 0 : i32
    %dma_start3A_27 = tpu.memref_slice %arg4[%mul3A_2, %dma_start3A_26] : memref<4096x64xf32, #tpu.memory_space<hbm>> -> memref<128x64xf32, #tpu.memory_space<hbm>>
    tpu.enqueue_dma source(%dma_start3A_27 : memref<128x64xf32, #tpu.memory_space<hbm>>) target(%dma_start3A_25 : memref<128x64xf32, #tpu.memory_space<vmem>>) target_semaphore(%arg25 : memref<!tpu.dma_semaphore, #tpu.memory_space<semaphore_mem>>)
    %dma_start3A_28 = arith.constant 2 : i32
    %dma_start3A_29 = arith.constant 0 : i32
    %dma_start3A_30 = arith.constant 0 : i32
    %dma_start3A_31 = tpu.memref_slice %arg7[%dma_start3A_28, %dma_start3A_29, %dma_start3A_30] : memref<8x128x64xf32, #tpu.memory_space<vmem>> -> memref<1x128x64xf32, #tpu.memory_space<vmem>>
    %dma_start3A_32 = tpu.memref_squeeze %dma_start3A_31 : memref<1x128x64xf32, #tpu.memory_space<vmem>> -> memref<128x64xf32, #tpu.memory_space<vmem>>
    %dma_start3A_33 = arith.constant 0 : i32
    %dma_start3A_34 = tpu.memref_slice %arg4[%mul3A_2, %dma_start3A_33] : memref<4096x64xf32, #tpu.memory_space<hbm>> -> memref<128x64xf32, #tpu.memory_space<hbm>>
    %dma_start3A_35 = arith.constant 0 : i32
    %dma_start3A_36 = arith.constant 0 : i32
    %dma_start3A_37 = tpu.memref_slice %arg7[%dma_start3A_28, %dma_start3A_35, %dma_start3A_36] : memref<8x128x64xf32, #tpu.memory_space<vmem>> -> memref<1x128x64xf32, #tpu.memory_space<vmem>>
    %dma_start3A_38 = tpu.memref_squeeze %dma_start3A_37 : memref<1x128x64xf32, #tpu.memory_space<vmem>> -> memref<128x64xf32, #tpu.memory_space<vmem>>
    %dma_start3A_39 = arith.constant 0 : i32
    %dma_start3A_40 = tpu.memref_slice %arg4[%mul3A_2, %dma_start3A_39] : memref<4096x64xf32, #tpu.memory_space<hbm>> -> memref<128x64xf32, #tpu.memory_space<hbm>>
    tpu.enqueue_dma source(%dma_start3A_40 : memref<128x64xf32, #tpu.memory_space<hbm>>) target(%dma_start3A_38 : memref<128x64xf32, #tpu.memory_space<vmem>>) target_semaphore(%arg26 : memref<!tpu.dma_semaphore, #tpu.memory_space<semaphore_mem>>)
    %dma_start3A_41 = arith.constant 3 : i32
    %dma_start3A_42 = arith.constant 0 : i32
    %dma_start3A_43 = arith.constant 0 : i32
    %dma_start3A_44 = tpu.memref_slice %arg7[%dma_start3A_41, %dma_start3A_42, %dma_start3A_43] : memref<8x128x64xf32, #tpu.memory_space<vmem>> -> memref<1x128x64xf32, #tpu.memory_space<vmem>>
    %dma_start3A_45 = tpu.memref_squeeze %dma_start3A_44 : memref<1x128x64xf32, #tpu.memory_space<vmem>> -> memref<128x64xf32, #tpu.memory_space<vmem>>
    %dma_start3A_46 = arith.constant 0 : i32
    %dma_start3A_47 = tpu.memref_slice %arg4[%mul3A_2, %dma_start3A_46] : memref<4096x64xf32, #tpu.memory_space<hbm>> -> memref<128x64xf32, #tpu.memory_space<hbm>>
    %dma_start3A_48 = arith.constant 0 : i32
    %dma_start3A_49 = arith.constant 0 : i32
    %dma_start3A_50 = tpu.memref_slice %arg7[%dma_start3A_41, %dma_start3A_48, %dma_start3A_49] : memref<8x128x64xf32, #tpu.memory_space<vmem>> -> memref<1x128x64xf32, #tpu.memory_space<vmem>>
    %dma_start3A_51 = tpu.memref_squeeze %dma_start3A_50 : memref<1x128x64xf32, #tpu.memory_space<vmem>> -> memref<128x64xf32, #tpu.memory_space<vmem>>
    %dma_start3A_52 = arith.constant 0 : i32
    %dma_start3A_53 = tpu.memref_slice %arg4[%mul3A_2, %dma_start3A_52] : memref<4096x64xf32, #tpu.memory_space<hbm>> -> memref<128x64xf32, #tpu.memory_space<hbm>>
    tpu.enqueue_dma source(%dma_start3A_53 : memref<128x64xf32, #tpu.memory_space<hbm>>) target(%dma_start3A_51 : memref<128x64xf32, #tpu.memory_space<vmem>>) target_semaphore(%arg27 : memref<!tpu.dma_semaphore, #tpu.memory_space<semaphore_mem>>)
    %dma_start3A_54 = arith.constant 4 : i32
    %dma_start3A_55 = arith.constant 0 : i32
    %dma_start3A_56 = arith.constant 0 : i32
    %dma_start3A_57 = tpu.memref_slice %arg7[%dma_start3A_54, %dma_start3A_55, %dma_start3A_56] : memref<8x128x64xf32, #tpu.memory_space<vmem>> -> memref<1x128x64xf32, #tpu.memory_space<vmem>>
    %dma_start3A_58 = tpu.memref_squeeze %dma_start3A_57 : memref<1x128x64xf32, #tpu.memory_space<vmem>> -> memref<128x64xf32, #tpu.memory_space<vmem>>
    %dma_start3A_59 = arith.constant 0 : i32
    %dma_start3A_60 = tpu.memref_slice %arg4[%mul3A_2, %dma_start3A_59] : memref<4096x64xf32, #tpu.memory_space<hbm>> -> memref<128x64xf32, #tpu.memory_space<hbm>>
    %dma_start3A_61 = arith.constant 0 : i32
    %dma_start3A_62 = arith.constant 0 : i32
    %dma_start3A_63 = tpu.memref_slice %arg7[%dma_start3A_54, %dma_start3A_61, %dma_start3A_62] : memref<8x128x64xf32, #tpu.memory_space<vmem>> -> memref<1x128x64xf32, #tpu.memory_space<vmem>>
    %dma_start3A_64 = tpu.memref_squeeze %dma_start3A_63 : memref<1x128x64xf32, #tpu.memory_space<vmem>> -> memref<128x64xf32, #tpu.memory_space<vmem>>
    %dma_start3A_65 = arith.constant 0 : i32
    %dma_start3A_66 = tpu.memref_slice %arg4[%mul3A_2, %dma_start3A_65] : memref<4096x64xf32, #tpu.memory_space<hbm>> -> memref<128x64xf32, #tpu.memory_space<hbm>>
    tpu.enqueue_dma source(%dma_start3A_66 : memref<128x64xf32, #tpu.memory_space<hbm>>) target(%dma_start3A_64 : memref<128x64xf32, #tpu.memory_space<vmem>>) target_semaphore(%arg28 : memref<!tpu.dma_semaphore, #tpu.memory_space<semaphore_mem>>)
    %dma_start3A_67 = arith.constant 5 : i32
    %dma_start3A_68 = arith.constant 0 : i32
    %dma_start3A_69 = arith.constant 0 : i32
    %dma_start3A_70 = tpu.memref_slice %arg7[%dma_start3A_67, %dma_start3A_68, %dma_start3A_69] : memref<8x128x64xf32, #tpu.memory_space<vmem>> -> memref<1x128x64xf32, #tpu.memory_space<vmem>>
    %dma_start3A_71 = tpu.memref_squeeze %dma_start3A_70 : memref<1x128x64xf32, #tpu.memory_space<vmem>> -> memref<128x64xf32, #tpu.memory_space<vmem>>
    %dma_start3A_72 = arith.constant 0 : i32
    %dma_start3A_73 = tpu.memref_slice %arg4[%mul3A_2, %dma_start3A_72] : memref<4096x64xf32, #tpu.memory_space<hbm>> -> memref<128x64xf32, #tpu.memory_space<hbm>>
    %dma_start3A_74 = arith.constant 0 : i32
    %dma_start3A_75 = arith.constant 0 : i32
    %dma_start3A_76 = tpu.memref_slice %arg7[%dma_start3A_67, %dma_start3A_74, %dma_start3A_75] : memref<8x128x64xf32, #tpu.memory_space<vmem>> -> memref<1x128x64xf32, #tpu.memory_space<vmem>>
    %dma_start3A_77 = tpu.memref_squeeze %dma_start3A_76 : memref<1x128x64xf32, #tpu.memory_space<vmem>> -> memref<128x64xf32, #tpu.memory_space<vmem>>
    %dma_start3A_78 = arith.constant 0 : i32
    %dma_start3A_79 = tpu.memref_slice %arg4[%mul3A_2, %dma_start3A_78] : memref<4096x64xf32, #tpu.memory_space<hbm>> -> memref<128x64xf32, #tpu.memory_space<hbm>>
    tpu.enqueue_dma source(%dma_start3A_79 : memref<128x64xf32, #tpu.memory_space<hbm>>) target(%dma_start3A_77 : memref<128x64xf32, #tpu.memory_space<vmem>>) target_semaphore(%arg29 : memref<!tpu.dma_semaphore, #tpu.memory_space<semaphore_mem>>)
    %dma_start3A_80 = arith.constant 6 : i32
    %dma_start3A_81 = arith.constant 0 : i32
    %dma_start3A_82 = arith.constant 0 : i32
    %dma_start3A_83 = tpu.memref_slice %arg7[%dma_start3A_80, %dma_start3A_81, %dma_start3A_82] : memref<8x128x64xf32, #tpu.memory_space<vmem>> -> memref<1x128x64xf32, #tpu.memory_space<vmem>>
    %dma_start3A_84 = tpu.memref_squeeze %dma_start3A_83 : memref<1x128x64xf32, #tpu.memory_space<vmem>> -> memref<128x64xf32, #tpu.memory_space<vmem>>
    %dma_start3A_85 = arith.constant 0 : i32
    %dma_start3A_86 = tpu.memref_slice %arg4[%mul3A_2, %dma_start3A_85] : memref<4096x64xf32, #tpu.memory_space<hbm>> -> memref<128x64xf32, #tpu.memory_space<hbm>>
    %dma_start3A_87 = arith.constant 0 : i32
    %dma_start3A_88 = arith.constant 0 : i32
    %dma_start3A_89 = tpu.memref_slice %arg7[%dma_start3A_80, %dma_start3A_87, %dma_start3A_88] : memref<8x128x64xf32, #tpu.memory_space<vmem>> -> memref<1x128x64xf32, #tpu.memory_space<vmem>>
    %dma_start3A_90 = tpu.memref_squeeze %dma_start3A_89 : memref<1x128x64xf32, #tpu.memory_space<vmem>> -> memref<128x64xf32, #tpu.memory_space<vmem>>
    %dma_start3A_91 = arith.constant 0 : i32
    %dma_start3A_92 = tpu.memref_slice %arg4[%mul3A_2, %dma_start3A_91] : memref<4096x64xf32, #tpu.memory_space<hbm>> -> memref<128x64xf32, #tpu.memory_space<hbm>>
    tpu.enqueue_dma source(%dma_start3A_92 : memref<128x64xf32, #tpu.memory_space<hbm>>) target(%dma_start3A_90 : memref<128x64xf32, #tpu.memory_space<vmem>>) target_semaphore(%arg30 : memref<!tpu.dma_semaphore, #tpu.memory_space<semaphore_mem>>)
    %dma_wait3A = arith.constant 0 : i32
    %dma_wait3A_93 = arith.constant 0 : i32
    %dma_wait3A_94 = arith.constant 0 : i32
    %dma_wait3A_95 = tpu.memref_slice %arg7[%dma_wait3A, %dma_wait3A_93, %dma_wait3A_94] : memref<8x128x64xf32, #tpu.memory_space<vmem>> -> memref<1x128x64xf32, #tpu.memory_space<vmem>>
    %dma_wait3A_96 = tpu.memref_squeeze %dma_wait3A_95 : memref<1x128x64xf32, #tpu.memory_space<vmem>> -> memref<128x64xf32, #tpu.memory_space<vmem>>
    %dma_wait3A_97 = arith.constant 0 : i32
    %dma_wait3A_98 = tpu.memref_slice %arg4[%mul3A_2, %dma_wait3A_97] : memref<4096x64xf32, #tpu.memory_space<hbm>> -> memref<128x64xf32, #tpu.memory_space<hbm>>
    %dma_wait3A_99 = arith.constant 0 : i32
    %dma_wait3A_100 = arith.constant 0 : i32
    %dma_wait3A_101 = tpu.memref_slice %arg7[%dma_wait3A, %dma_wait3A_99, %dma_wait3A_100] : memref<8x128x64xf32, #tpu.memory_space<vmem>> -> memref<1x128x64xf32, #tpu.memory_space<vmem>>
    %dma_wait3A_102 = tpu.memref_squeeze %dma_wait3A_101 : memref<1x128x64xf32, #tpu.memory_space<vmem>> -> memref<128x64xf32, #tpu.memory_space<vmem>>
    %dma_wait3A_103 = arith.constant 0 : i32
    %dma_wait3A_104 = tpu.memref_slice %arg4[%mul3A_2, %dma_wait3A_103] : memref<4096x64xf32, #tpu.memory_space<hbm>> -> memref<128x64xf32, #tpu.memory_space<hbm>>
    tpu.wait_dma2 semaphore(%arg24 : memref<!tpu.dma_semaphore, #tpu.memory_space<semaphore_mem>>) src(%dma_wait3A_104 : memref<128x64xf32, #tpu.memory_space<hbm>>) dst(%dma_wait3A_102 : memref<128x64xf32, #tpu.memory_space<vmem>>)
    %dma_start3A_105 = arith.constant 0 : i32
    %dma_start3A_106 = arith.constant 0 : i32
    %dma_start3A_107 = arith.constant 0 : i32
    %dma_start3A_108 = arith.constant 0 : i32
    %dma_start3A_109 = arith.constant 0 : i32
    %dma_start3A_110 = tpu.memref_slice %arg7[%dma_start3A_107, %dma_start3A_108, %dma_start3A_109] : memref<8x128x64xf32, #tpu.memory_space<vmem>> -> memref<1x128x64xf32, #tpu.memory_space<vmem>>
    %dma_start3A_111 = tpu.memref_squeeze %dma_start3A_110 : memref<1x128x64xf32, #tpu.memory_space<vmem>> -> memref<128x64xf32, #tpu.memory_space<vmem>>
    %dma_start3A_112 = arith.constant 0 : i32
    %dma_start3A_113 = tpu.memref_slice %arg6[%dma_start3A_105, %dma_start3A_106, %dma_start3A_112] : memref<8x8x128xi32, #tpu.memory_space<vmem>> -> memref<1x1x128xi32, #tpu.memory_space<vmem>>
    %dma_start3A_114 = tpu.memref_squeeze %dma_start3A_113 : memref<1x1x128xi32, #tpu.memory_space<vmem>> -> memref<128xi32, #tpu.memory_space<vmem>>
    %dma_start3A_115 = arith.constant 0 : i32
    %dma_start3A_116 = arith.constant 0 : i32
    %dma_start3A_117 = tpu.memref_slice %arg3[%dma_start3A_115, %dma_start3A_116] : memref<100000x64xf32, #tpu.memory_space<hbm>> -> memref<100000x64xf32, #tpu.memory_space<hbm>>
    tpu.enqueue_indirect_dma source(%dma_start3A_117 : memref<100000x64xf32, #tpu.memory_space<hbm>>) target(%dma_start3A_111 : memref<128x64xf32, #tpu.memory_space<vmem>>) offsets(%dma_start3A_114 : memref<128xi32, #tpu.memory_space<vmem>>) semaphore(%arg8 : memref<!tpu.dma_semaphore, #tpu.memory_space<semaphore_mem>>) {add = true}
    %dma_wait3A_118 = arith.constant 1 : i32
    %dma_wait3A_119 = arith.constant 0 : i32
    %dma_wait3A_120 = arith.constant 0 : i32
    %dma_wait3A_121 = tpu.memref_slice %arg7[%dma_wait3A_118, %dma_wait3A_119, %dma_wait3A_120] : memref<8x128x64xf32, #tpu.memory_space<vmem>> -> memref<1x128x64xf32, #tpu.memory_space<vmem>>
    %dma_wait3A_122 = tpu.memref_squeeze %dma_wait3A_121 : memref<1x128x64xf32, #tpu.memory_space<vmem>> -> memref<128x64xf32, #tpu.memory_space<vmem>>
    %dma_wait3A_123 = arith.constant 0 : i32
    %dma_wait3A_124 = tpu.memref_slice %arg4[%mul3A_2, %dma_wait3A_123] : memref<4096x64xf32, #tpu.memory_space<hbm>> -> memref<128x64xf32, #tpu.memory_space<hbm>>
    %dma_wait3A_125 = arith.constant 0 : i32
    %dma_wait3A_126 = arith.constant 0 : i32
    %dma_wait3A_127 = tpu.memref_slice %arg7[%dma_wait3A_118, %dma_wait3A_125, %dma_wait3A_126] : memref<8x128x64xf32, #tpu.memory_space<vmem>> -> memref<1x128x64xf32, #tpu.memory_space<vmem>>
    %dma_wait3A_128 = tpu.memref_squeeze %dma_wait3A_127 : memref<1x128x64xf32, #tpu.memory_space<vmem>> -> memref<128x64xf32, #tpu.memory_space<vmem>>
    %dma_wait3A_129 = arith.constant 0 : i32
    %dma_wait3A_130 = tpu.memref_slice %arg4[%mul3A_2, %dma_wait3A_129] : memref<4096x64xf32, #tpu.memory_space<hbm>> -> memref<128x64xf32, #tpu.memory_space<hbm>>
    tpu.wait_dma2 semaphore(%arg25 : memref<!tpu.dma_semaphore, #tpu.memory_space<semaphore_mem>>) src(%dma_wait3A_130 : memref<128x64xf32, #tpu.memory_space<hbm>>) dst(%dma_wait3A_128 : memref<128x64xf32, #tpu.memory_space<vmem>>)
    %dma_start3A_131 = arith.constant 0 : i32
    %dma_start3A_132 = arith.constant 1 : i32
    %dma_start3A_133 = arith.constant 1 : i32
    %dma_start3A_134 = arith.constant 0 : i32
    %dma_start3A_135 = arith.constant 0 : i32
    %dma_start3A_136 = tpu.memref_slice %arg7[%dma_start3A_133, %dma_start3A_134, %dma_start3A_135] : memref<8x128x64xf32, #tpu.memory_space<vmem>> -> memref<1x128x64xf32, #tpu.memory_space<vmem>>
    %dma_start3A_137 = tpu.memref_squeeze %dma_start3A_136 : memref<1x128x64xf32, #tpu.memory_space<vmem>> -> memref<128x64xf32, #tpu.memory_space<vmem>>
    %dma_start3A_138 = arith.constant 0 : i32
    %dma_start3A_139 = tpu.memref_slice %arg6[%dma_start3A_131, %dma_start3A_132, %dma_start3A_138] : memref<8x8x128xi32, #tpu.memory_space<vmem>> -> memref<1x1x128xi32, #tpu.memory_space<vmem>>
    %dma_start3A_140 = tpu.memref_squeeze %dma_start3A_139 : memref<1x1x128xi32, #tpu.memory_space<vmem>> -> memref<128xi32, #tpu.memory_space<vmem>>
    %dma_start3A_141 = arith.constant 0 : i32
    %dma_start3A_142 = arith.constant 0 : i32
    %dma_start3A_143 = tpu.memref_slice %arg3[%dma_start3A_141, %dma_start3A_142] : memref<100000x64xf32, #tpu.memory_space<hbm>> -> memref<100000x64xf32, #tpu.memory_space<hbm>>
    tpu.enqueue_indirect_dma source(%dma_start3A_143 : memref<100000x64xf32, #tpu.memory_space<hbm>>) target(%dma_start3A_137 : memref<128x64xf32, #tpu.memory_space<vmem>>) offsets(%dma_start3A_140 : memref<128xi32, #tpu.memory_space<vmem>>) semaphore(%arg9 : memref<!tpu.dma_semaphore, #tpu.memory_space<semaphore_mem>>) {add = true}
    %dma_wait3A_144 = arith.constant 2 : i32
    %dma_wait3A_145 = arith.constant 0 : i32
    %dma_wait3A_146 = arith.constant 0 : i32
    %dma_wait3A_147 = tpu.memref_slice %arg7[%dma_wait3A_144, %dma_wait3A_145, %dma_wait3A_146] : memref<8x128x64xf32, #tpu.memory_space<vmem>> -> memref<1x128x64xf32, #tpu.memory_space<vmem>>
    %dma_wait3A_148 = tpu.memref_squeeze %dma_wait3A_147 : memref<1x128x64xf32, #tpu.memory_space<vmem>> -> memref<128x64xf32, #tpu.memory_space<vmem>>
    %dma_wait3A_149 = arith.constant 0 : i32
    %dma_wait3A_150 = tpu.memref_slice %arg4[%mul3A_2, %dma_wait3A_149] : memref<4096x64xf32, #tpu.memory_space<hbm>> -> memref<128x64xf32, #tpu.memory_space<hbm>>
    %dma_wait3A_151 = arith.constant 0 : i32
    %dma_wait3A_152 = arith.constant 0 : i32
    %dma_wait3A_153 = tpu.memref_slice %arg7[%dma_wait3A_144, %dma_wait3A_151, %dma_wait3A_152] : memref<8x128x64xf32, #tpu.memory_space<vmem>> -> memref<1x128x64xf32, #tpu.memory_space<vmem>>
    %dma_wait3A_154 = tpu.memref_squeeze %dma_wait3A_153 : memref<1x128x64xf32, #tpu.memory_space<vmem>> -> memref<128x64xf32, #tpu.memory_space<vmem>>
    %dma_wait3A_155 = arith.constant 0 : i32
    %dma_wait3A_156 = tpu.memref_slice %arg4[%mul3A_2, %dma_wait3A_155] : memref<4096x64xf32, #tpu.memory_space<hbm>> -> memref<128x64xf32, #tpu.memory_space<hbm>>
    tpu.wait_dma2 semaphore(%arg26 : memref<!tpu.dma_semaphore, #tpu.memory_space<semaphore_mem>>) src(%dma_wait3A_156 : memref<128x64xf32, #tpu.memory_space<hbm>>) dst(%dma_wait3A_154 : memref<128x64xf32, #tpu.memory_space<vmem>>)
    %dma_start3A_157 = arith.constant 0 : i32
    %dma_start3A_158 = arith.constant 2 : i32
    %dma_start3A_159 = arith.constant 2 : i32
    %dma_start3A_160 = arith.constant 0 : i32
    %dma_start3A_161 = arith.constant 0 : i32
    %dma_start3A_162 = tpu.memref_slice %arg7[%dma_start3A_159, %dma_start3A_160, %dma_start3A_161] : memref<8x128x64xf32, #tpu.memory_space<vmem>> -> memref<1x128x64xf32, #tpu.memory_space<vmem>>
    %dma_start3A_163 = tpu.memref_squeeze %dma_start3A_162 : memref<1x128x64xf32, #tpu.memory_space<vmem>> -> memref<128x64xf32, #tpu.memory_space<vmem>>
    %dma_start3A_164 = arith.constant 0 : i32
    %dma_start3A_165 = tpu.memref_slice %arg6[%dma_start3A_157, %dma_start3A_158, %dma_start3A_164] : memref<8x8x128xi32, #tpu.memory_space<vmem>> -> memref<1x1x128xi32, #tpu.memory_space<vmem>>
    %dma_start3A_166 = tpu.memref_squeeze %dma_start3A_165 : memref<1x1x128xi32, #tpu.memory_space<vmem>> -> memref<128xi32, #tpu.memory_space<vmem>>
    %dma_start3A_167 = arith.constant 0 : i32
    %dma_start3A_168 = arith.constant 0 : i32
    %dma_start3A_169 = tpu.memref_slice %arg3[%dma_start3A_167, %dma_start3A_168] : memref<100000x64xf32, #tpu.memory_space<hbm>> -> memref<100000x64xf32, #tpu.memory_space<hbm>>
    tpu.enqueue_indirect_dma source(%dma_start3A_169 : memref<100000x64xf32, #tpu.memory_space<hbm>>) target(%dma_start3A_163 : memref<128x64xf32, #tpu.memory_space<vmem>>) offsets(%dma_start3A_166 : memref<128xi32, #tpu.memory_space<vmem>>) semaphore(%arg10 : memref<!tpu.dma_semaphore, #tpu.memory_space<semaphore_mem>>) {add = true}
    %dma_wait3A_170 = arith.constant 3 : i32
    %dma_wait3A_171 = arith.constant 0 : i32
    %dma_wait3A_172 = arith.constant 0 : i32
    %dma_wait3A_173 = tpu.memref_slice %arg7[%dma_wait3A_170, %dma_wait3A_171, %dma_wait3A_172] : memref<8x128x64xf32, #tpu.memory_space<vmem>> -> memref<1x128x64xf32, #tpu.memory_space<vmem>>
    %dma_wait3A_174 = tpu.memref_squeeze %dma_wait3A_173 : memref<1x128x64xf32, #tpu.memory_space<vmem>> -> memref<128x64xf32, #tpu.memory_space<vmem>>
    %dma_wait3A_175 = arith.constant 0 : i32
    %dma_wait3A_176 = tpu.memref_slice %arg4[%mul3A_2, %dma_wait3A_175] : memref<4096x64xf32, #tpu.memory_space<hbm>> -> memref<128x64xf32, #tpu.memory_space<hbm>>
    %dma_wait3A_177 = arith.constant 0 : i32
    %dma_wait3A_178 = arith.constant 0 : i32
    %dma_wait3A_179 = tpu.memref_slice %arg7[%dma_wait3A_170, %dma_wait3A_177, %dma_wait3A_178] : memref<8x128x64xf32, #tpu.memory_space<vmem>> -> memref<1x128x64xf32, #tpu.memory_space<vmem>>
    %dma_wait3A_180 = tpu.memref_squeeze %dma_wait3A_179 : memref<1x128x64xf32, #tpu.memory_space<vmem>> -> memref<128x64xf32, #tpu.memory_space<vmem>>
    %dma_wait3A_181 = arith.constant 0 : i32
    %dma_wait3A_182 = tpu.memref_slice %arg4[%mul3A_2, %dma_wait3A_181] : memref<4096x64xf32, #tpu.memory_space<hbm>> -> memref<128x64xf32, #tpu.memory_space<hbm>>
    tpu.wait_dma2 semaphore(%arg27 : memref<!tpu.dma_semaphore, #tpu.memory_space<semaphore_mem>>) src(%dma_wait3A_182 : memref<128x64xf32, #tpu.memory_space<hbm>>) dst(%dma_wait3A_180 : memref<128x64xf32, #tpu.memory_space<vmem>>)
    %dma_start3A_183 = arith.constant 0 : i32
    %dma_start3A_184 = arith.constant 3 : i32
    %dma_start3A_185 = arith.constant 3 : i32
    %dma_start3A_186 = arith.constant 0 : i32
    %dma_start3A_187 = arith.constant 0 : i32
    %dma_start3A_188 = tpu.memref_slice %arg7[%dma_start3A_185, %dma_start3A_186, %dma_start3A_187] : memref<8x128x64xf32, #tpu.memory_space<vmem>> -> memref<1x128x64xf32, #tpu.memory_space<vmem>>
    %dma_start3A_189 = tpu.memref_squeeze %dma_start3A_188 : memref<1x128x64xf32, #tpu.memory_space<vmem>> -> memref<128x64xf32, #tpu.memory_space<vmem>>
    %dma_start3A_190 = arith.constant 0 : i32
    %dma_start3A_191 = tpu.memref_slice %arg6[%dma_start3A_183, %dma_start3A_184, %dma_start3A_190] : memref<8x8x128xi32, #tpu.memory_space<vmem>> -> memref<1x1x128xi32, #tpu.memory_space<vmem>>
    %dma_start3A_192 = tpu.memref_squeeze %dma_start3A_191 : memref<1x1x128xi32, #tpu.memory_space<vmem>> -> memref<128xi32, #tpu.memory_space<vmem>>
    %dma_start3A_193 = arith.constant 0 : i32
    %dma_start3A_194 = arith.constant 0 : i32
    %dma_start3A_195 = tpu.memref_slice %arg3[%dma_start3A_193, %dma_start3A_194] : memref<100000x64xf32, #tpu.memory_space<hbm>> -> memref<100000x64xf32, #tpu.memory_space<hbm>>
    tpu.enqueue_indirect_dma source(%dma_start3A_195 : memref<100000x64xf32, #tpu.memory_space<hbm>>) target(%dma_start3A_189 : memref<128x64xf32, #tpu.memory_space<vmem>>) offsets(%dma_start3A_192 : memref<128xi32, #tpu.memory_space<vmem>>) semaphore(%arg11 : memref<!tpu.dma_semaphore, #tpu.memory_space<semaphore_mem>>) {add = true}
    %dma_wait3A_196 = arith.constant 4 : i32
    %dma_wait3A_197 = arith.constant 0 : i32
    %dma_wait3A_198 = arith.constant 0 : i32
    %dma_wait3A_199 = tpu.memref_slice %arg7[%dma_wait3A_196, %dma_wait3A_197, %dma_wait3A_198] : memref<8x128x64xf32, #tpu.memory_space<vmem>> -> memref<1x128x64xf32, #tpu.memory_space<vmem>>
    %dma_wait3A_200 = tpu.memref_squeeze %dma_wait3A_199 : memref<1x128x64xf32, #tpu.memory_space<vmem>> -> memref<128x64xf32, #tpu.memory_space<vmem>>
    %dma_wait3A_201 = arith.constant 0 : i32
    %dma_wait3A_202 = tpu.memref_slice %arg4[%mul3A_2, %dma_wait3A_201] : memref<4096x64xf32, #tpu.memory_space<hbm>> -> memref<128x64xf32, #tpu.memory_space<hbm>>
    %dma_wait3A_203 = arith.constant 0 : i32
    %dma_wait3A_204 = arith.constant 0 : i32
    %dma_wait3A_205 = tpu.memref_slice %arg7[%dma_wait3A_196, %dma_wait3A_203, %dma_wait3A_204] : memref<8x128x64xf32, #tpu.memory_space<vmem>> -> memref<1x128x64xf32, #tpu.memory_space<vmem>>
    %dma_wait3A_206 = tpu.memref_squeeze %dma_wait3A_205 : memref<1x128x64xf32, #tpu.memory_space<vmem>> -> memref<128x64xf32, #tpu.memory_space<vmem>>
    %dma_wait3A_207 = arith.constant 0 : i32
    %dma_wait3A_208 = tpu.memref_slice %arg4[%mul3A_2, %dma_wait3A_207] : memref<4096x64xf32, #tpu.memory_space<hbm>> -> memref<128x64xf32, #tpu.memory_space<hbm>>
    tpu.wait_dma2 semaphore(%arg28 : memref<!tpu.dma_semaphore, #tpu.memory_space<semaphore_mem>>) src(%dma_wait3A_208 : memref<128x64xf32, #tpu.memory_space<hbm>>) dst(%dma_wait3A_206 : memref<128x64xf32, #tpu.memory_space<vmem>>)
    %dma_start3A_209 = arith.constant 0 : i32
    %dma_start3A_210 = arith.constant 4 : i32
    %dma_start3A_211 = arith.constant 4 : i32
    %dma_start3A_212 = arith.constant 0 : i32
    %dma_start3A_213 = arith.constant 0 : i32
    %dma_start3A_214 = tpu.memref_slice %arg7[%dma_start3A_211, %dma_start3A_212, %dma_start3A_213] : memref<8x128x64xf32, #tpu.memory_space<vmem>> -> memref<1x128x64xf32, #tpu.memory_space<vmem>>
    %dma_start3A_215 = tpu.memref_squeeze %dma_start3A_214 : memref<1x128x64xf32, #tpu.memory_space<vmem>> -> memref<128x64xf32, #tpu.memory_space<vmem>>
    %dma_start3A_216 = arith.constant 0 : i32
    %dma_start3A_217 = tpu.memref_slice %arg6[%dma_start3A_209, %dma_start3A_210, %dma_start3A_216] : memref<8x8x128xi32, #tpu.memory_space<vmem>> -> memref<1x1x128xi32, #tpu.memory_space<vmem>>
    %dma_start3A_218 = tpu.memref_squeeze %dma_start3A_217 : memref<1x1x128xi32, #tpu.memory_space<vmem>> -> memref<128xi32, #tpu.memory_space<vmem>>
    %dma_start3A_219 = arith.constant 0 : i32
    %dma_start3A_220 = arith.constant 0 : i32
    %dma_start3A_221 = tpu.memref_slice %arg3[%dma_start3A_219, %dma_start3A_220] : memref<100000x64xf32, #tpu.memory_space<hbm>> -> memref<100000x64xf32, #tpu.memory_space<hbm>>
    tpu.enqueue_indirect_dma source(%dma_start3A_221 : memref<100000x64xf32, #tpu.memory_space<hbm>>) target(%dma_start3A_215 : memref<128x64xf32, #tpu.memory_space<vmem>>) offsets(%dma_start3A_218 : memref<128xi32, #tpu.memory_space<vmem>>) semaphore(%arg12 : memref<!tpu.dma_semaphore, #tpu.memory_space<semaphore_mem>>) {add = true}
    %dma_wait3A_222 = arith.constant 5 : i32
    %dma_wait3A_223 = arith.constant 0 : i32
    %dma_wait3A_224 = arith.constant 0 : i32
    %dma_wait3A_225 = tpu.memref_slice %arg7[%dma_wait3A_222, %dma_wait3A_223, %dma_wait3A_224] : memref<8x128x64xf32, #tpu.memory_space<vmem>> -> memref<1x128x64xf32, #tpu.memory_space<vmem>>
    %dma_wait3A_226 = tpu.memref_squeeze %dma_wait3A_225 : memref<1x128x64xf32, #tpu.memory_space<vmem>> -> memref<128x64xf32, #tpu.memory_space<vmem>>
    %dma_wait3A_227 = arith.constant 0 : i32
    %dma_wait3A_228 = tpu.memref_slice %arg4[%mul3A_2, %dma_wait3A_227] : memref<4096x64xf32, #tpu.memory_space<hbm>> -> memref<128x64xf32, #tpu.memory_space<hbm>>
    %dma_wait3A_229 = arith.constant 0 : i32
    %dma_wait3A_230 = arith.constant 0 : i32
    %dma_wait3A_231 = tpu.memref_slice %arg7[%dma_wait3A_222, %dma_wait3A_229, %dma_wait3A_230] : memref<8x128x64xf32, #tpu.memory_space<vmem>> -> memref<1x128x64xf32, #tpu.memory_space<vmem>>
    %dma_wait3A_232 = tpu.memref_squeeze %dma_wait3A_231 : memref<1x128x64xf32, #tpu.memory_space<vmem>> -> memref<128x64xf32, #tpu.memory_space<vmem>>
    %dma_wait3A_233 = arith.constant 0 : i32
    %dma_wait3A_234 = tpu.memref_slice %arg4[%mul3A_2, %dma_wait3A_233] : memref<4096x64xf32, #tpu.memory_space<hbm>> -> memref<128x64xf32, #tpu.memory_space<hbm>>
    tpu.wait_dma2 semaphore(%arg29 : memref<!tpu.dma_semaphore, #tpu.memory_space<semaphore_mem>>) src(%dma_wait3A_234 : memref<128x64xf32, #tpu.memory_space<hbm>>) dst(%dma_wait3A_232 : memref<128x64xf32, #tpu.memory_space<vmem>>)
    %dma_start3A_235 = arith.constant 0 : i32
    %dma_start3A_236 = arith.constant 5 : i32
    %dma_start3A_237 = arith.constant 5 : i32
    %dma_start3A_238 = arith.constant 0 : i32
    %dma_start3A_239 = arith.constant 0 : i32
    %dma_start3A_240 = tpu.memref_slice %arg7[%dma_start3A_237, %dma_start3A_238, %dma_start3A_239] : memref<8x128x64xf32, #tpu.memory_space<vmem>> -> memref<1x128x64xf32, #tpu.memory_space<vmem>>
    %dma_start3A_241 = tpu.memref_squeeze %dma_start3A_240 : memref<1x128x64xf32, #tpu.memory_space<vmem>> -> memref<128x64xf32, #tpu.memory_space<vmem>>
    %dma_start3A_242 = arith.constant 0 : i32
    %dma_start3A_243 = tpu.memref_slice %arg6[%dma_start3A_235, %dma_start3A_236, %dma_start3A_242] : memref<8x8x128xi32, #tpu.memory_space<vmem>> -> memref<1x1x128xi32, #tpu.memory_space<vmem>>
    %dma_start3A_244 = tpu.memref_squeeze %dma_start3A_243 : memref<1x1x128xi32, #tpu.memory_space<vmem>> -> memref<128xi32, #tpu.memory_space<vmem>>
    %dma_start3A_245 = arith.constant 0 : i32
    %dma_start3A_246 = arith.constant 0 : i32
    %dma_start3A_247 = tpu.memref_slice %arg3[%dma_start3A_245, %dma_start3A_246] : memref<100000x64xf32, #tpu.memory_space<hbm>> -> memref<100000x64xf32, #tpu.memory_space<hbm>>
    tpu.enqueue_indirect_dma source(%dma_start3A_247 : memref<100000x64xf32, #tpu.memory_space<hbm>>) target(%dma_start3A_241 : memref<128x64xf32, #tpu.memory_space<vmem>>) offsets(%dma_start3A_244 : memref<128xi32, #tpu.memory_space<vmem>>) semaphore(%arg13 : memref<!tpu.dma_semaphore, #tpu.memory_space<semaphore_mem>>) {add = true}
    %scan3A = arith.constant 0 : i32
    %scan3A_248 = arith.constant 8 : i32
    %scan3A_249 = arith.addi %scan3A, %scan3A_248 : i32
    %scan3A_250 = arith.constant 1 : i32
    scf.for %scan3A_380 = %scan3A to %scan3A_249 step %scan3A_250  : i32 {
      %mul3A_381 = arith.constant 8 : i32
      %mul3A_382 = arith.muli %scan3A_380, %mul3A_381 : i32
      %add3A_383 = arith.constant 0 : i32
      %add3A_384 = arith.addi %add3A_383, %mul3A_382 : i32
      %add3A_385 = arith.constant 0 : i32
      %add3A_386 = arith.addi %add3A_384, %add3A_385 : i32
      %jit3A = arith.constant 8 : i32
      %div3A = arith.divsi %add3A_386, %jit3A : i32
      %sign3A = arith.constant 0 : i32
      %sign3A_387 = arith.cmpi sgt, %add3A_386, %sign3A : i32
      %sign3A_388 = arith.extui %sign3A_387 : i1 to i32
      %sign3A_389 = arith.constant 0 : i32
      %sign3A_390 = arith.cmpi slt, %add3A_386, %sign3A_389 : i32
      %sign3A_391 = arith.extui %sign3A_390 : i1 to i32
      %sign3A_392 = arith.subi %sign3A_388, %sign3A_391 : i32
      %sign3A_393 = arith.constant 0 : i32
      %sign3A_394 = arith.cmpi sgt, %jit3A, %sign3A_393 : i32
      %sign3A_395 = arith.extui %sign3A_394 : i1 to i32
      %sign3A_396 = arith.constant 0 : i32
      %sign3A_397 = arith.cmpi slt, %jit3A, %sign3A_396 : i32
      %sign3A_398 = arith.extui %sign3A_397 : i1 to i32
      %sign3A_399 = arith.subi %sign3A_395, %sign3A_398 : i32
      %ne3A = arith.cmpi ne, %sign3A_392, %sign3A_399 : i32
      %rem3A = arith.remsi %add3A_386, %jit3A : i32
      %ne3A_400 = arith.constant 0 : i32
      %ne3A_401 = arith.cmpi ne, %rem3A, %ne3A_400 : i32
      %and3A = arith.andi %ne3A, %ne3A_401 : i1
      %sub3A = arith.constant 1 : i32
      %sub3A_402 = arith.subi %div3A, %sub3A : i32
      %select_n3A = arith.select %and3A, %sub3A_402, %div3A : i32
      %jit3A_403 = arith.constant 8 : i32
      %eq3A = arith.constant 0 : i32
      %eq3A_404 = arith.cmpi eq, %jit3A_403, %eq3A : i32
      %jit3A_405 = arith.constant 1 : i32
      %select_n3A_406 = arith.select %eq3A_404, %jit3A_405, %jit3A_403 : i32
      %rem3A_407 = arith.remsi %add3A_386, %select_n3A_406 : i32
      %ne3A_408 = arith.constant 0 : i32
      %ne3A_409 = arith.cmpi ne, %rem3A_407, %ne3A_408 : i32
      %lt3A = arith.constant 0 : i32
      %lt3A_410 = arith.cmpi slt, %rem3A_407, %lt3A : i32
      %lt3A_411 = arith.constant 0 : i32
      %lt3A_412 = arith.cmpi slt, %select_n3A_406, %lt3A_411 : i32
      %ne3A_413 = arith.xori %lt3A_410, %lt3A_412 : i1
      %and3A_414 = arith.andi %ne3A_413, %ne3A_409 : i1
      %add3A_415 = arith.addi %rem3A_407, %select_n3A_406 : i32
      %select_n3A_416 = arith.select %and3A_414, %add3A_415, %rem3A_407 : i32
      %dma_wait3A_417 = arith.constant 0 : i32
      %dma_wait3A_418 = arith.constant 0 : i32
      %dma_wait3A_419 = arith.constant 0 : i32
      %dma_wait3A_420 = tpu.memref_slice %arg7[%dma_wait3A_417, %dma_wait3A_418, %dma_wait3A_419] : memref<8x128x64xf32, #tpu.memory_space<vmem>> -> memref<1x128x64xf32, #tpu.memory_space<vmem>>
      %dma_wait3A_421 = tpu.memref_squeeze %dma_wait3A_420 : memref<1x128x64xf32, #tpu.memory_space<vmem>> -> memref<128x64xf32, #tpu.memory_space<vmem>>
      %dma_wait3A_422 = arith.constant 0 : i32
      %dma_wait3A_423 = tpu.memref_slice %arg6[%select_n3A, %select_n3A_416, %dma_wait3A_422] : memref<8x8x128xi32, #tpu.memory_space<vmem>> -> memref<1x1x128xi32, #tpu.memory_space<vmem>>
      %dma_wait3A_424 = tpu.memref_squeeze %dma_wait3A_423 : memref<1x1x128xi32, #tpu.memory_space<vmem>> -> memref<128xi32, #tpu.memory_space<vmem>>
      %dma_wait3A_425 = arith.constant 0 : i32
      %dma_wait3A_426 = arith.constant 0 : i32
      %dma_wait3A_427 = tpu.memref_slice %arg3[%dma_wait3A_425, %dma_wait3A_426] : memref<100000x64xf32, #tpu.memory_space<hbm>> -> memref<100000x64xf32, #tpu.memory_space<hbm>>
      tpu.wait_indirect_dma semaphore(%arg8 : memref<!tpu.dma_semaphore, #tpu.memory_space<semaphore_mem>>) src(%dma_wait3A_427 : memref<100000x64xf32, #tpu.memory_space<hbm>>) dst(%dma_wait3A_421 : memref<128x64xf32, #tpu.memory_space<vmem>>)
      %dma_start3A_428 = arith.constant 0 : i32
      %dma_start3A_429 = arith.constant 0 : i32
      %dma_start3A_430 = arith.constant 0 : i32
      %dma_start3A_431 = tpu.memref_slice %arg7[%dma_start3A_428, %dma_start3A_429, %dma_start3A_430] : memref<8x128x64xf32, #tpu.memory_space<vmem>> -> memref<1x128x64xf32, #tpu.memory_space<vmem>>
      %dma_start3A_432 = tpu.memref_squeeze %dma_start3A_431 : memref<1x128x64xf32, #tpu.memory_space<vmem>> -> memref<128x64xf32, #tpu.memory_space<vmem>>
      %dma_start3A_433 = arith.constant 0 : i32
      %dma_start3A_434 = tpu.memref_slice %arg5[%add3A_386, %mul3A_2, %dma_start3A_433] : memref<64x4096x128xf32, #tpu.memory_space<hbm>> -> memref<1x128x64xf32, #tpu.memory_space<hbm>>
      %dma_start3A_435 = tpu.memref_squeeze %dma_start3A_434 : memref<1x128x64xf32, #tpu.memory_space<hbm>> -> memref<128x64xf32, #tpu.memory_space<hbm>>
      %dma_start3A_436 = arith.constant 0 : i32
      %dma_start3A_437 = tpu.memref_slice %arg5[%add3A_386, %mul3A_2, %dma_start3A_436] : memref<64x4096x128xf32, #tpu.memory_space<hbm>> -> memref<1x128x64xf32, #tpu.memory_space<hbm>>
      %dma_start3A_438 = tpu.memref_squeeze %dma_start3A_437 : memref<1x128x64xf32, #tpu.memory_space<hbm>> -> memref<128x64xf32, #tpu.memory_space<hbm>>
      %dma_start3A_439 = arith.constant 0 : i32
      %dma_start3A_440 = arith.constant 0 : i32
      %dma_start3A_441 = tpu.memref_slice %arg7[%dma_start3A_428, %dma_start3A_439, %dma_start3A_440] : memref<8x128x64xf32, #tpu.memory_space<vmem>> -> memref<1x128x64xf32, #tpu.memory_space<vmem>>
      %dma_start3A_442 = tpu.memref_squeeze %dma_start3A_441 : memref<1x128x64xf32, #tpu.memory_space<vmem>> -> memref<128x64xf32, #tpu.memory_space<vmem>>
      tpu.enqueue_dma source(%dma_start3A_442 : memref<128x64xf32, #tpu.memory_space<vmem>>) target(%dma_start3A_438 : memref<128x64xf32, #tpu.memory_space<hbm>>) target_semaphore(%arg16 : memref<!tpu.dma_semaphore, #tpu.memory_space<semaphore_mem>>)
      %add3A_443 = arith.constant 8 : i32
      %add3A_444 = arith.addi %add3A_386, %add3A_443 : i32
      %sub3A_445 = arith.constant 1 : i32
      %sub3A_446 = arith.subi %add3A_444, %sub3A_445 : i32
      %lt3A_447 = arith.constant 64 : i32
      %lt3A_448 = arith.cmpi slt, %sub3A_446, %lt3A_447 : i32
      %convert_element_type3A = arith.extui %lt3A_448 : i1 to i32
      %cond3A = arith.constant 0 : i32
      %cond3A_449 = arith.cmpi ne, %convert_element_type3A, %cond3A : i32
      scf.if %cond3A_449 {
        %ge3A_1084 = arith.constant 8 : i32
        %ge3A_1085 = arith.cmpi sge, %sub3A_446, %ge3A_1084 : i32
        %convert_element_type3A_1086 = arith.extui %ge3A_1085 : i1 to i32
        %cond3A_1087 = arith.constant 0 : i32
        %cond3A_1088 = arith.cmpi ne, %convert_element_type3A_1086, %cond3A_1087 : i32
        scf.if %cond3A_1088 {
          %sub3A_1102 = arith.constant 8 : i32
          %sub3A_1103 = arith.subi %sub3A_446, %sub3A_1102 : i32
          %dma_wait3A_1104 = arith.constant 7 : i32
          %dma_wait3A_1105 = arith.constant 0 : i32
          %dma_wait3A_1106 = arith.constant 0 : i32
          %dma_wait3A_1107 = tpu.memref_slice %arg7[%dma_wait3A_1104, %dma_wait3A_1105, %dma_wait3A_1106] : memref<8x128x64xf32, #tpu.memory_space<vmem>> -> memref<1x128x64xf32, #tpu.memory_space<vmem>>
          %dma_wait3A_1108 = tpu.memref_squeeze %dma_wait3A_1107 : memref<1x128x64xf32, #tpu.memory_space<vmem>> -> memref<128x64xf32, #tpu.memory_space<vmem>>
          %dma_wait3A_1109 = arith.constant 0 : i32
          %dma_wait3A_1110 = tpu.memref_slice %arg5[%sub3A_1103, %mul3A_2, %dma_wait3A_1109] : memref<64x4096x128xf32, #tpu.memory_space<hbm>> -> memref<1x128x64xf32, #tpu.memory_space<hbm>>
          %dma_wait3A_1111 = tpu.memref_squeeze %dma_wait3A_1110 : memref<1x128x64xf32, #tpu.memory_space<hbm>> -> memref<128x64xf32, #tpu.memory_space<hbm>>
          %dma_wait3A_1112 = arith.constant 0 : i32
          %dma_wait3A_1113 = tpu.memref_slice %arg5[%sub3A_1103, %mul3A_2, %dma_wait3A_1112] : memref<64x4096x128xf32, #tpu.memory_space<hbm>> -> memref<1x128x64xf32, #tpu.memory_space<hbm>>
          %dma_wait3A_1114 = tpu.memref_squeeze %dma_wait3A_1113 : memref<1x128x64xf32, #tpu.memory_space<hbm>> -> memref<128x64xf32, #tpu.memory_space<hbm>>
          %dma_wait3A_1115 = arith.constant 0 : i32
          %dma_wait3A_1116 = arith.constant 0 : i32
          %dma_wait3A_1117 = tpu.memref_slice %arg7[%dma_wait3A_1104, %dma_wait3A_1115, %dma_wait3A_1116] : memref<8x128x64xf32, #tpu.memory_space<vmem>> -> memref<1x128x64xf32, #tpu.memory_space<vmem>>
          %dma_wait3A_1118 = tpu.memref_squeeze %dma_wait3A_1117 : memref<1x128x64xf32, #tpu.memory_space<vmem>> -> memref<128x64xf32, #tpu.memory_space<vmem>>
          tpu.wait_dma2 semaphore(%arg23 : memref<!tpu.dma_semaphore, #tpu.memory_space<semaphore_mem>>) src(%dma_wait3A_1118 : memref<128x64xf32, #tpu.memory_space<vmem>>) dst(%dma_wait3A_1114 : memref<128x64xf32, #tpu.memory_space<hbm>>)
        } else {
        }
        %dma_start3A_1089 = arith.constant 7 : i32
        %dma_start3A_1090 = arith.constant 0 : i32
        %dma_start3A_1091 = arith.constant 0 : i32
        %dma_start3A_1092 = tpu.memref_slice %arg7[%dma_start3A_1089, %dma_start3A_1090, %dma_start3A_1091] : memref<8x128x64xf32, #tpu.memory_space<vmem>> -> memref<1x128x64xf32, #tpu.memory_space<vmem>>
        %dma_start3A_1093 = tpu.memref_squeeze %dma_start3A_1092 : memref<1x128x64xf32, #tpu.memory_space<vmem>> -> memref<128x64xf32, #tpu.memory_space<vmem>>
        %dma_start3A_1094 = arith.constant 0 : i32
        %dma_start3A_1095 = tpu.memref_slice %arg4[%mul3A_2, %dma_start3A_1094] : memref<4096x64xf32, #tpu.memory_space<hbm>> -> memref<128x64xf32, #tpu.memory_space<hbm>>
        %dma_start3A_1096 = arith.constant 0 : i32
        %dma_start3A_1097 = arith.constant 0 : i32
        %dma_start3A_1098 = tpu.memref_slice %arg7[%dma_start3A_1089, %dma_start3A_1096, %dma_start3A_1097] : memref<8x128x64xf32, #tpu.memory_space<vmem>> -> memref<1x128x64xf32, #tpu.memory_space<vmem>>
        %dma_start3A_1099 = tpu.memref_squeeze %dma_start3A_1098 : memref<1x128x64xf32, #tpu.memory_space<vmem>> -> memref<128x64xf32, #tpu.memory_space<vmem>>
        %dma_start3A_1100 = arith.constant 0 : i32
        %dma_start3A_1101 = tpu.memref_slice %arg4[%mul3A_2, %dma_start3A_1100] : memref<4096x64xf32, #tpu.memory_space<hbm>> -> memref<128x64xf32, #tpu.memory_space<hbm>>
        tpu.enqueue_dma source(%dma_start3A_1101 : memref<128x64xf32, #tpu.memory_space<hbm>>) target(%dma_start3A_1099 : memref<128x64xf32, #tpu.memory_space<vmem>>) target_semaphore(%arg31 : memref<!tpu.dma_semaphore, #tpu.memory_space<semaphore_mem>>)
      } else {
      }
      %add3A_450 = arith.constant 8 : i32
      %add3A_451 = arith.addi %add3A_386, %add3A_450 : i32
      %sub3A_452 = arith.constant 2 : i32
      %sub3A_453 = arith.subi %add3A_451, %sub3A_452 : i32
      %ge3A = arith.constant 6 : i32
      %ge3A_454 = arith.cmpi sge, %sub3A_453, %ge3A : i32
      %lt3A_455 = arith.constant 64 : i32
      %lt3A_456 = arith.cmpi slt, %sub3A_453, %lt3A_455 : i32
      %and3A_457 = arith.andi %ge3A_454, %lt3A_456 : i1
      %convert_element_type3A_458 = arith.extui %and3A_457 : i1 to i32
      %cond3A_459 = arith.constant 0 : i32
      %cond3A_460 = arith.cmpi ne, %convert_element_type3A_458, %cond3A_459 : i32
      scf.if %cond3A_460 {
        %dma_wait3A_1084 = arith.constant 6 : i32
        %dma_wait3A_1085 = arith.constant 0 : i32
        %dma_wait3A_1086 = arith.constant 0 : i32
        %dma_wait3A_1087 = tpu.memref_slice %arg7[%dma_wait3A_1084, %dma_wait3A_1085, %dma_wait3A_1086] : memref<8x128x64xf32, #tpu.memory_space<vmem>> -> memref<1x128x64xf32, #tpu.memory_space<vmem>>
        %dma_wait3A_1088 = tpu.memref_squeeze %dma_wait3A_1087 : memref<1x128x64xf32, #tpu.memory_space<vmem>> -> memref<128x64xf32, #tpu.memory_space<vmem>>
        %dma_wait3A_1089 = arith.constant 0 : i32
        %dma_wait3A_1090 = tpu.memref_slice %arg4[%mul3A_2, %dma_wait3A_1089] : memref<4096x64xf32, #tpu.memory_space<hbm>> -> memref<128x64xf32, #tpu.memory_space<hbm>>
        %dma_wait3A_1091 = arith.constant 0 : i32
        %dma_wait3A_1092 = arith.constant 0 : i32
        %dma_wait3A_1093 = tpu.memref_slice %arg7[%dma_wait3A_1084, %dma_wait3A_1091, %dma_wait3A_1092] : memref<8x128x64xf32, #tpu.memory_space<vmem>> -> memref<1x128x64xf32, #tpu.memory_space<vmem>>
        %dma_wait3A_1094 = tpu.memref_squeeze %dma_wait3A_1093 : memref<1x128x64xf32, #tpu.memory_space<vmem>> -> memref<128x64xf32, #tpu.memory_space<vmem>>
        %dma_wait3A_1095 = arith.constant 0 : i32
        %dma_wait3A_1096 = tpu.memref_slice %arg4[%mul3A_2, %dma_wait3A_1095] : memref<4096x64xf32, #tpu.memory_space<hbm>> -> memref<128x64xf32, #tpu.memory_space<hbm>>
        tpu.wait_dma2 semaphore(%arg30 : memref<!tpu.dma_semaphore, #tpu.memory_space<semaphore_mem>>) src(%dma_wait3A_1096 : memref<128x64xf32, #tpu.memory_space<hbm>>) dst(%dma_wait3A_1094 : memref<128x64xf32, #tpu.memory_space<vmem>>)
        %jit3A_1097 = arith.constant 8 : i32
        %div3A_1098 = arith.divsi %sub3A_453, %jit3A_1097 : i32
        %sign3A_1099 = arith.constant 0 : i32
        %sign3A_1100 = arith.cmpi sgt, %sub3A_453, %sign3A_1099 : i32
        %sign3A_1101 = arith.extui %sign3A_1100 : i1 to i32
        %sign3A_1102 = arith.constant 0 : i32
        %sign3A_1103 = arith.cmpi slt, %sub3A_453, %sign3A_1102 : i32
        %sign3A_1104 = arith.extui %sign3A_1103 : i1 to i32
        %sign3A_1105 = arith.subi %sign3A_1101, %sign3A_1104 : i32
        %sign3A_1106 = arith.constant 0 : i32
        %sign3A_1107 = arith.cmpi sgt, %jit3A_1097, %sign3A_1106 : i32
        %sign3A_1108 = arith.extui %sign3A_1107 : i1 to i32
        %sign3A_1109 = arith.constant 0 : i32
        %sign3A_1110 = arith.cmpi slt, %jit3A_1097, %sign3A_1109 : i32
        %sign3A_1111 = arith.extui %sign3A_1110 : i1 to i32
        %sign3A_1112 = arith.subi %sign3A_1108, %sign3A_1111 : i32
        %ne3A_1113 = arith.cmpi ne, %sign3A_1105, %sign3A_1112 : i32
        %rem3A_1114 = arith.remsi %sub3A_453, %jit3A_1097 : i32
        %ne3A_1115 = arith.constant 0 : i32
        %ne3A_1116 = arith.cmpi ne, %rem3A_1114, %ne3A_1115 : i32
        %and3A_1117 = arith.andi %ne3A_1113, %ne3A_1116 : i1
        %sub3A_1118 = arith.constant 1 : i32
        %sub3A_1119 = arith.subi %div3A_1098, %sub3A_1118 : i32
        %select_n3A_1120 = arith.select %and3A_1117, %sub3A_1119, %div3A_1098 : i32
        %jit3A_1121 = arith.constant 8 : i32
        %eq3A_1122 = arith.constant 0 : i32
        %eq3A_1123 = arith.cmpi eq, %jit3A_1121, %eq3A_1122 : i32
        %jit3A_1124 = arith.constant 1 : i32
        %select_n3A_1125 = arith.select %eq3A_1123, %jit3A_1124, %jit3A_1121 : i32
        %rem3A_1126 = arith.remsi %sub3A_453, %select_n3A_1125 : i32
        %ne3A_1127 = arith.constant 0 : i32
        %ne3A_1128 = arith.cmpi ne, %rem3A_1126, %ne3A_1127 : i32
        %lt3A_1129 = arith.constant 0 : i32
        %lt3A_1130 = arith.cmpi slt, %rem3A_1126, %lt3A_1129 : i32
        %lt3A_1131 = arith.constant 0 : i32
        %lt3A_1132 = arith.cmpi slt, %select_n3A_1125, %lt3A_1131 : i32
        %ne3A_1133 = arith.xori %lt3A_1130, %lt3A_1132 : i1
        %and3A_1134 = arith.andi %ne3A_1133, %ne3A_1128 : i1
        %add3A_1135 = arith.addi %rem3A_1126, %select_n3A_1125 : i32
        %select_n3A_1136 = arith.select %and3A_1134, %add3A_1135, %rem3A_1126 : i32
        %dma_start3A_1137 = arith.constant 6 : i32
        %dma_start3A_1138 = arith.constant 0 : i32
        %dma_start3A_1139 = arith.constant 0 : i32
        %dma_start3A_1140 = tpu.memref_slice %arg7[%dma_start3A_1137, %dma_start3A_1138, %dma_start3A_1139] : memref<8x128x64xf32, #tpu.memory_space<vmem>> -> memref<1x128x64xf32, #tpu.memory_space<vmem>>
        %dma_start3A_1141 = tpu.memref_squeeze %dma_start3A_1140 : memref<1x128x64xf32, #tpu.memory_space<vmem>> -> memref<128x64xf32, #tpu.memory_space<vmem>>
        %dma_start3A_1142 = arith.constant 0 : i32
        %dma_start3A_1143 = tpu.memref_slice %arg6[%select_n3A_1120, %select_n3A_1136, %dma_start3A_1142] : memref<8x8x128xi32, #tpu.memory_space<vmem>> -> memref<1x1x128xi32, #tpu.memory_space<vmem>>
        %dma_start3A_1144 = tpu.memref_squeeze %dma_start3A_1143 : memref<1x1x128xi32, #tpu.memory_space<vmem>> -> memref<128xi32, #tpu.memory_space<vmem>>
        %dma_start3A_1145 = arith.constant 0 : i32
        %dma_start3A_1146 = arith.constant 0 : i32
        %dma_start3A_1147 = tpu.memref_slice %arg3[%dma_start3A_1145, %dma_start3A_1146] : memref<100000x64xf32, #tpu.memory_space<hbm>> -> memref<100000x64xf32, #tpu.memory_space<hbm>>
        tpu.enqueue_indirect_dma source(%dma_start3A_1147 : memref<100000x64xf32, #tpu.memory_space<hbm>>) target(%dma_start3A_1141 : memref<128x64xf32, #tpu.memory_space<vmem>>) offsets(%dma_start3A_1144 : memref<128xi32, #tpu.memory_space<vmem>>) semaphore(%arg14 : memref<!tpu.dma_semaphore, #tpu.memory_space<semaphore_mem>>) {add = true}
      } else {
      }
      %add3A_461 = arith.constant 1 : i32
      %add3A_462 = arith.addi %add3A_384, %add3A_461 : i32
      %jit3A_463 = arith.constant 8 : i32
      %div3A_464 = arith.divsi %add3A_462, %jit3A_463 : i32
      %sign3A_465 = arith.constant 0 : i32
      %sign3A_466 = arith.cmpi sgt, %add3A_462, %sign3A_465 : i32
      %sign3A_467 = arith.extui %sign3A_466 : i1 to i32
      %sign3A_468 = arith.constant 0 : i32
      %sign3A_469 = arith.cmpi slt, %add3A_462, %sign3A_468 : i32
      %sign3A_470 = arith.extui %sign3A_469 : i1 to i32
      %sign3A_471 = arith.subi %sign3A_467, %sign3A_470 : i32
      %sign3A_472 = arith.constant 0 : i32
      %sign3A_473 = arith.cmpi sgt, %jit3A_463, %sign3A_472 : i32
      %sign3A_474 = arith.extui %sign3A_473 : i1 to i32
      %sign3A_475 = arith.constant 0 : i32
      %sign3A_476 = arith.cmpi slt, %jit3A_463, %sign3A_475 : i32
      %sign3A_477 = arith.extui %sign3A_476 : i1 to i32
      %sign3A_478 = arith.subi %sign3A_474, %sign3A_477 : i32
      %ne3A_479 = arith.cmpi ne, %sign3A_471, %sign3A_478 : i32
      %rem3A_480 = arith.remsi %add3A_462, %jit3A_463 : i32
      %ne3A_481 = arith.constant 0 : i32
      %ne3A_482 = arith.cmpi ne, %rem3A_480, %ne3A_481 : i32
      %and3A_483 = arith.andi %ne3A_479, %ne3A_482 : i1
      %sub3A_484 = arith.constant 1 : i32
      %sub3A_485 = arith.subi %div3A_464, %sub3A_484 : i32
      %select_n3A_486 = arith.select %and3A_483, %sub3A_485, %div3A_464 : i32
      %jit3A_487 = arith.constant 8 : i32
      %eq3A_488 = arith.constant 0 : i32
      %eq3A_489 = arith.cmpi eq, %jit3A_487, %eq3A_488 : i32
      %jit3A_490 = arith.constant 1 : i32
      %select_n3A_491 = arith.select %eq3A_489, %jit3A_490, %jit3A_487 : i32
      %rem3A_492 = arith.remsi %add3A_462, %select_n3A_491 : i32
      %ne3A_493 = arith.constant 0 : i32
      %ne3A_494 = arith.cmpi ne, %rem3A_492, %ne3A_493 : i32
      %lt3A_495 = arith.constant 0 : i32
      %lt3A_496 = arith.cmpi slt, %rem3A_492, %lt3A_495 : i32
      %lt3A_497 = arith.constant 0 : i32
      %lt3A_498 = arith.cmpi slt, %select_n3A_491, %lt3A_497 : i32
      %ne3A_499 = arith.xori %lt3A_496, %lt3A_498 : i1
      %and3A_500 = arith.andi %ne3A_499, %ne3A_494 : i1
      %add3A_501 = arith.addi %rem3A_492, %select_n3A_491 : i32
      %select_n3A_502 = arith.select %and3A_500, %add3A_501, %rem3A_492 : i32
      %dma_wait3A_503 = arith.constant 1 : i32
      %dma_wait3A_504 = arith.constant 0 : i32
      %dma_wait3A_505 = arith.constant 0 : i32
      %dma_wait3A_506 = tpu.memref_slice %arg7[%dma_wait3A_503, %dma_wait3A_504, %dma_wait3A_505] : memref<8x128x64xf32, #tpu.memory_space<vmem>> -> memref<1x128x64xf32, #tpu.memory_space<vmem>>
      %dma_wait3A_507 = tpu.memref_squeeze %dma_wait3A_506 : memref<1x128x64xf32, #tpu.memory_space<vmem>> -> memref<128x64xf32, #tpu.memory_space<vmem>>
      %dma_wait3A_508 = arith.constant 0 : i32
      %dma_wait3A_509 = tpu.memref_slice %arg6[%select_n3A_486, %select_n3A_502, %dma_wait3A_508] : memref<8x8x128xi32, #tpu.memory_space<vmem>> -> memref<1x1x128xi32, #tpu.memory_space<vmem>>
      %dma_wait3A_510 = tpu.memref_squeeze %dma_wait3A_509 : memref<1x1x128xi32, #tpu.memory_space<vmem>> -> memref<128xi32, #tpu.memory_space<vmem>>
      %dma_wait3A_511 = arith.constant 0 : i32
      %dma_wait3A_512 = arith.constant 0 : i32
      %dma_wait3A_513 = tpu.memref_slice %arg3[%dma_wait3A_511, %dma_wait3A_512] : memref<100000x64xf32, #tpu.memory_space<hbm>> -> memref<100000x64xf32, #tpu.memory_space<hbm>>
      tpu.wait_indirect_dma semaphore(%arg9 : memref<!tpu.dma_semaphore, #tpu.memory_space<semaphore_mem>>) src(%dma_wait3A_513 : memref<100000x64xf32, #tpu.memory_space<hbm>>) dst(%dma_wait3A_507 : memref<128x64xf32, #tpu.memory_space<vmem>>)
      %dma_start3A_514 = arith.constant 1 : i32
      %dma_start3A_515 = arith.constant 0 : i32
      %dma_start3A_516 = arith.constant 0 : i32
      %dma_start3A_517 = tpu.memref_slice %arg7[%dma_start3A_514, %dma_start3A_515, %dma_start3A_516] : memref<8x128x64xf32, #tpu.memory_space<vmem>> -> memref<1x128x64xf32, #tpu.memory_space<vmem>>
      %dma_start3A_518 = tpu.memref_squeeze %dma_start3A_517 : memref<1x128x64xf32, #tpu.memory_space<vmem>> -> memref<128x64xf32, #tpu.memory_space<vmem>>
      %dma_start3A_519 = arith.constant 0 : i32
      %dma_start3A_520 = tpu.memref_slice %arg5[%add3A_462, %mul3A_2, %dma_start3A_519] : memref<64x4096x128xf32, #tpu.memory_space<hbm>> -> memref<1x128x64xf32, #tpu.memory_space<hbm>>
      %dma_start3A_521 = tpu.memref_squeeze %dma_start3A_520 : memref<1x128x64xf32, #tpu.memory_space<hbm>> -> memref<128x64xf32, #tpu.memory_space<hbm>>
      %dma_start3A_522 = arith.constant 0 : i32
      %dma_start3A_523 = tpu.memref_slice %arg5[%add3A_462, %mul3A_2, %dma_start3A_522] : memref<64x4096x128xf32, #tpu.memory_space<hbm>> -> memref<1x128x64xf32, #tpu.memory_space<hbm>>
      %dma_start3A_524 = tpu.memref_squeeze %dma_start3A_523 : memref<1x128x64xf32, #tpu.memory_space<hbm>> -> memref<128x64xf32, #tpu.memory_space<hbm>>
      %dma_start3A_525 = arith.constant 0 : i32
      %dma_start3A_526 = arith.constant 0 : i32
      %dma_start3A_527 = tpu.memref_slice %arg7[%dma_start3A_514, %dma_start3A_525, %dma_start3A_526] : memref<8x128x64xf32, #tpu.memory_space<vmem>> -> memref<1x128x64xf32, #tpu.memory_space<vmem>>
      %dma_start3A_528 = tpu.memref_squeeze %dma_start3A_527 : memref<1x128x64xf32, #tpu.memory_space<vmem>> -> memref<128x64xf32, #tpu.memory_space<vmem>>
      tpu.enqueue_dma source(%dma_start3A_528 : memref<128x64xf32, #tpu.memory_space<vmem>>) target(%dma_start3A_524 : memref<128x64xf32, #tpu.memory_space<hbm>>) target_semaphore(%arg17 : memref<!tpu.dma_semaphore, #tpu.memory_space<semaphore_mem>>)
      %add3A_529 = arith.constant 8 : i32
      %add3A_530 = arith.addi %add3A_462, %add3A_529 : i32
      %sub3A_531 = arith.constant 1 : i32
      %sub3A_532 = arith.subi %add3A_530, %sub3A_531 : i32
      %lt3A_533 = arith.constant 64 : i32
      %lt3A_534 = arith.cmpi slt, %sub3A_532, %lt3A_533 : i32
      %convert_element_type3A_535 = arith.extui %lt3A_534 : i1 to i32
      %cond3A_536 = arith.constant 0 : i32
      %cond3A_537 = arith.cmpi ne, %convert_element_type3A_535, %cond3A_536 : i32
      scf.if %cond3A_537 {
        %ge3A_1084 = arith.constant 8 : i32
        %ge3A_1085 = arith.cmpi sge, %sub3A_532, %ge3A_1084 : i32
        %convert_element_type3A_1086 = arith.extui %ge3A_1085 : i1 to i32
        %cond3A_1087 = arith.constant 0 : i32
        %cond3A_1088 = arith.cmpi ne, %convert_element_type3A_1086, %cond3A_1087 : i32
        scf.if %cond3A_1088 {
          %sub3A_1102 = arith.constant 8 : i32
          %sub3A_1103 = arith.subi %sub3A_532, %sub3A_1102 : i32
          %dma_wait3A_1104 = arith.constant 0 : i32
          %dma_wait3A_1105 = arith.constant 0 : i32
          %dma_wait3A_1106 = arith.constant 0 : i32
          %dma_wait3A_1107 = tpu.memref_slice %arg7[%dma_wait3A_1104, %dma_wait3A_1105, %dma_wait3A_1106] : memref<8x128x64xf32, #tpu.memory_space<vmem>> -> memref<1x128x64xf32, #tpu.memory_space<vmem>>
          %dma_wait3A_1108 = tpu.memref_squeeze %dma_wait3A_1107 : memref<1x128x64xf32, #tpu.memory_space<vmem>> -> memref<128x64xf32, #tpu.memory_space<vmem>>
          %dma_wait3A_1109 = arith.constant 0 : i32
          %dma_wait3A_1110 = tpu.memref_slice %arg5[%sub3A_1103, %mul3A_2, %dma_wait3A_1109] : memref<64x4096x128xf32, #tpu.memory_space<hbm>> -> memref<1x128x64xf32, #tpu.memory_space<hbm>>
          %dma_wait3A_1111 = tpu.memref_squeeze %dma_wait3A_1110 : memref<1x128x64xf32, #tpu.memory_space<hbm>> -> memref<128x64xf32, #tpu.memory_space<hbm>>
          %dma_wait3A_1112 = arith.constant 0 : i32
          %dma_wait3A_1113 = tpu.memref_slice %arg5[%sub3A_1103, %mul3A_2, %dma_wait3A_1112] : memref<64x4096x128xf32, #tpu.memory_space<hbm>> -> memref<1x128x64xf32, #tpu.memory_space<hbm>>
          %dma_wait3A_1114 = tpu.memref_squeeze %dma_wait3A_1113 : memref<1x128x64xf32, #tpu.memory_space<hbm>> -> memref<128x64xf32, #tpu.memory_space<hbm>>
          %dma_wait3A_1115 = arith.constant 0 : i32
          %dma_wait3A_1116 = arith.constant 0 : i32
          %dma_wait3A_1117 = tpu.memref_slice %arg7[%dma_wait3A_1104, %dma_wait3A_1115, %dma_wait3A_1116] : memref<8x128x64xf32, #tpu.memory_space<vmem>> -> memref<1x128x64xf32, #tpu.memory_space<vmem>>
          %dma_wait3A_1118 = tpu.memref_squeeze %dma_wait3A_1117 : memref<1x128x64xf32, #tpu.memory_space<vmem>> -> memref<128x64xf32, #tpu.memory_space<vmem>>
          tpu.wait_dma2 semaphore(%arg16 : memref<!tpu.dma_semaphore, #tpu.memory_space<semaphore_mem>>) src(%dma_wait3A_1118 : memref<128x64xf32, #tpu.memory_space<vmem>>) dst(%dma_wait3A_1114 : memref<128x64xf32, #tpu.memory_space<hbm>>)
        } else {
        }
        %dma_start3A_1089 = arith.constant 0 : i32
        %dma_start3A_1090 = arith.constant 0 : i32
        %dma_start3A_1091 = arith.constant 0 : i32
        %dma_start3A_1092 = tpu.memref_slice %arg7[%dma_start3A_1089, %dma_start3A_1090, %dma_start3A_1091] : memref<8x128x64xf32, #tpu.memory_space<vmem>> -> memref<1x128x64xf32, #tpu.memory_space<vmem>>
        %dma_start3A_1093 = tpu.memref_squeeze %dma_start3A_1092 : memref<1x128x64xf32, #tpu.memory_space<vmem>> -> memref<128x64xf32, #tpu.memory_space<vmem>>
        %dma_start3A_1094 = arith.constant 0 : i32
        %dma_start3A_1095 = tpu.memref_slice %arg4[%mul3A_2, %dma_start3A_1094] : memref<4096x64xf32, #tpu.memory_space<hbm>> -> memref<128x64xf32, #tpu.memory_space<hbm>>
        %dma_start3A_1096 = arith.constant 0 : i32
        %dma_start3A_1097 = arith.constant 0 : i32
        %dma_start3A_1098 = tpu.memref_slice %arg7[%dma_start3A_1089, %dma_start3A_1096, %dma_start3A_1097] : memref<8x128x64xf32, #tpu.memory_space<vmem>> -> memref<1x128x64xf32, #tpu.memory_space<vmem>>
        %dma_start3A_1099 = tpu.memref_squeeze %dma_start3A_1098 : memref<1x128x64xf32, #tpu.memory_space<vmem>> -> memref<128x64xf32, #tpu.memory_space<vmem>>
        %dma_start3A_1100 = arith.constant 0 : i32
        %dma_start3A_1101 = tpu.memref_slice %arg4[%mul3A_2, %dma_start3A_1100] : memref<4096x64xf32, #tpu.memory_space<hbm>> -> memref<128x64xf32, #tpu.memory_space<hbm>>
        tpu.enqueue_dma source(%dma_start3A_1101 : memref<128x64xf32, #tpu.memory_space<hbm>>) target(%dma_start3A_1099 : memref<128x64xf32, #tpu.memory_space<vmem>>) target_semaphore(%arg24 : memref<!tpu.dma_semaphore, #tpu.memory_space<semaphore_mem>>)
      } else {
      }
      %add3A_538 = arith.constant 8 : i32
      %add3A_539 = arith.addi %add3A_462, %add3A_538 : i32
      %sub3A_540 = arith.constant 2 : i32
      %sub3A_541 = arith.subi %add3A_539, %sub3A_540 : i32
      %ge3A_542 = arith.constant 6 : i32
      %ge3A_543 = arith.cmpi sge, %sub3A_541, %ge3A_542 : i32
      %lt3A_544 = arith.constant 64 : i32
      %lt3A_545 = arith.cmpi slt, %sub3A_541, %lt3A_544 : i32
      %and3A_546 = arith.andi %ge3A_543, %lt3A_545 : i1
      %convert_element_type3A_547 = arith.extui %and3A_546 : i1 to i32
      %cond3A_548 = arith.constant 0 : i32
      %cond3A_549 = arith.cmpi ne, %convert_element_type3A_547, %cond3A_548 : i32
      scf.if %cond3A_549 {
        %dma_wait3A_1084 = arith.constant 7 : i32
        %dma_wait3A_1085 = arith.constant 0 : i32
        %dma_wait3A_1086 = arith.constant 0 : i32
        %dma_wait3A_1087 = tpu.memref_slice %arg7[%dma_wait3A_1084, %dma_wait3A_1085, %dma_wait3A_1086] : memref<8x128x64xf32, #tpu.memory_space<vmem>> -> memref<1x128x64xf32, #tpu.memory_space<vmem>>
        %dma_wait3A_1088 = tpu.memref_squeeze %dma_wait3A_1087 : memref<1x128x64xf32, #tpu.memory_space<vmem>> -> memref<128x64xf32, #tpu.memory_space<vmem>>
        %dma_wait3A_1089 = arith.constant 0 : i32
        %dma_wait3A_1090 = tpu.memref_slice %arg4[%mul3A_2, %dma_wait3A_1089] : memref<4096x64xf32, #tpu.memory_space<hbm>> -> memref<128x64xf32, #tpu.memory_space<hbm>>
        %dma_wait3A_1091 = arith.constant 0 : i32
        %dma_wait3A_1092 = arith.constant 0 : i32
        %dma_wait3A_1093 = tpu.memref_slice %arg7[%dma_wait3A_1084, %dma_wait3A_1091, %dma_wait3A_1092] : memref<8x128x64xf32, #tpu.memory_space<vmem>> -> memref<1x128x64xf32, #tpu.memory_space<vmem>>
        %dma_wait3A_1094 = tpu.memref_squeeze %dma_wait3A_1093 : memref<1x128x64xf32, #tpu.memory_space<vmem>> -> memref<128x64xf32, #tpu.memory_space<vmem>>
        %dma_wait3A_1095 = arith.constant 0 : i32
        %dma_wait3A_1096 = tpu.memref_slice %arg4[%mul3A_2, %dma_wait3A_1095] : memref<4096x64xf32, #tpu.memory_space<hbm>> -> memref<128x64xf32, #tpu.memory_space<hbm>>
        tpu.wait_dma2 semaphore(%arg31 : memref<!tpu.dma_semaphore, #tpu.memory_space<semaphore_mem>>) src(%dma_wait3A_1096 : memref<128x64xf32, #tpu.memory_space<hbm>>) dst(%dma_wait3A_1094 : memref<128x64xf32, #tpu.memory_space<vmem>>)
        %jit3A_1097 = arith.constant 8 : i32
        %div3A_1098 = arith.divsi %sub3A_541, %jit3A_1097 : i32
        %sign3A_1099 = arith.constant 0 : i32
        %sign3A_1100 = arith.cmpi sgt, %sub3A_541, %sign3A_1099 : i32
        %sign3A_1101 = arith.extui %sign3A_1100 : i1 to i32
        %sign3A_1102 = arith.constant 0 : i32
        %sign3A_1103 = arith.cmpi slt, %sub3A_541, %sign3A_1102 : i32
        %sign3A_1104 = arith.extui %sign3A_1103 : i1 to i32
        %sign3A_1105 = arith.subi %sign3A_1101, %sign3A_1104 : i32
        %sign3A_1106 = arith.constant 0 : i32
        %sign3A_1107 = arith.cmpi sgt, %jit3A_1097, %sign3A_1106 : i32
        %sign3A_1108 = arith.extui %sign3A_1107 : i1 to i32
        %sign3A_1109 = arith.constant 0 : i32
        %sign3A_1110 = arith.cmpi slt, %jit3A_1097, %sign3A_1109 : i32
        %sign3A_1111 = arith.extui %sign3A_1110 : i1 to i32
        %sign3A_1112 = arith.subi %sign3A_1108, %sign3A_1111 : i32
        %ne3A_1113 = arith.cmpi ne, %sign3A_1105, %sign3A_1112 : i32
        %rem3A_1114 = arith.remsi %sub3A_541, %jit3A_1097 : i32
        %ne3A_1115 = arith.constant 0 : i32
        %ne3A_1116 = arith.cmpi ne, %rem3A_1114, %ne3A_1115 : i32
        %and3A_1117 = arith.andi %ne3A_1113, %ne3A_1116 : i1
        %sub3A_1118 = arith.constant 1 : i32
        %sub3A_1119 = arith.subi %div3A_1098, %sub3A_1118 : i32
        %select_n3A_1120 = arith.select %and3A_1117, %sub3A_1119, %div3A_1098 : i32
        %jit3A_1121 = arith.constant 8 : i32
        %eq3A_1122 = arith.constant 0 : i32
        %eq3A_1123 = arith.cmpi eq, %jit3A_1121, %eq3A_1122 : i32
        %jit3A_1124 = arith.constant 1 : i32
        %select_n3A_1125 = arith.select %eq3A_1123, %jit3A_1124, %jit3A_1121 : i32
        %rem3A_1126 = arith.remsi %sub3A_541, %select_n3A_1125 : i32
        %ne3A_1127 = arith.constant 0 : i32
        %ne3A_1128 = arith.cmpi ne, %rem3A_1126, %ne3A_1127 : i32
        %lt3A_1129 = arith.constant 0 : i32
        %lt3A_1130 = arith.cmpi slt, %rem3A_1126, %lt3A_1129 : i32
        %lt3A_1131 = arith.constant 0 : i32
        %lt3A_1132 = arith.cmpi slt, %select_n3A_1125, %lt3A_1131 : i32
        %ne3A_1133 = arith.xori %lt3A_1130, %lt3A_1132 : i1
        %and3A_1134 = arith.andi %ne3A_1133, %ne3A_1128 : i1
        %add3A_1135 = arith.addi %rem3A_1126, %select_n3A_1125 : i32
        %select_n3A_1136 = arith.select %and3A_1134, %add3A_1135, %rem3A_1126 : i32
        %dma_start3A_1137 = arith.constant 7 : i32
        %dma_start3A_1138 = arith.constant 0 : i32
        %dma_start3A_1139 = arith.constant 0 : i32
        %dma_start3A_1140 = tpu.memref_slice %arg7[%dma_start3A_1137, %dma_start3A_1138, %dma_start3A_1139] : memref<8x128x64xf32, #tpu.memory_space<vmem>> -> memref<1x128x64xf32, #tpu.memory_space<vmem>>
        %dma_start3A_1141 = tpu.memref_squeeze %dma_start3A_1140 : memref<1x128x64xf32, #tpu.memory_space<vmem>> -> memref<128x64xf32, #tpu.memory_space<vmem>>
        %dma_start3A_1142 = arith.constant 0 : i32
        %dma_start3A_1143 = tpu.memref_slice %arg6[%select_n3A_1120, %select_n3A_1136, %dma_start3A_1142] : memref<8x8x128xi32, #tpu.memory_space<vmem>> -> memref<1x1x128xi32, #tpu.memory_space<vmem>>
        %dma_start3A_1144 = tpu.memref_squeeze %dma_start3A_1143 : memref<1x1x128xi32, #tpu.memory_space<vmem>> -> memref<128xi32, #tpu.memory_space<vmem>>
        %dma_start3A_1145 = arith.constant 0 : i32
        %dma_start3A_1146 = arith.constant 0 : i32
        %dma_start3A_1147 = tpu.memref_slice %arg3[%dma_start3A_1145, %dma_start3A_1146] : memref<100000x64xf32, #tpu.memory_space<hbm>> -> memref<100000x64xf32, #tpu.memory_space<hbm>>
        tpu.enqueue_indirect_dma source(%dma_start3A_1147 : memref<100000x64xf32, #tpu.memory_space<hbm>>) target(%dma_start3A_1141 : memref<128x64xf32, #tpu.memory_space<vmem>>) offsets(%dma_start3A_1144 : memref<128xi32, #tpu.memory_space<vmem>>) semaphore(%arg15 : memref<!tpu.dma_semaphore, #tpu.memory_space<semaphore_mem>>) {add = true}
      } else {
      }
      %add3A_550 = arith.constant 2 : i32
      %add3A_551 = arith.addi %add3A_384, %add3A_550 : i32
      %jit3A_552 = arith.constant 8 : i32
      %div3A_553 = arith.divsi %add3A_551, %jit3A_552 : i32
      %sign3A_554 = arith.constant 0 : i32
      %sign3A_555 = arith.cmpi sgt, %add3A_551, %sign3A_554 : i32
      %sign3A_556 = arith.extui %sign3A_555 : i1 to i32
      %sign3A_557 = arith.constant 0 : i32
      %sign3A_558 = arith.cmpi slt, %add3A_551, %sign3A_557 : i32
      %sign3A_559 = arith.extui %sign3A_558 : i1 to i32
      %sign3A_560 = arith.subi %sign3A_556, %sign3A_559 : i32
      %sign3A_561 = arith.constant 0 : i32
      %sign3A_562 = arith.cmpi sgt, %jit3A_552, %sign3A_561 : i32
      %sign3A_563 = arith.extui %sign3A_562 : i1 to i32
      %sign3A_564 = arith.constant 0 : i32
      %sign3A_565 = arith.cmpi slt, %jit3A_552, %sign3A_564 : i32
      %sign3A_566 = arith.extui %sign3A_565 : i1 to i32
      %sign3A_567 = arith.subi %sign3A_563, %sign3A_566 : i32
      %ne3A_568 = arith.cmpi ne, %sign3A_560, %sign3A_567 : i32
      %rem3A_569 = arith.remsi %add3A_551, %jit3A_552 : i32
      %ne3A_570 = arith.constant 0 : i32
      %ne3A_571 = arith.cmpi ne, %rem3A_569, %ne3A_570 : i32
      %and3A_572 = arith.andi %ne3A_568, %ne3A_571 : i1
      %sub3A_573 = arith.constant 1 : i32
      %sub3A_574 = arith.subi %div3A_553, %sub3A_573 : i32
      %select_n3A_575 = arith.select %and3A_572, %sub3A_574, %div3A_553 : i32
      %jit3A_576 = arith.constant 8 : i32
      %eq3A_577 = arith.constant 0 : i32
      %eq3A_578 = arith.cmpi eq, %jit3A_576, %eq3A_577 : i32
      %jit3A_579 = arith.constant 1 : i32
      %select_n3A_580 = arith.select %eq3A_578, %jit3A_579, %jit3A_576 : i32
      %rem3A_581 = arith.remsi %add3A_551, %select_n3A_580 : i32
      %ne3A_582 = arith.constant 0 : i32
      %ne3A_583 = arith.cmpi ne, %rem3A_581, %ne3A_582 : i32
      %lt3A_584 = arith.constant 0 : i32
      %lt3A_585 = arith.cmpi slt, %rem3A_581, %lt3A_584 : i32
      %lt3A_586 = arith.constant 0 : i32
      %lt3A_587 = arith.cmpi slt, %select_n3A_580, %lt3A_586 : i32
      %ne3A_588 = arith.xori %lt3A_585, %lt3A_587 : i1
      %and3A_589 = arith.andi %ne3A_588, %ne3A_583 : i1
      %add3A_590 = arith.addi %rem3A_581, %select_n3A_580 : i32
      %select_n3A_591 = arith.select %and3A_589, %add3A_590, %rem3A_581 : i32
      %dma_wait3A_592 = arith.constant 2 : i32
      %dma_wait3A_593 = arith.constant 0 : i32
      %dma_wait3A_594 = arith.constant 0 : i32
      %dma_wait3A_595 = tpu.memref_slice %arg7[%dma_wait3A_592, %dma_wait3A_593, %dma_wait3A_594] : memref<8x128x64xf32, #tpu.memory_space<vmem>> -> memref<1x128x64xf32, #tpu.memory_space<vmem>>
      %dma_wait3A_596 = tpu.memref_squeeze %dma_wait3A_595 : memref<1x128x64xf32, #tpu.memory_space<vmem>> -> memref<128x64xf32, #tpu.memory_space<vmem>>
      %dma_wait3A_597 = arith.constant 0 : i32
      %dma_wait3A_598 = tpu.memref_slice %arg6[%select_n3A_575, %select_n3A_591, %dma_wait3A_597] : memref<8x8x128xi32, #tpu.memory_space<vmem>> -> memref<1x1x128xi32, #tpu.memory_space<vmem>>
      %dma_wait3A_599 = tpu.memref_squeeze %dma_wait3A_598 : memref<1x1x128xi32, #tpu.memory_space<vmem>> -> memref<128xi32, #tpu.memory_space<vmem>>
      %dma_wait3A_600 = arith.constant 0 : i32
      %dma_wait3A_601 = arith.constant 0 : i32
      %dma_wait3A_602 = tpu.memref_slice %arg3[%dma_wait3A_600, %dma_wait3A_601] : memref<100000x64xf32, #tpu.memory_space<hbm>> -> memref<100000x64xf32, #tpu.memory_space<hbm>>
      tpu.wait_indirect_dma semaphore(%arg10 : memref<!tpu.dma_semaphore, #tpu.memory_space<semaphore_mem>>) src(%dma_wait3A_602 : memref<100000x64xf32, #tpu.memory_space<hbm>>) dst(%dma_wait3A_596 : memref<128x64xf32, #tpu.memory_space<vmem>>)
      %dma_start3A_603 = arith.constant 2 : i32
      %dma_start3A_604 = arith.constant 0 : i32
      %dma_start3A_605 = arith.constant 0 : i32
      %dma_start3A_606 = tpu.memref_slice %arg7[%dma_start3A_603, %dma_start3A_604, %dma_start3A_605] : memref<8x128x64xf32, #tpu.memory_space<vmem>> -> memref<1x128x64xf32, #tpu.memory_space<vmem>>
      %dma_start3A_607 = tpu.memref_squeeze %dma_start3A_606 : memref<1x128x64xf32, #tpu.memory_space<vmem>> -> memref<128x64xf32, #tpu.memory_space<vmem>>
      %dma_start3A_608 = arith.constant 0 : i32
      %dma_start3A_609 = tpu.memref_slice %arg5[%add3A_551, %mul3A_2, %dma_start3A_608] : memref<64x4096x128xf32, #tpu.memory_space<hbm>> -> memref<1x128x64xf32, #tpu.memory_space<hbm>>
      %dma_start3A_610 = tpu.memref_squeeze %dma_start3A_609 : memref<1x128x64xf32, #tpu.memory_space<hbm>> -> memref<128x64xf32, #tpu.memory_space<hbm>>
      %dma_start3A_611 = arith.constant 0 : i32
      %dma_start3A_612 = tpu.memref_slice %arg5[%add3A_551, %mul3A_2, %dma_start3A_611] : memref<64x4096x128xf32, #tpu.memory_space<hbm>> -> memref<1x128x64xf32, #tpu.memory_space<hbm>>
      %dma_start3A_613 = tpu.memref_squeeze %dma_start3A_612 : memref<1x128x64xf32, #tpu.memory_space<hbm>> -> memref<128x64xf32, #tpu.memory_space<hbm>>
      %dma_start3A_614 = arith.constant 0 : i32
      %dma_start3A_615 = arith.constant 0 : i32
      %dma_start3A_616 = tpu.memref_slice %arg7[%dma_start3A_603, %dma_start3A_614, %dma_start3A_615] : memref<8x128x64xf32, #tpu.memory_space<vmem>> -> memref<1x128x64xf32, #tpu.memory_space<vmem>>
      %dma_start3A_617 = tpu.memref_squeeze %dma_start3A_616 : memref<1x128x64xf32, #tpu.memory_space<vmem>> -> memref<128x64xf32, #tpu.memory_space<vmem>>
      tpu.enqueue_dma source(%dma_start3A_617 : memref<128x64xf32, #tpu.memory_space<vmem>>) target(%dma_start3A_613 : memref<128x64xf32, #tpu.memory_space<hbm>>) target_semaphore(%arg18 : memref<!tpu.dma_semaphore, #tpu.memory_space<semaphore_mem>>)
      %add3A_618 = arith.constant 8 : i32
      %add3A_619 = arith.addi %add3A_551, %add3A_618 : i32
      %sub3A_620 = arith.constant 1 : i32
      %sub3A_621 = arith.subi %add3A_619, %sub3A_620 : i32
      %lt3A_622 = arith.constant 64 : i32
      %lt3A_623 = arith.cmpi slt, %sub3A_621, %lt3A_622 : i32
      %convert_element_type3A_624 = arith.extui %lt3A_623 : i1 to i32
      %cond3A_625 = arith.constant 0 : i32
      %cond3A_626 = arith.cmpi ne, %convert_element_type3A_624, %cond3A_625 : i32
      scf.if %cond3A_626 {
        %ge3A_1084 = arith.constant 8 : i32
        %ge3A_1085 = arith.cmpi sge, %sub3A_621, %ge3A_1084 : i32
        %convert_element_type3A_1086 = arith.extui %ge3A_1085 : i1 to i32
        %cond3A_1087 = arith.constant 0 : i32
        %cond3A_1088 = arith.cmpi ne, %convert_element_type3A_1086, %cond3A_1087 : i32
        scf.if %cond3A_1088 {
          %sub3A_1102 = arith.constant 8 : i32
          %sub3A_1103 = arith.subi %sub3A_621, %sub3A_1102 : i32
          %dma_wait3A_1104 = arith.constant 1 : i32
          %dma_wait3A_1105 = arith.constant 0 : i32
          %dma_wait3A_1106 = arith.constant 0 : i32
          %dma_wait3A_1107 = tpu.memref_slice %arg7[%dma_wait3A_1104, %dma_wait3A_1105, %dma_wait3A_1106] : memref<8x128x64xf32, #tpu.memory_space<vmem>> -> memref<1x128x64xf32, #tpu.memory_space<vmem>>
          %dma_wait3A_1108 = tpu.memref_squeeze %dma_wait3A_1107 : memref<1x128x64xf32, #tpu.memory_space<vmem>> -> memref<128x64xf32, #tpu.memory_space<vmem>>
          %dma_wait3A_1109 = arith.constant 0 : i32
          %dma_wait3A_1110 = tpu.memref_slice %arg5[%sub3A_1103, %mul3A_2, %dma_wait3A_1109] : memref<64x4096x128xf32, #tpu.memory_space<hbm>> -> memref<1x128x64xf32, #tpu.memory_space<hbm>>
          %dma_wait3A_1111 = tpu.memref_squeeze %dma_wait3A_1110 : memref<1x128x64xf32, #tpu.memory_space<hbm>> -> memref<128x64xf32, #tpu.memory_space<hbm>>
          %dma_wait3A_1112 = arith.constant 0 : i32
          %dma_wait3A_1113 = tpu.memref_slice %arg5[%sub3A_1103, %mul3A_2, %dma_wait3A_1112] : memref<64x4096x128xf32, #tpu.memory_space<hbm>> -> memref<1x128x64xf32, #tpu.memory_space<hbm>>
          %dma_wait3A_1114 = tpu.memref_squeeze %dma_wait3A_1113 : memref<1x128x64xf32, #tpu.memory_space<hbm>> -> memref<128x64xf32, #tpu.memory_space<hbm>>
          %dma_wait3A_1115 = arith.constant 0 : i32
          %dma_wait3A_1116 = arith.constant 0 : i32
          %dma_wait3A_1117 = tpu.memref_slice %arg7[%dma_wait3A_1104, %dma_wait3A_1115, %dma_wait3A_1116] : memref<8x128x64xf32, #tpu.memory_space<vmem>> -> memref<1x128x64xf32, #tpu.memory_space<vmem>>
          %dma_wait3A_1118 = tpu.memref_squeeze %dma_wait3A_1117 : memref<1x128x64xf32, #tpu.memory_space<vmem>> -> memref<128x64xf32, #tpu.memory_space<vmem>>
          tpu.wait_dma2 semaphore(%arg17 : memref<!tpu.dma_semaphore, #tpu.memory_space<semaphore_mem>>) src(%dma_wait3A_1118 : memref<128x64xf32, #tpu.memory_space<vmem>>) dst(%dma_wait3A_1114 : memref<128x64xf32, #tpu.memory_space<hbm>>)
        } else {
        }
        %dma_start3A_1089 = arith.constant 1 : i32
        %dma_start3A_1090 = arith.constant 0 : i32
        %dma_start3A_1091 = arith.constant 0 : i32
        %dma_start3A_1092 = tpu.memref_slice %arg7[%dma_start3A_1089, %dma_start3A_1090, %dma_start3A_1091] : memref<8x128x64xf32, #tpu.memory_space<vmem>> -> memref<1x128x64xf32, #tpu.memory_space<vmem>>
        %dma_start3A_1093 = tpu.memref_squeeze %dma_start3A_1092 : memref<1x128x64xf32, #tpu.memory_space<vmem>> -> memref<128x64xf32, #tpu.memory_space<vmem>>
        %dma_start3A_1094 = arith.constant 0 : i32
        %dma_start3A_1095 = tpu.memref_slice %arg4[%mul3A_2, %dma_start3A_1094] : memref<4096x64xf32, #tpu.memory_space<hbm>> -> memref<128x64xf32, #tpu.memory_space<hbm>>
        %dma_start3A_1096 = arith.constant 0 : i32
        %dma_start3A_1097 = arith.constant 0 : i32
        %dma_start3A_1098 = tpu.memref_slice %arg7[%dma_start3A_1089, %dma_start3A_1096, %dma_start3A_1097] : memref<8x128x64xf32, #tpu.memory_space<vmem>> -> memref<1x128x64xf32, #tpu.memory_space<vmem>>
        %dma_start3A_1099 = tpu.memref_squeeze %dma_start3A_1098 : memref<1x128x64xf32, #tpu.memory_space<vmem>> -> memref<128x64xf32, #tpu.memory_space<vmem>>
        %dma_start3A_1100 = arith.constant 0 : i32
        %dma_start3A_1101 = tpu.memref_slice %arg4[%mul3A_2, %dma_start3A_1100] : memref<4096x64xf32, #tpu.memory_space<hbm>> -> memref<128x64xf32, #tpu.memory_space<hbm>>
        tpu.enqueue_dma source(%dma_start3A_1101 : memref<128x64xf32, #tpu.memory_space<hbm>>) target(%dma_start3A_1099 : memref<128x64xf32, #tpu.memory_space<vmem>>) target_semaphore(%arg25 : memref<!tpu.dma_semaphore, #tpu.memory_space<semaphore_mem>>)
      } else {
      }
      %add3A_627 = arith.constant 8 : i32
      %add3A_628 = arith.addi %add3A_551, %add3A_627 : i32
      %sub3A_629 = arith.constant 2 : i32
      %sub3A_630 = arith.subi %add3A_628, %sub3A_629 : i32
      %ge3A_631 = arith.constant 6 : i32
      %ge3A_632 = arith.cmpi sge, %sub3A_630, %ge3A_631 : i32
      %lt3A_633 = arith.constant 64 : i32
      %lt3A_634 = arith.cmpi slt, %sub3A_630, %lt3A_633 : i32
      %and3A_635 = arith.andi %ge3A_632, %lt3A_634 : i1
      %convert_element_type3A_636 = arith.extui %and3A_635 : i1 to i32
      %cond3A_637 = arith.constant 0 : i32
      %cond3A_638 = arith.cmpi ne, %convert_element_type3A_636, %cond3A_637 : i32
      scf.if %cond3A_638 {
        %dma_wait3A_1084 = arith.constant 0 : i32
        %dma_wait3A_1085 = arith.constant 0 : i32
        %dma_wait3A_1086 = arith.constant 0 : i32
        %dma_wait3A_1087 = tpu.memref_slice %arg7[%dma_wait3A_1084, %dma_wait3A_1085, %dma_wait3A_1086] : memref<8x128x64xf32, #tpu.memory_space<vmem>> -> memref<1x128x64xf32, #tpu.memory_space<vmem>>
        %dma_wait3A_1088 = tpu.memref_squeeze %dma_wait3A_1087 : memref<1x128x64xf32, #tpu.memory_space<vmem>> -> memref<128x64xf32, #tpu.memory_space<vmem>>
        %dma_wait3A_1089 = arith.constant 0 : i32
        %dma_wait3A_1090 = tpu.memref_slice %arg4[%mul3A_2, %dma_wait3A_1089] : memref<4096x64xf32, #tpu.memory_space<hbm>> -> memref<128x64xf32, #tpu.memory_space<hbm>>
        %dma_wait3A_1091 = arith.constant 0 : i32
        %dma_wait3A_1092 = arith.constant 0 : i32
        %dma_wait3A_1093 = tpu.memref_slice %arg7[%dma_wait3A_1084, %dma_wait3A_1091, %dma_wait3A_1092] : memref<8x128x64xf32, #tpu.memory_space<vmem>> -> memref<1x128x64xf32, #tpu.memory_space<vmem>>
        %dma_wait3A_1094 = tpu.memref_squeeze %dma_wait3A_1093 : memref<1x128x64xf32, #tpu.memory_space<vmem>> -> memref<128x64xf32, #tpu.memory_space<vmem>>
        %dma_wait3A_1095 = arith.constant 0 : i32
        %dma_wait3A_1096 = tpu.memref_slice %arg4[%mul3A_2, %dma_wait3A_1095] : memref<4096x64xf32, #tpu.memory_space<hbm>> -> memref<128x64xf32, #tpu.memory_space<hbm>>
        tpu.wait_dma2 semaphore(%arg24 : memref<!tpu.dma_semaphore, #tpu.memory_space<semaphore_mem>>) src(%dma_wait3A_1096 : memref<128x64xf32, #tpu.memory_space<hbm>>) dst(%dma_wait3A_1094 : memref<128x64xf32, #tpu.memory_space<vmem>>)
        %jit3A_1097 = arith.constant 8 : i32
        %div3A_1098 = arith.divsi %sub3A_630, %jit3A_1097 : i32
        %sign3A_1099 = arith.constant 0 : i32
        %sign3A_1100 = arith.cmpi sgt, %sub3A_630, %sign3A_1099 : i32
        %sign3A_1101 = arith.extui %sign3A_1100 : i1 to i32
        %sign3A_1102 = arith.constant 0 : i32
        %sign3A_1103 = arith.cmpi slt, %sub3A_630, %sign3A_1102 : i32
        %sign3A_1104 = arith.extui %sign3A_1103 : i1 to i32
        %sign3A_1105 = arith.subi %sign3A_1101, %sign3A_1104 : i32
        %sign3A_1106 = arith.constant 0 : i32
        %sign3A_1107 = arith.cmpi sgt, %jit3A_1097, %sign3A_1106 : i32
        %sign3A_1108 = arith.extui %sign3A_1107 : i1 to i32
        %sign3A_1109 = arith.constant 0 : i32
        %sign3A_1110 = arith.cmpi slt, %jit3A_1097, %sign3A_1109 : i32
        %sign3A_1111 = arith.extui %sign3A_1110 : i1 to i32
        %sign3A_1112 = arith.subi %sign3A_1108, %sign3A_1111 : i32
        %ne3A_1113 = arith.cmpi ne, %sign3A_1105, %sign3A_1112 : i32
        %rem3A_1114 = arith.remsi %sub3A_630, %jit3A_1097 : i32
        %ne3A_1115 = arith.constant 0 : i32
        %ne3A_1116 = arith.cmpi ne, %rem3A_1114, %ne3A_1115 : i32
        %and3A_1117 = arith.andi %ne3A_1113, %ne3A_1116 : i1
        %sub3A_1118 = arith.constant 1 : i32
        %sub3A_1119 = arith.subi %div3A_1098, %sub3A_1118 : i32
        %select_n3A_1120 = arith.select %and3A_1117, %sub3A_1119, %div3A_1098 : i32
        %jit3A_1121 = arith.constant 8 : i32
        %eq3A_1122 = arith.constant 0 : i32
        %eq3A_1123 = arith.cmpi eq, %jit3A_1121, %eq3A_1122 : i32
        %jit3A_1124 = arith.constant 1 : i32
        %select_n3A_1125 = arith.select %eq3A_1123, %jit3A_1124, %jit3A_1121 : i32
        %rem3A_1126 = arith.remsi %sub3A_630, %select_n3A_1125 : i32
        %ne3A_1127 = arith.constant 0 : i32
        %ne3A_1128 = arith.cmpi ne, %rem3A_1126, %ne3A_1127 : i32
        %lt3A_1129 = arith.constant 0 : i32
        %lt3A_1130 = arith.cmpi slt, %rem3A_1126, %lt3A_1129 : i32
        %lt3A_1131 = arith.constant 0 : i32
        %lt3A_1132 = arith.cmpi slt, %select_n3A_1125, %lt3A_1131 : i32
        %ne3A_1133 = arith.xori %lt3A_1130, %lt3A_1132 : i1
        %and3A_1134 = arith.andi %ne3A_1133, %ne3A_1128 : i1
        %add3A_1135 = arith.addi %rem3A_1126, %select_n3A_1125 : i32
        %select_n3A_1136 = arith.select %and3A_1134, %add3A_1135, %rem3A_1126 : i32
        %dma_start3A_1137 = arith.constant 0 : i32
        %dma_start3A_1138 = arith.constant 0 : i32
        %dma_start3A_1139 = arith.constant 0 : i32
        %dma_start3A_1140 = tpu.memref_slice %arg7[%dma_start3A_1137, %dma_start3A_1138, %dma_start3A_1139] : memref<8x128x64xf32, #tpu.memory_space<vmem>> -> memref<1x128x64xf32, #tpu.memory_space<vmem>>
        %dma_start3A_1141 = tpu.memref_squeeze %dma_start3A_1140 : memref<1x128x64xf32, #tpu.memory_space<vmem>> -> memref<128x64xf32, #tpu.memory_space<vmem>>
        %dma_start3A_1142 = arith.constant 0 : i32
        %dma_start3A_1143 = tpu.memref_slice %arg6[%select_n3A_1120, %select_n3A_1136, %dma_start3A_1142] : memref<8x8x128xi32, #tpu.memory_space<vmem>> -> memref<1x1x128xi32, #tpu.memory_space<vmem>>
        %dma_start3A_1144 = tpu.memref_squeeze %dma_start3A_1143 : memref<1x1x128xi32, #tpu.memory_space<vmem>> -> memref<128xi32, #tpu.memory_space<vmem>>
        %dma_start3A_1145 = arith.constant 0 : i32
        %dma_start3A_1146 = arith.constant 0 : i32
        %dma_start3A_1147 = tpu.memref_slice %arg3[%dma_start3A_1145, %dma_start3A_1146] : memref<100000x64xf32, #tpu.memory_space<hbm>> -> memref<100000x64xf32, #tpu.memory_space<hbm>>
        tpu.enqueue_indirect_dma source(%dma_start3A_1147 : memref<100000x64xf32, #tpu.memory_space<hbm>>) target(%dma_start3A_1141 : memref<128x64xf32, #tpu.memory_space<vmem>>) offsets(%dma_start3A_1144 : memref<128xi32, #tpu.memory_space<vmem>>) semaphore(%arg8 : memref<!tpu.dma_semaphore, #tpu.memory_space<semaphore_mem>>) {add = true}
      } else {
      }
      %add3A_639 = arith.constant 3 : i32
      %add3A_640 = arith.addi %add3A_384, %add3A_639 : i32
      %jit3A_641 = arith.constant 8 : i32
      %div3A_642 = arith.divsi %add3A_640, %jit3A_641 : i32
      %sign3A_643 = arith.constant 0 : i32
      %sign3A_644 = arith.cmpi sgt, %add3A_640, %sign3A_643 : i32
      %sign3A_645 = arith.extui %sign3A_644 : i1 to i32
      %sign3A_646 = arith.constant 0 : i32
      %sign3A_647 = arith.cmpi slt, %add3A_640, %sign3A_646 : i32
      %sign3A_648 = arith.extui %sign3A_647 : i1 to i32
      %sign3A_649 = arith.subi %sign3A_645, %sign3A_648 : i32
      %sign3A_650 = arith.constant 0 : i32
      %sign3A_651 = arith.cmpi sgt, %jit3A_641, %sign3A_650 : i32
      %sign3A_652 = arith.extui %sign3A_651 : i1 to i32
      %sign3A_653 = arith.constant 0 : i32
      %sign3A_654 = arith.cmpi slt, %jit3A_641, %sign3A_653 : i32
      %sign3A_655 = arith.extui %sign3A_654 : i1 to i32
      %sign3A_656 = arith.subi %sign3A_652, %sign3A_655 : i32
      %ne3A_657 = arith.cmpi ne, %sign3A_649, %sign3A_656 : i32
      %rem3A_658 = arith.remsi %add3A_640, %jit3A_641 : i32
      %ne3A_659 = arith.constant 0 : i32
      %ne3A_660 = arith.cmpi ne, %rem3A_658, %ne3A_659 : i32
      %and3A_661 = arith.andi %ne3A_657, %ne3A_660 : i1
      %sub3A_662 = arith.constant 1 : i32
      %sub3A_663 = arith.subi %div3A_642, %sub3A_662 : i32
      %select_n3A_664 = arith.select %and3A_661, %sub3A_663, %div3A_642 : i32
      %jit3A_665 = arith.constant 8 : i32
      %eq3A_666 = arith.constant 0 : i32
      %eq3A_667 = arith.cmpi eq, %jit3A_665, %eq3A_666 : i32
      %jit3A_668 = arith.constant 1 : i32
      %select_n3A_669 = arith.select %eq3A_667, %jit3A_668, %jit3A_665 : i32
      %rem3A_670 = arith.remsi %add3A_640, %select_n3A_669 : i32
      %ne3A_671 = arith.constant 0 : i32
      %ne3A_672 = arith.cmpi ne, %rem3A_670, %ne3A_671 : i32
      %lt3A_673 = arith.constant 0 : i32
      %lt3A_674 = arith.cmpi slt, %rem3A_670, %lt3A_673 : i32
      %lt3A_675 = arith.constant 0 : i32
      %lt3A_676 = arith.cmpi slt, %select_n3A_669, %lt3A_675 : i32
      %ne3A_677 = arith.xori %lt3A_674, %lt3A_676 : i1
      %and3A_678 = arith.andi %ne3A_677, %ne3A_672 : i1
      %add3A_679 = arith.addi %rem3A_670, %select_n3A_669 : i32
      %select_n3A_680 = arith.select %and3A_678, %add3A_679, %rem3A_670 : i32
      %dma_wait3A_681 = arith.constant 3 : i32
      %dma_wait3A_682 = arith.constant 0 : i32
      %dma_wait3A_683 = arith.constant 0 : i32
      %dma_wait3A_684 = tpu.memref_slice %arg7[%dma_wait3A_681, %dma_wait3A_682, %dma_wait3A_683] : memref<8x128x64xf32, #tpu.memory_space<vmem>> -> memref<1x128x64xf32, #tpu.memory_space<vmem>>
      %dma_wait3A_685 = tpu.memref_squeeze %dma_wait3A_684 : memref<1x128x64xf32, #tpu.memory_space<vmem>> -> memref<128x64xf32, #tpu.memory_space<vmem>>
      %dma_wait3A_686 = arith.constant 0 : i32
      %dma_wait3A_687 = tpu.memref_slice %arg6[%select_n3A_664, %select_n3A_680, %dma_wait3A_686] : memref<8x8x128xi32, #tpu.memory_space<vmem>> -> memref<1x1x128xi32, #tpu.memory_space<vmem>>
      %dma_wait3A_688 = tpu.memref_squeeze %dma_wait3A_687 : memref<1x1x128xi32, #tpu.memory_space<vmem>> -> memref<128xi32, #tpu.memory_space<vmem>>
      %dma_wait3A_689 = arith.constant 0 : i32
      %dma_wait3A_690 = arith.constant 0 : i32
      %dma_wait3A_691 = tpu.memref_slice %arg3[%dma_wait3A_689, %dma_wait3A_690] : memref<100000x64xf32, #tpu.memory_space<hbm>> -> memref<100000x64xf32, #tpu.memory_space<hbm>>
      tpu.wait_indirect_dma semaphore(%arg11 : memref<!tpu.dma_semaphore, #tpu.memory_space<semaphore_mem>>) src(%dma_wait3A_691 : memref<100000x64xf32, #tpu.memory_space<hbm>>) dst(%dma_wait3A_685 : memref<128x64xf32, #tpu.memory_space<vmem>>)
      %dma_start3A_692 = arith.constant 3 : i32
      %dma_start3A_693 = arith.constant 0 : i32
      %dma_start3A_694 = arith.constant 0 : i32
      %dma_start3A_695 = tpu.memref_slice %arg7[%dma_start3A_692, %dma_start3A_693, %dma_start3A_694] : memref<8x128x64xf32, #tpu.memory_space<vmem>> -> memref<1x128x64xf32, #tpu.memory_space<vmem>>
      %dma_start3A_696 = tpu.memref_squeeze %dma_start3A_695 : memref<1x128x64xf32, #tpu.memory_space<vmem>> -> memref<128x64xf32, #tpu.memory_space<vmem>>
      %dma_start3A_697 = arith.constant 0 : i32
      %dma_start3A_698 = tpu.memref_slice %arg5[%add3A_640, %mul3A_2, %dma_start3A_697] : memref<64x4096x128xf32, #tpu.memory_space<hbm>> -> memref<1x128x64xf32, #tpu.memory_space<hbm>>
      %dma_start3A_699 = tpu.memref_squeeze %dma_start3A_698 : memref<1x128x64xf32, #tpu.memory_space<hbm>> -> memref<128x64xf32, #tpu.memory_space<hbm>>
      %dma_start3A_700 = arith.constant 0 : i32
      %dma_start3A_701 = tpu.memref_slice %arg5[%add3A_640, %mul3A_2, %dma_start3A_700] : memref<64x4096x128xf32, #tpu.memory_space<hbm>> -> memref<1x128x64xf32, #tpu.memory_space<hbm>>
      %dma_start3A_702 = tpu.memref_squeeze %dma_start3A_701 : memref<1x128x64xf32, #tpu.memory_space<hbm>> -> memref<128x64xf32, #tpu.memory_space<hbm>>
      %dma_start3A_703 = arith.constant 0 : i32
      %dma_start3A_704 = arith.constant 0 : i32
      %dma_start3A_705 = tpu.memref_slice %arg7[%dma_start3A_692, %dma_start3A_703, %dma_start3A_704] : memref<8x128x64xf32, #tpu.memory_space<vmem>> -> memref<1x128x64xf32, #tpu.memory_space<vmem>>
      %dma_start3A_706 = tpu.memref_squeeze %dma_start3A_705 : memref<1x128x64xf32, #tpu.memory_space<vmem>> -> memref<128x64xf32, #tpu.memory_space<vmem>>
      tpu.enqueue_dma source(%dma_start3A_706 : memref<128x64xf32, #tpu.memory_space<vmem>>) target(%dma_start3A_702 : memref<128x64xf32, #tpu.memory_space<hbm>>) target_semaphore(%arg19 : memref<!tpu.dma_semaphore, #tpu.memory_space<semaphore_mem>>)
      %add3A_707 = arith.constant 8 : i32
      %add3A_708 = arith.addi %add3A_640, %add3A_707 : i32
      %sub3A_709 = arith.constant 1 : i32
      %sub3A_710 = arith.subi %add3A_708, %sub3A_709 : i32
      %lt3A_711 = arith.constant 64 : i32
      %lt3A_712 = arith.cmpi slt, %sub3A_710, %lt3A_711 : i32
      %convert_element_type3A_713 = arith.extui %lt3A_712 : i1 to i32
      %cond3A_714 = arith.constant 0 : i32
      %cond3A_715 = arith.cmpi ne, %convert_element_type3A_713, %cond3A_714 : i32
      scf.if %cond3A_715 {
        %ge3A_1084 = arith.constant 8 : i32
        %ge3A_1085 = arith.cmpi sge, %sub3A_710, %ge3A_1084 : i32
        %convert_element_type3A_1086 = arith.extui %ge3A_1085 : i1 to i32
        %cond3A_1087 = arith.constant 0 : i32
        %cond3A_1088 = arith.cmpi ne, %convert_element_type3A_1086, %cond3A_1087 : i32
        scf.if %cond3A_1088 {
          %sub3A_1102 = arith.constant 8 : i32
          %sub3A_1103 = arith.subi %sub3A_710, %sub3A_1102 : i32
          %dma_wait3A_1104 = arith.constant 2 : i32
          %dma_wait3A_1105 = arith.constant 0 : i32
          %dma_wait3A_1106 = arith.constant 0 : i32
          %dma_wait3A_1107 = tpu.memref_slice %arg7[%dma_wait3A_1104, %dma_wait3A_1105, %dma_wait3A_1106] : memref<8x128x64xf32, #tpu.memory_space<vmem>> -> memref<1x128x64xf32, #tpu.memory_space<vmem>>
          %dma_wait3A_1108 = tpu.memref_squeeze %dma_wait3A_1107 : memref<1x128x64xf32, #tpu.memory_space<vmem>> -> memref<128x64xf32, #tpu.memory_space<vmem>>
          %dma_wait3A_1109 = arith.constant 0 : i32
          %dma_wait3A_1110 = tpu.memref_slice %arg5[%sub3A_1103, %mul3A_2, %dma_wait3A_1109] : memref<64x4096x128xf32, #tpu.memory_space<hbm>> -> memref<1x128x64xf32, #tpu.memory_space<hbm>>
          %dma_wait3A_1111 = tpu.memref_squeeze %dma_wait3A_1110 : memref<1x128x64xf32, #tpu.memory_space<hbm>> -> memref<128x64xf32, #tpu.memory_space<hbm>>
          %dma_wait3A_1112 = arith.constant 0 : i32
          %dma_wait3A_1113 = tpu.memref_slice %arg5[%sub3A_1103, %mul3A_2, %dma_wait3A_1112] : memref<64x4096x128xf32, #tpu.memory_space<hbm>> -> memref<1x128x64xf32, #tpu.memory_space<hbm>>
          %dma_wait3A_1114 = tpu.memref_squeeze %dma_wait3A_1113 : memref<1x128x64xf32, #tpu.memory_space<hbm>> -> memref<128x64xf32, #tpu.memory_space<hbm>>
          %dma_wait3A_1115 = arith.constant 0 : i32
          %dma_wait3A_1116 = arith.constant 0 : i32
          %dma_wait3A_1117 = tpu.memref_slice %arg7[%dma_wait3A_1104, %dma_wait3A_1115, %dma_wait3A_1116] : memref<8x128x64xf32, #tpu.memory_space<vmem>> -> memref<1x128x64xf32, #tpu.memory_space<vmem>>
          %dma_wait3A_1118 = tpu.memref_squeeze %dma_wait3A_1117 : memref<1x128x64xf32, #tpu.memory_space<vmem>> -> memref<128x64xf32, #tpu.memory_space<vmem>>
          tpu.wait_dma2 semaphore(%arg18 : memref<!tpu.dma_semaphore, #tpu.memory_space<semaphore_mem>>) src(%dma_wait3A_1118 : memref<128x64xf32, #tpu.memory_space<vmem>>) dst(%dma_wait3A_1114 : memref<128x64xf32, #tpu.memory_space<hbm>>)
        } else {
        }
        %dma_start3A_1089 = arith.constant 2 : i32
        %dma_start3A_1090 = arith.constant 0 : i32
        %dma_start3A_1091 = arith.constant 0 : i32
        %dma_start3A_1092 = tpu.memref_slice %arg7[%dma_start3A_1089, %dma_start3A_1090, %dma_start3A_1091] : memref<8x128x64xf32, #tpu.memory_space<vmem>> -> memref<1x128x64xf32, #tpu.memory_space<vmem>>
        %dma_start3A_1093 = tpu.memref_squeeze %dma_start3A_1092 : memref<1x128x64xf32, #tpu.memory_space<vmem>> -> memref<128x64xf32, #tpu.memory_space<vmem>>
        %dma_start3A_1094 = arith.constant 0 : i32
        %dma_start3A_1095 = tpu.memref_slice %arg4[%mul3A_2, %dma_start3A_1094] : memref<4096x64xf32, #tpu.memory_space<hbm>> -> memref<128x64xf32, #tpu.memory_space<hbm>>
        %dma_start3A_1096 = arith.constant 0 : i32
        %dma_start3A_1097 = arith.constant 0 : i32
        %dma_start3A_1098 = tpu.memref_slice %arg7[%dma_start3A_1089, %dma_start3A_1096, %dma_start3A_1097] : memref<8x128x64xf32, #tpu.memory_space<vmem>> -> memref<1x128x64xf32, #tpu.memory_space<vmem>>
        %dma_start3A_1099 = tpu.memref_squeeze %dma_start3A_1098 : memref<1x128x64xf32, #tpu.memory_space<vmem>> -> memref<128x64xf32, #tpu.memory_space<vmem>>
        %dma_start3A_1100 = arith.constant 0 : i32
        %dma_start3A_1101 = tpu.memref_slice %arg4[%mul3A_2, %dma_start3A_1100] : memref<4096x64xf32, #tpu.memory_space<hbm>> -> memref<128x64xf32, #tpu.memory_space<hbm>>
        tpu.enqueue_dma source(%dma_start3A_1101 : memref<128x64xf32, #tpu.memory_space<hbm>>) target(%dma_start3A_1099 : memref<128x64xf32, #tpu.memory_space<vmem>>) target_semaphore(%arg26 : memref<!tpu.dma_semaphore, #tpu.memory_space<semaphore_mem>>)
      } else {
      }
      %add3A_716 = arith.constant 8 : i32
      %add3A_717 = arith.addi %add3A_640, %add3A_716 : i32
      %sub3A_718 = arith.constant 2 : i32
      %sub3A_719 = arith.subi %add3A_717, %sub3A_718 : i32
      %ge3A_720 = arith.constant 6 : i32
      %ge3A_721 = arith.cmpi sge, %sub3A_719, %ge3A_720 : i32
      %lt3A_722 = arith.constant 64 : i32
      %lt3A_723 = arith.cmpi slt, %sub3A_719, %lt3A_722 : i32
      %and3A_724 = arith.andi %ge3A_721, %lt3A_723 : i1
      %convert_element_type3A_725 = arith.extui %and3A_724 : i1 to i32
      %cond3A_726 = arith.constant 0 : i32
      %cond3A_727 = arith.cmpi ne, %convert_element_type3A_725, %cond3A_726 : i32
      scf.if %cond3A_727 {
        %dma_wait3A_1084 = arith.constant 1 : i32
        %dma_wait3A_1085 = arith.constant 0 : i32
        %dma_wait3A_1086 = arith.constant 0 : i32
        %dma_wait3A_1087 = tpu.memref_slice %arg7[%dma_wait3A_1084, %dma_wait3A_1085, %dma_wait3A_1086] : memref<8x128x64xf32, #tpu.memory_space<vmem>> -> memref<1x128x64xf32, #tpu.memory_space<vmem>>
        %dma_wait3A_1088 = tpu.memref_squeeze %dma_wait3A_1087 : memref<1x128x64xf32, #tpu.memory_space<vmem>> -> memref<128x64xf32, #tpu.memory_space<vmem>>
        %dma_wait3A_1089 = arith.constant 0 : i32
        %dma_wait3A_1090 = tpu.memref_slice %arg4[%mul3A_2, %dma_wait3A_1089] : memref<4096x64xf32, #tpu.memory_space<hbm>> -> memref<128x64xf32, #tpu.memory_space<hbm>>
        %dma_wait3A_1091 = arith.constant 0 : i32
        %dma_wait3A_1092 = arith.constant 0 : i32
        %dma_wait3A_1093 = tpu.memref_slice %arg7[%dma_wait3A_1084, %dma_wait3A_1091, %dma_wait3A_1092] : memref<8x128x64xf32, #tpu.memory_space<vmem>> -> memref<1x128x64xf32, #tpu.memory_space<vmem>>
        %dma_wait3A_1094 = tpu.memref_squeeze %dma_wait3A_1093 : memref<1x128x64xf32, #tpu.memory_space<vmem>> -> memref<128x64xf32, #tpu.memory_space<vmem>>
        %dma_wait3A_1095 = arith.constant 0 : i32
        %dma_wait3A_1096 = tpu.memref_slice %arg4[%mul3A_2, %dma_wait3A_1095] : memref<4096x64xf32, #tpu.memory_space<hbm>> -> memref<128x64xf32, #tpu.memory_space<hbm>>
        tpu.wait_dma2 semaphore(%arg25 : memref<!tpu.dma_semaphore, #tpu.memory_space<semaphore_mem>>) src(%dma_wait3A_1096 : memref<128x64xf32, #tpu.memory_space<hbm>>) dst(%dma_wait3A_1094 : memref<128x64xf32, #tpu.memory_space<vmem>>)
        %jit3A_1097 = arith.constant 8 : i32
        %div3A_1098 = arith.divsi %sub3A_719, %jit3A_1097 : i32
        %sign3A_1099 = arith.constant 0 : i32
        %sign3A_1100 = arith.cmpi sgt, %sub3A_719, %sign3A_1099 : i32
        %sign3A_1101 = arith.extui %sign3A_1100 : i1 to i32
        %sign3A_1102 = arith.constant 0 : i32
        %sign3A_1103 = arith.cmpi slt, %sub3A_719, %sign3A_1102 : i32
        %sign3A_1104 = arith.extui %sign3A_1103 : i1 to i32
        %sign3A_1105 = arith.subi %sign3A_1101, %sign3A_1104 : i32
        %sign3A_1106 = arith.constant 0 : i32
        %sign3A_1107 = arith.cmpi sgt, %jit3A_1097, %sign3A_1106 : i32
        %sign3A_1108 = arith.extui %sign3A_1107 : i1 to i32
        %sign3A_1109 = arith.constant 0 : i32
        %sign3A_1110 = arith.cmpi slt, %jit3A_1097, %sign3A_1109 : i32
        %sign3A_1111 = arith.extui %sign3A_1110 : i1 to i32
        %sign3A_1112 = arith.subi %sign3A_1108, %sign3A_1111 : i32
        %ne3A_1113 = arith.cmpi ne, %sign3A_1105, %sign3A_1112 : i32
        %rem3A_1114 = arith.remsi %sub3A_719, %jit3A_1097 : i32
        %ne3A_1115 = arith.constant 0 : i32
        %ne3A_1116 = arith.cmpi ne, %rem3A_1114, %ne3A_1115 : i32
        %and3A_1117 = arith.andi %ne3A_1113, %ne3A_1116 : i1
        %sub3A_1118 = arith.constant 1 : i32
        %sub3A_1119 = arith.subi %div3A_1098, %sub3A_1118 : i32
        %select_n3A_1120 = arith.select %and3A_1117, %sub3A_1119, %div3A_1098 : i32
        %jit3A_1121 = arith.constant 8 : i32
        %eq3A_1122 = arith.constant 0 : i32
        %eq3A_1123 = arith.cmpi eq, %jit3A_1121, %eq3A_1122 : i32
        %jit3A_1124 = arith.constant 1 : i32
        %select_n3A_1125 = arith.select %eq3A_1123, %jit3A_1124, %jit3A_1121 : i32
        %rem3A_1126 = arith.remsi %sub3A_719, %select_n3A_1125 : i32
        %ne3A_1127 = arith.constant 0 : i32
        %ne3A_1128 = arith.cmpi ne, %rem3A_1126, %ne3A_1127 : i32
        %lt3A_1129 = arith.constant 0 : i32
        %lt3A_1130 = arith.cmpi slt, %rem3A_1126, %lt3A_1129 : i32
        %lt3A_1131 = arith.constant 0 : i32
        %lt3A_1132 = arith.cmpi slt, %select_n3A_1125, %lt3A_1131 : i32
        %ne3A_1133 = arith.xori %lt3A_1130, %lt3A_1132 : i1
        %and3A_1134 = arith.andi %ne3A_1133, %ne3A_1128 : i1
        %add3A_1135 = arith.addi %rem3A_1126, %select_n3A_1125 : i32
        %select_n3A_1136 = arith.select %and3A_1134, %add3A_1135, %rem3A_1126 : i32
        %dma_start3A_1137 = arith.constant 1 : i32
        %dma_start3A_1138 = arith.constant 0 : i32
        %dma_start3A_1139 = arith.constant 0 : i32
        %dma_start3A_1140 = tpu.memref_slice %arg7[%dma_start3A_1137, %dma_start3A_1138, %dma_start3A_1139] : memref<8x128x64xf32, #tpu.memory_space<vmem>> -> memref<1x128x64xf32, #tpu.memory_space<vmem>>
        %dma_start3A_1141 = tpu.memref_squeeze %dma_start3A_1140 : memref<1x128x64xf32, #tpu.memory_space<vmem>> -> memref<128x64xf32, #tpu.memory_space<vmem>>
        %dma_start3A_1142 = arith.constant 0 : i32
        %dma_start3A_1143 = tpu.memref_slice %arg6[%select_n3A_1120, %select_n3A_1136, %dma_start3A_1142] : memref<8x8x128xi32, #tpu.memory_space<vmem>> -> memref<1x1x128xi32, #tpu.memory_space<vmem>>
        %dma_start3A_1144 = tpu.memref_squeeze %dma_start3A_1143 : memref<1x1x128xi32, #tpu.memory_space<vmem>> -> memref<128xi32, #tpu.memory_space<vmem>>
        %dma_start3A_1145 = arith.constant 0 : i32
        %dma_start3A_1146 = arith.constant 0 : i32
        %dma_start3A_1147 = tpu.memref_slice %arg3[%dma_start3A_1145, %dma_start3A_1146] : memref<100000x64xf32, #tpu.memory_space<hbm>> -> memref<100000x64xf32, #tpu.memory_space<hbm>>
        tpu.enqueue_indirect_dma source(%dma_start3A_1147 : memref<100000x64xf32, #tpu.memory_space<hbm>>) target(%dma_start3A_1141 : memref<128x64xf32, #tpu.memory_space<vmem>>) offsets(%dma_start3A_1144 : memref<128xi32, #tpu.memory_space<vmem>>) semaphore(%arg9 : memref<!tpu.dma_semaphore, #tpu.memory_space<semaphore_mem>>) {add = true}
      } else {
      }
      %add3A_728 = arith.constant 4 : i32
      %add3A_729 = arith.addi %add3A_384, %add3A_728 : i32
      %jit3A_730 = arith.constant 8 : i32
      %div3A_731 = arith.divsi %add3A_729, %jit3A_730 : i32
      %sign3A_732 = arith.constant 0 : i32
      %sign3A_733 = arith.cmpi sgt, %add3A_729, %sign3A_732 : i32
      %sign3A_734 = arith.extui %sign3A_733 : i1 to i32
      %sign3A_735 = arith.constant 0 : i32
      %sign3A_736 = arith.cmpi slt, %add3A_729, %sign3A_735 : i32
      %sign3A_737 = arith.extui %sign3A_736 : i1 to i32
      %sign3A_738 = arith.subi %sign3A_734, %sign3A_737 : i32
      %sign3A_739 = arith.constant 0 : i32
      %sign3A_740 = arith.cmpi sgt, %jit3A_730, %sign3A_739 : i32
      %sign3A_741 = arith.extui %sign3A_740 : i1 to i32
      %sign3A_742 = arith.constant 0 : i32
      %sign3A_743 = arith.cmpi slt, %jit3A_730, %sign3A_742 : i32
      %sign3A_744 = arith.extui %sign3A_743 : i1 to i32
      %sign3A_745 = arith.subi %sign3A_741, %sign3A_744 : i32
      %ne3A_746 = arith.cmpi ne, %sign3A_738, %sign3A_745 : i32
      %rem3A_747 = arith.remsi %add3A_729, %jit3A_730 : i32
      %ne3A_748 = arith.constant 0 : i32
      %ne3A_749 = arith.cmpi ne, %rem3A_747, %ne3A_748 : i32
      %and3A_750 = arith.andi %ne3A_746, %ne3A_749 : i1
      %sub3A_751 = arith.constant 1 : i32
      %sub3A_752 = arith.subi %div3A_731, %sub3A_751 : i32
      %select_n3A_753 = arith.select %and3A_750, %sub3A_752, %div3A_731 : i32
      %jit3A_754 = arith.constant 8 : i32
      %eq3A_755 = arith.constant 0 : i32
      %eq3A_756 = arith.cmpi eq, %jit3A_754, %eq3A_755 : i32
      %jit3A_757 = arith.constant 1 : i32
      %select_n3A_758 = arith.select %eq3A_756, %jit3A_757, %jit3A_754 : i32
      %rem3A_759 = arith.remsi %add3A_729, %select_n3A_758 : i32
      %ne3A_760 = arith.constant 0 : i32
      %ne3A_761 = arith.cmpi ne, %rem3A_759, %ne3A_760 : i32
      %lt3A_762 = arith.constant 0 : i32
      %lt3A_763 = arith.cmpi slt, %rem3A_759, %lt3A_762 : i32
      %lt3A_764 = arith.constant 0 : i32
      %lt3A_765 = arith.cmpi slt, %select_n3A_758, %lt3A_764 : i32
      %ne3A_766 = arith.xori %lt3A_763, %lt3A_765 : i1
      %and3A_767 = arith.andi %ne3A_766, %ne3A_761 : i1
      %add3A_768 = arith.addi %rem3A_759, %select_n3A_758 : i32
      %select_n3A_769 = arith.select %and3A_767, %add3A_768, %rem3A_759 : i32
      %dma_wait3A_770 = arith.constant 4 : i32
      %dma_wait3A_771 = arith.constant 0 : i32
      %dma_wait3A_772 = arith.constant 0 : i32
      %dma_wait3A_773 = tpu.memref_slice %arg7[%dma_wait3A_770, %dma_wait3A_771, %dma_wait3A_772] : memref<8x128x64xf32, #tpu.memory_space<vmem>> -> memref<1x128x64xf32, #tpu.memory_space<vmem>>
      %dma_wait3A_774 = tpu.memref_squeeze %dma_wait3A_773 : memref<1x128x64xf32, #tpu.memory_space<vmem>> -> memref<128x64xf32, #tpu.memory_space<vmem>>
      %dma_wait3A_775 = arith.constant 0 : i32
      %dma_wait3A_776 = tpu.memref_slice %arg6[%select_n3A_753, %select_n3A_769, %dma_wait3A_775] : memref<8x8x128xi32, #tpu.memory_space<vmem>> -> memref<1x1x128xi32, #tpu.memory_space<vmem>>
      %dma_wait3A_777 = tpu.memref_squeeze %dma_wait3A_776 : memref<1x1x128xi32, #tpu.memory_space<vmem>> -> memref<128xi32, #tpu.memory_space<vmem>>
      %dma_wait3A_778 = arith.constant 0 : i32
      %dma_wait3A_779 = arith.constant 0 : i32
      %dma_wait3A_780 = tpu.memref_slice %arg3[%dma_wait3A_778, %dma_wait3A_779] : memref<100000x64xf32, #tpu.memory_space<hbm>> -> memref<100000x64xf32, #tpu.memory_space<hbm>>
      tpu.wait_indirect_dma semaphore(%arg12 : memref<!tpu.dma_semaphore, #tpu.memory_space<semaphore_mem>>) src(%dma_wait3A_780 : memref<100000x64xf32, #tpu.memory_space<hbm>>) dst(%dma_wait3A_774 : memref<128x64xf32, #tpu.memory_space<vmem>>)
      %dma_start3A_781 = arith.constant 4 : i32
      %dma_start3A_782 = arith.constant 0 : i32
      %dma_start3A_783 = arith.constant 0 : i32
      %dma_start3A_784 = tpu.memref_slice %arg7[%dma_start3A_781, %dma_start3A_782, %dma_start3A_783] : memref<8x128x64xf32, #tpu.memory_space<vmem>> -> memref<1x128x64xf32, #tpu.memory_space<vmem>>
      %dma_start3A_785 = tpu.memref_squeeze %dma_start3A_784 : memref<1x128x64xf32, #tpu.memory_space<vmem>> -> memref<128x64xf32, #tpu.memory_space<vmem>>
      %dma_start3A_786 = arith.constant 0 : i32
      %dma_start3A_787 = tpu.memref_slice %arg5[%add3A_729, %mul3A_2, %dma_start3A_786] : memref<64x4096x128xf32, #tpu.memory_space<hbm>> -> memref<1x128x64xf32, #tpu.memory_space<hbm>>
      %dma_start3A_788 = tpu.memref_squeeze %dma_start3A_787 : memref<1x128x64xf32, #tpu.memory_space<hbm>> -> memref<128x64xf32, #tpu.memory_space<hbm>>
      %dma_start3A_789 = arith.constant 0 : i32
      %dma_start3A_790 = tpu.memref_slice %arg5[%add3A_729, %mul3A_2, %dma_start3A_789] : memref<64x4096x128xf32, #tpu.memory_space<hbm>> -> memref<1x128x64xf32, #tpu.memory_space<hbm>>
      %dma_start3A_791 = tpu.memref_squeeze %dma_start3A_790 : memref<1x128x64xf32, #tpu.memory_space<hbm>> -> memref<128x64xf32, #tpu.memory_space<hbm>>
      %dma_start3A_792 = arith.constant 0 : i32
      %dma_start3A_793 = arith.constant 0 : i32
      %dma_start3A_794 = tpu.memref_slice %arg7[%dma_start3A_781, %dma_start3A_792, %dma_start3A_793] : memref<8x128x64xf32, #tpu.memory_space<vmem>> -> memref<1x128x64xf32, #tpu.memory_space<vmem>>
      %dma_start3A_795 = tpu.memref_squeeze %dma_start3A_794 : memref<1x128x64xf32, #tpu.memory_space<vmem>> -> memref<128x64xf32, #tpu.memory_space<vmem>>
      tpu.enqueue_dma source(%dma_start3A_795 : memref<128x64xf32, #tpu.memory_space<vmem>>) target(%dma_start3A_791 : memref<128x64xf32, #tpu.memory_space<hbm>>) target_semaphore(%arg20 : memref<!tpu.dma_semaphore, #tpu.memory_space<semaphore_mem>>)
      %add3A_796 = arith.constant 8 : i32
      %add3A_797 = arith.addi %add3A_729, %add3A_796 : i32
      %sub3A_798 = arith.constant 1 : i32
      %sub3A_799 = arith.subi %add3A_797, %sub3A_798 : i32
      %lt3A_800 = arith.constant 64 : i32
      %lt3A_801 = arith.cmpi slt, %sub3A_799, %lt3A_800 : i32
      %convert_element_type3A_802 = arith.extui %lt3A_801 : i1 to i32
      %cond3A_803 = arith.constant 0 : i32
      %cond3A_804 = arith.cmpi ne, %convert_element_type3A_802, %cond3A_803 : i32
      scf.if %cond3A_804 {
        %ge3A_1084 = arith.constant 8 : i32
        %ge3A_1085 = arith.cmpi sge, %sub3A_799, %ge3A_1084 : i32
        %convert_element_type3A_1086 = arith.extui %ge3A_1085 : i1 to i32
        %cond3A_1087 = arith.constant 0 : i32
        %cond3A_1088 = arith.cmpi ne, %convert_element_type3A_1086, %cond3A_1087 : i32
        scf.if %cond3A_1088 {
          %sub3A_1102 = arith.constant 8 : i32
          %sub3A_1103 = arith.subi %sub3A_799, %sub3A_1102 : i32
          %dma_wait3A_1104 = arith.constant 3 : i32
          %dma_wait3A_1105 = arith.constant 0 : i32
          %dma_wait3A_1106 = arith.constant 0 : i32
          %dma_wait3A_1107 = tpu.memref_slice %arg7[%dma_wait3A_1104, %dma_wait3A_1105, %dma_wait3A_1106] : memref<8x128x64xf32, #tpu.memory_space<vmem>> -> memref<1x128x64xf32, #tpu.memory_space<vmem>>
          %dma_wait3A_1108 = tpu.memref_squeeze %dma_wait3A_1107 : memref<1x128x64xf32, #tpu.memory_space<vmem>> -> memref<128x64xf32, #tpu.memory_space<vmem>>
          %dma_wait3A_1109 = arith.constant 0 : i32
          %dma_wait3A_1110 = tpu.memref_slice %arg5[%sub3A_1103, %mul3A_2, %dma_wait3A_1109] : memref<64x4096x128xf32, #tpu.memory_space<hbm>> -> memref<1x128x64xf32, #tpu.memory_space<hbm>>
          %dma_wait3A_1111 = tpu.memref_squeeze %dma_wait3A_1110 : memref<1x128x64xf32, #tpu.memory_space<hbm>> -> memref<128x64xf32, #tpu.memory_space<hbm>>
          %dma_wait3A_1112 = arith.constant 0 : i32
          %dma_wait3A_1113 = tpu.memref_slice %arg5[%sub3A_1103, %mul3A_2, %dma_wait3A_1112] : memref<64x4096x128xf32, #tpu.memory_space<hbm>> -> memref<1x128x64xf32, #tpu.memory_space<hbm>>
          %dma_wait3A_1114 = tpu.memref_squeeze %dma_wait3A_1113 : memref<1x128x64xf32, #tpu.memory_space<hbm>> -> memref<128x64xf32, #tpu.memory_space<hbm>>
          %dma_wait3A_1115 = arith.constant 0 : i32
          %dma_wait3A_1116 = arith.constant 0 : i32
          %dma_wait3A_1117 = tpu.memref_slice %arg7[%dma_wait3A_1104, %dma_wait3A_1115, %dma_wait3A_1116] : memref<8x128x64xf32, #tpu.memory_space<vmem>> -> memref<1x128x64xf32, #tpu.memory_space<vmem>>
          %dma_wait3A_1118 = tpu.memref_squeeze %dma_wait3A_1117 : memref<1x128x64xf32, #tpu.memory_space<vmem>> -> memref<128x64xf32, #tpu.memory_space<vmem>>
          tpu.wait_dma2 semaphore(%arg19 : memref<!tpu.dma_semaphore, #tpu.memory_space<semaphore_mem>>) src(%dma_wait3A_1118 : memref<128x64xf32, #tpu.memory_space<vmem>>) dst(%dma_wait3A_1114 : memref<128x64xf32, #tpu.memory_space<hbm>>)
        } else {
        }
        %dma_start3A_1089 = arith.constant 3 : i32
        %dma_start3A_1090 = arith.constant 0 : i32
        %dma_start3A_1091 = arith.constant 0 : i32
        %dma_start3A_1092 = tpu.memref_slice %arg7[%dma_start3A_1089, %dma_start3A_1090, %dma_start3A_1091] : memref<8x128x64xf32, #tpu.memory_space<vmem>> -> memref<1x128x64xf32, #tpu.memory_space<vmem>>
        %dma_start3A_1093 = tpu.memref_squeeze %dma_start3A_1092 : memref<1x128x64xf32, #tpu.memory_space<vmem>> -> memref<128x64xf32, #tpu.memory_space<vmem>>
        %dma_start3A_1094 = arith.constant 0 : i32
        %dma_start3A_1095 = tpu.memref_slice %arg4[%mul3A_2, %dma_start3A_1094] : memref<4096x64xf32, #tpu.memory_space<hbm>> -> memref<128x64xf32, #tpu.memory_space<hbm>>
        %dma_start3A_1096 = arith.constant 0 : i32
        %dma_start3A_1097 = arith.constant 0 : i32
        %dma_start3A_1098 = tpu.memref_slice %arg7[%dma_start3A_1089, %dma_start3A_1096, %dma_start3A_1097] : memref<8x128x64xf32, #tpu.memory_space<vmem>> -> memref<1x128x64xf32, #tpu.memory_space<vmem>>
        %dma_start3A_1099 = tpu.memref_squeeze %dma_start3A_1098 : memref<1x128x64xf32, #tpu.memory_space<vmem>> -> memref<128x64xf32, #tpu.memory_space<vmem>>
        %dma_start3A_1100 = arith.constant 0 : i32
        %dma_start3A_1101 = tpu.memref_slice %arg4[%mul3A_2, %dma_start3A_1100] : memref<4096x64xf32, #tpu.memory_space<hbm>> -> memref<128x64xf32, #tpu.memory_space<hbm>>
        tpu.enqueue_dma source(%dma_start3A_1101 : memref<128x64xf32, #tpu.memory_space<hbm>>) target(%dma_start3A_1099 : memref<128x64xf32, #tpu.memory_space<vmem>>) target_semaphore(%arg27 : memref<!tpu.dma_semaphore, #tpu.memory_space<semaphore_mem>>)
      } else {
      }
      %add3A_805 = arith.constant 8 : i32
      %add3A_806 = arith.addi %add3A_729, %add3A_805 : i32
      %sub3A_807 = arith.constant 2 : i32
      %sub3A_808 = arith.subi %add3A_806, %sub3A_807 : i32
      %ge3A_809 = arith.constant 6 : i32
      %ge3A_810 = arith.cmpi sge, %sub3A_808, %ge3A_809 : i32
      %lt3A_811 = arith.constant 64 : i32
      %lt3A_812 = arith.cmpi slt, %sub3A_808, %lt3A_811 : i32
      %and3A_813 = arith.andi %ge3A_810, %lt3A_812 : i1
      %convert_element_type3A_814 = arith.extui %and3A_813 : i1 to i32
      %cond3A_815 = arith.constant 0 : i32
      %cond3A_816 = arith.cmpi ne, %convert_element_type3A_814, %cond3A_815 : i32
      scf.if %cond3A_816 {
        %dma_wait3A_1084 = arith.constant 2 : i32
        %dma_wait3A_1085 = arith.constant 0 : i32
        %dma_wait3A_1086 = arith.constant 0 : i32
        %dma_wait3A_1087 = tpu.memref_slice %arg7[%dma_wait3A_1084, %dma_wait3A_1085, %dma_wait3A_1086] : memref<8x128x64xf32, #tpu.memory_space<vmem>> -> memref<1x128x64xf32, #tpu.memory_space<vmem>>
        %dma_wait3A_1088 = tpu.memref_squeeze %dma_wait3A_1087 : memref<1x128x64xf32, #tpu.memory_space<vmem>> -> memref<128x64xf32, #tpu.memory_space<vmem>>
        %dma_wait3A_1089 = arith.constant 0 : i32
        %dma_wait3A_1090 = tpu.memref_slice %arg4[%mul3A_2, %dma_wait3A_1089] : memref<4096x64xf32, #tpu.memory_space<hbm>> -> memref<128x64xf32, #tpu.memory_space<hbm>>
        %dma_wait3A_1091 = arith.constant 0 : i32
        %dma_wait3A_1092 = arith.constant 0 : i32
        %dma_wait3A_1093 = tpu.memref_slice %arg7[%dma_wait3A_1084, %dma_wait3A_1091, %dma_wait3A_1092] : memref<8x128x64xf32, #tpu.memory_space<vmem>> -> memref<1x128x64xf32, #tpu.memory_space<vmem>>
        %dma_wait3A_1094 = tpu.memref_squeeze %dma_wait3A_1093 : memref<1x128x64xf32, #tpu.memory_space<vmem>> -> memref<128x64xf32, #tpu.memory_space<vmem>>
        %dma_wait3A_1095 = arith.constant 0 : i32
        %dma_wait3A_1096 = tpu.memref_slice %arg4[%mul3A_2, %dma_wait3A_1095] : memref<4096x64xf32, #tpu.memory_space<hbm>> -> memref<128x64xf32, #tpu.memory_space<hbm>>
        tpu.wait_dma2 semaphore(%arg26 : memref<!tpu.dma_semaphore, #tpu.memory_space<semaphore_mem>>) src(%dma_wait3A_1096 : memref<128x64xf32, #tpu.memory_space<hbm>>) dst(%dma_wait3A_1094 : memref<128x64xf32, #tpu.memory_space<vmem>>)
        %jit3A_1097 = arith.constant 8 : i32
        %div3A_1098 = arith.divsi %sub3A_808, %jit3A_1097 : i32
        %sign3A_1099 = arith.constant 0 : i32
        %sign3A_1100 = arith.cmpi sgt, %sub3A_808, %sign3A_1099 : i32
        %sign3A_1101 = arith.extui %sign3A_1100 : i1 to i32
        %sign3A_1102 = arith.constant 0 : i32
        %sign3A_1103 = arith.cmpi slt, %sub3A_808, %sign3A_1102 : i32
        %sign3A_1104 = arith.extui %sign3A_1103 : i1 to i32
        %sign3A_1105 = arith.subi %sign3A_1101, %sign3A_1104 : i32
        %sign3A_1106 = arith.constant 0 : i32
        %sign3A_1107 = arith.cmpi sgt, %jit3A_1097, %sign3A_1106 : i32
        %sign3A_1108 = arith.extui %sign3A_1107 : i1 to i32
        %sign3A_1109 = arith.constant 0 : i32
        %sign3A_1110 = arith.cmpi slt, %jit3A_1097, %sign3A_1109 : i32
        %sign3A_1111 = arith.extui %sign3A_1110 : i1 to i32
        %sign3A_1112 = arith.subi %sign3A_1108, %sign3A_1111 : i32
        %ne3A_1113 = arith.cmpi ne, %sign3A_1105, %sign3A_1112 : i32
        %rem3A_1114 = arith.remsi %sub3A_808, %jit3A_1097 : i32
        %ne3A_1115 = arith.constant 0 : i32
        %ne3A_1116 = arith.cmpi ne, %rem3A_1114, %ne3A_1115 : i32
        %and3A_1117 = arith.andi %ne3A_1113, %ne3A_1116 : i1
        %sub3A_1118 = arith.constant 1 : i32
        %sub3A_1119 = arith.subi %div3A_1098, %sub3A_1118 : i32
        %select_n3A_1120 = arith.select %and3A_1117, %sub3A_1119, %div3A_1098 : i32
        %jit3A_1121 = arith.constant 8 : i32
        %eq3A_1122 = arith.constant 0 : i32
        %eq3A_1123 = arith.cmpi eq, %jit3A_1121, %eq3A_1122 : i32
        %jit3A_1124 = arith.constant 1 : i32
        %select_n3A_1125 = arith.select %eq3A_1123, %jit3A_1124, %jit3A_1121 : i32
        %rem3A_1126 = arith.remsi %sub3A_808, %select_n3A_1125 : i32
        %ne3A_1127 = arith.constant 0 : i32
        %ne3A_1128 = arith.cmpi ne, %rem3A_1126, %ne3A_1127 : i32
        %lt3A_1129 = arith.constant 0 : i32
        %lt3A_1130 = arith.cmpi slt, %rem3A_1126, %lt3A_1129 : i32
        %lt3A_1131 = arith.constant 0 : i32
        %lt3A_1132 = arith.cmpi slt, %select_n3A_1125, %lt3A_1131 : i32
        %ne3A_1133 = arith.xori %lt3A_1130, %lt3A_1132 : i1
        %and3A_1134 = arith.andi %ne3A_1133, %ne3A_1128 : i1
        %add3A_1135 = arith.addi %rem3A_1126, %select_n3A_1125 : i32
        %select_n3A_1136 = arith.select %and3A_1134, %add3A_1135, %rem3A_1126 : i32
        %dma_start3A_1137 = arith.constant 2 : i32
        %dma_start3A_1138 = arith.constant 0 : i32
        %dma_start3A_1139 = arith.constant 0 : i32
        %dma_start3A_1140 = tpu.memref_slice %arg7[%dma_start3A_1137, %dma_start3A_1138, %dma_start3A_1139] : memref<8x128x64xf32, #tpu.memory_space<vmem>> -> memref<1x128x64xf32, #tpu.memory_space<vmem>>
        %dma_start3A_1141 = tpu.memref_squeeze %dma_start3A_1140 : memref<1x128x64xf32, #tpu.memory_space<vmem>> -> memref<128x64xf32, #tpu.memory_space<vmem>>
        %dma_start3A_1142 = arith.constant 0 : i32
        %dma_start3A_1143 = tpu.memref_slice %arg6[%select_n3A_1120, %select_n3A_1136, %dma_start3A_1142] : memref<8x8x128xi32, #tpu.memory_space<vmem>> -> memref<1x1x128xi32, #tpu.memory_space<vmem>>
        %dma_start3A_1144 = tpu.memref_squeeze %dma_start3A_1143 : memref<1x1x128xi32, #tpu.memory_space<vmem>> -> memref<128xi32, #tpu.memory_space<vmem>>
        %dma_start3A_1145 = arith.constant 0 : i32
        %dma_start3A_1146 = arith.constant 0 : i32
        %dma_start3A_1147 = tpu.memref_slice %arg3[%dma_start3A_1145, %dma_start3A_1146] : memref<100000x64xf32, #tpu.memory_space<hbm>> -> memref<100000x64xf32, #tpu.memory_space<hbm>>
        tpu.enqueue_indirect_dma source(%dma_start3A_1147 : memref<100000x64xf32, #tpu.memory_space<hbm>>) target(%dma_start3A_1141 : memref<128x64xf32, #tpu.memory_space<vmem>>) offsets(%dma_start3A_1144 : memref<128xi32, #tpu.memory_space<vmem>>) semaphore(%arg10 : memref<!tpu.dma_semaphore, #tpu.memory_space<semaphore_mem>>) {add = true}
      } else {
      }
      %add3A_817 = arith.constant 5 : i32
      %add3A_818 = arith.addi %add3A_384, %add3A_817 : i32
      %jit3A_819 = arith.constant 8 : i32
      %div3A_820 = arith.divsi %add3A_818, %jit3A_819 : i32
      %sign3A_821 = arith.constant 0 : i32
      %sign3A_822 = arith.cmpi sgt, %add3A_818, %sign3A_821 : i32
      %sign3A_823 = arith.extui %sign3A_822 : i1 to i32
      %sign3A_824 = arith.constant 0 : i32
      %sign3A_825 = arith.cmpi slt, %add3A_818, %sign3A_824 : i32
      %sign3A_826 = arith.extui %sign3A_825 : i1 to i32
      %sign3A_827 = arith.subi %sign3A_823, %sign3A_826 : i32
      %sign3A_828 = arith.constant 0 : i32
      %sign3A_829 = arith.cmpi sgt, %jit3A_819, %sign3A_828 : i32
      %sign3A_830 = arith.extui %sign3A_829 : i1 to i32
      %sign3A_831 = arith.constant 0 : i32
      %sign3A_832 = arith.cmpi slt, %jit3A_819, %sign3A_831 : i32
      %sign3A_833 = arith.extui %sign3A_832 : i1 to i32
      %sign3A_834 = arith.subi %sign3A_830, %sign3A_833 : i32
      %ne3A_835 = arith.cmpi ne, %sign3A_827, %sign3A_834 : i32
      %rem3A_836 = arith.remsi %add3A_818, %jit3A_819 : i32
      %ne3A_837 = arith.constant 0 : i32
      %ne3A_838 = arith.cmpi ne, %rem3A_836, %ne3A_837 : i32
      %and3A_839 = arith.andi %ne3A_835, %ne3A_838 : i1
      %sub3A_840 = arith.constant 1 : i32
      %sub3A_841 = arith.subi %div3A_820, %sub3A_840 : i32
      %select_n3A_842 = arith.select %and3A_839, %sub3A_841, %div3A_820 : i32
      %jit3A_843 = arith.constant 8 : i32
      %eq3A_844 = arith.constant 0 : i32
      %eq3A_845 = arith.cmpi eq, %jit3A_843, %eq3A_844 : i32
      %jit3A_846 = arith.constant 1 : i32
      %select_n3A_847 = arith.select %eq3A_845, %jit3A_846, %jit3A_843 : i32
      %rem3A_848 = arith.remsi %add3A_818, %select_n3A_847 : i32
      %ne3A_849 = arith.constant 0 : i32
      %ne3A_850 = arith.cmpi ne, %rem3A_848, %ne3A_849 : i32
      %lt3A_851 = arith.constant 0 : i32
      %lt3A_852 = arith.cmpi slt, %rem3A_848, %lt3A_851 : i32
      %lt3A_853 = arith.constant 0 : i32
      %lt3A_854 = arith.cmpi slt, %select_n3A_847, %lt3A_853 : i32
      %ne3A_855 = arith.xori %lt3A_852, %lt3A_854 : i1
      %and3A_856 = arith.andi %ne3A_855, %ne3A_850 : i1
      %add3A_857 = arith.addi %rem3A_848, %select_n3A_847 : i32
      %select_n3A_858 = arith.select %and3A_856, %add3A_857, %rem3A_848 : i32
      %dma_wait3A_859 = arith.constant 5 : i32
      %dma_wait3A_860 = arith.constant 0 : i32
      %dma_wait3A_861 = arith.constant 0 : i32
      %dma_wait3A_862 = tpu.memref_slice %arg7[%dma_wait3A_859, %dma_wait3A_860, %dma_wait3A_861] : memref<8x128x64xf32, #tpu.memory_space<vmem>> -> memref<1x128x64xf32, #tpu.memory_space<vmem>>
      %dma_wait3A_863 = tpu.memref_squeeze %dma_wait3A_862 : memref<1x128x64xf32, #tpu.memory_space<vmem>> -> memref<128x64xf32, #tpu.memory_space<vmem>>
      %dma_wait3A_864 = arith.constant 0 : i32
      %dma_wait3A_865 = tpu.memref_slice %arg6[%select_n3A_842, %select_n3A_858, %dma_wait3A_864] : memref<8x8x128xi32, #tpu.memory_space<vmem>> -> memref<1x1x128xi32, #tpu.memory_space<vmem>>
      %dma_wait3A_866 = tpu.memref_squeeze %dma_wait3A_865 : memref<1x1x128xi32, #tpu.memory_space<vmem>> -> memref<128xi32, #tpu.memory_space<vmem>>
      %dma_wait3A_867 = arith.constant 0 : i32
      %dma_wait3A_868 = arith.constant 0 : i32
      %dma_wait3A_869 = tpu.memref_slice %arg3[%dma_wait3A_867, %dma_wait3A_868] : memref<100000x64xf32, #tpu.memory_space<hbm>> -> memref<100000x64xf32, #tpu.memory_space<hbm>>
      tpu.wait_indirect_dma semaphore(%arg13 : memref<!tpu.dma_semaphore, #tpu.memory_space<semaphore_mem>>) src(%dma_wait3A_869 : memref<100000x64xf32, #tpu.memory_space<hbm>>) dst(%dma_wait3A_863 : memref<128x64xf32, #tpu.memory_space<vmem>>)
      %dma_start3A_870 = arith.constant 5 : i32
      %dma_start3A_871 = arith.constant 0 : i32
      %dma_start3A_872 = arith.constant 0 : i32
      %dma_start3A_873 = tpu.memref_slice %arg7[%dma_start3A_870, %dma_start3A_871, %dma_start3A_872] : memref<8x128x64xf32, #tpu.memory_space<vmem>> -> memref<1x128x64xf32, #tpu.memory_space<vmem>>
      %dma_start3A_874 = tpu.memref_squeeze %dma_start3A_873 : memref<1x128x64xf32, #tpu.memory_space<vmem>> -> memref<128x64xf32, #tpu.memory_space<vmem>>
      %dma_start3A_875 = arith.constant 0 : i32
      %dma_start3A_876 = tpu.memref_slice %arg5[%add3A_818, %mul3A_2, %dma_start3A_875] : memref<64x4096x128xf32, #tpu.memory_space<hbm>> -> memref<1x128x64xf32, #tpu.memory_space<hbm>>
      %dma_start3A_877 = tpu.memref_squeeze %dma_start3A_876 : memref<1x128x64xf32, #tpu.memory_space<hbm>> -> memref<128x64xf32, #tpu.memory_space<hbm>>
      %dma_start3A_878 = arith.constant 0 : i32
      %dma_start3A_879 = tpu.memref_slice %arg5[%add3A_818, %mul3A_2, %dma_start3A_878] : memref<64x4096x128xf32, #tpu.memory_space<hbm>> -> memref<1x128x64xf32, #tpu.memory_space<hbm>>
      %dma_start3A_880 = tpu.memref_squeeze %dma_start3A_879 : memref<1x128x64xf32, #tpu.memory_space<hbm>> -> memref<128x64xf32, #tpu.memory_space<hbm>>
      %dma_start3A_881 = arith.constant 0 : i32
      %dma_start3A_882 = arith.constant 0 : i32
      %dma_start3A_883 = tpu.memref_slice %arg7[%dma_start3A_870, %dma_start3A_881, %dma_start3A_882] : memref<8x128x64xf32, #tpu.memory_space<vmem>> -> memref<1x128x64xf32, #tpu.memory_space<vmem>>
      %dma_start3A_884 = tpu.memref_squeeze %dma_start3A_883 : memref<1x128x64xf32, #tpu.memory_space<vmem>> -> memref<128x64xf32, #tpu.memory_space<vmem>>
      tpu.enqueue_dma source(%dma_start3A_884 : memref<128x64xf32, #tpu.memory_space<vmem>>) target(%dma_start3A_880 : memref<128x64xf32, #tpu.memory_space<hbm>>) target_semaphore(%arg21 : memref<!tpu.dma_semaphore, #tpu.memory_space<semaphore_mem>>)
      %add3A_885 = arith.constant 8 : i32
      %add3A_886 = arith.addi %add3A_818, %add3A_885 : i32
      %sub3A_887 = arith.constant 1 : i32
      %sub3A_888 = arith.subi %add3A_886, %sub3A_887 : i32
      %lt3A_889 = arith.constant 64 : i32
      %lt3A_890 = arith.cmpi slt, %sub3A_888, %lt3A_889 : i32
      %convert_element_type3A_891 = arith.extui %lt3A_890 : i1 to i32
      %cond3A_892 = arith.constant 0 : i32
      %cond3A_893 = arith.cmpi ne, %convert_element_type3A_891, %cond3A_892 : i32
      scf.if %cond3A_893 {
        %ge3A_1084 = arith.constant 8 : i32
        %ge3A_1085 = arith.cmpi sge, %sub3A_888, %ge3A_1084 : i32
        %convert_element_type3A_1086 = arith.extui %ge3A_1085 : i1 to i32
        %cond3A_1087 = arith.constant 0 : i32
        %cond3A_1088 = arith.cmpi ne, %convert_element_type3A_1086, %cond3A_1087 : i32
        scf.if %cond3A_1088 {
          %sub3A_1102 = arith.constant 8 : i32
          %sub3A_1103 = arith.subi %sub3A_888, %sub3A_1102 : i32
          %dma_wait3A_1104 = arith.constant 4 : i32
          %dma_wait3A_1105 = arith.constant 0 : i32
          %dma_wait3A_1106 = arith.constant 0 : i32
          %dma_wait3A_1107 = tpu.memref_slice %arg7[%dma_wait3A_1104, %dma_wait3A_1105, %dma_wait3A_1106] : memref<8x128x64xf32, #tpu.memory_space<vmem>> -> memref<1x128x64xf32, #tpu.memory_space<vmem>>
          %dma_wait3A_1108 = tpu.memref_squeeze %dma_wait3A_1107 : memref<1x128x64xf32, #tpu.memory_space<vmem>> -> memref<128x64xf32, #tpu.memory_space<vmem>>
          %dma_wait3A_1109 = arith.constant 0 : i32
          %dma_wait3A_1110 = tpu.memref_slice %arg5[%sub3A_1103, %mul3A_2, %dma_wait3A_1109] : memref<64x4096x128xf32, #tpu.memory_space<hbm>> -> memref<1x128x64xf32, #tpu.memory_space<hbm>>
          %dma_wait3A_1111 = tpu.memref_squeeze %dma_wait3A_1110 : memref<1x128x64xf32, #tpu.memory_space<hbm>> -> memref<128x64xf32, #tpu.memory_space<hbm>>
          %dma_wait3A_1112 = arith.constant 0 : i32
          %dma_wait3A_1113 = tpu.memref_slice %arg5[%sub3A_1103, %mul3A_2, %dma_wait3A_1112] : memref<64x4096x128xf32, #tpu.memory_space<hbm>> -> memref<1x128x64xf32, #tpu.memory_space<hbm>>
          %dma_wait3A_1114 = tpu.memref_squeeze %dma_wait3A_1113 : memref<1x128x64xf32, #tpu.memory_space<hbm>> -> memref<128x64xf32, #tpu.memory_space<hbm>>
          %dma_wait3A_1115 = arith.constant 0 : i32
          %dma_wait3A_1116 = arith.constant 0 : i32
          %dma_wait3A_1117 = tpu.memref_slice %arg7[%dma_wait3A_1104, %dma_wait3A_1115, %dma_wait3A_1116] : memref<8x128x64xf32, #tpu.memory_space<vmem>> -> memref<1x128x64xf32, #tpu.memory_space<vmem>>
          %dma_wait3A_1118 = tpu.memref_squeeze %dma_wait3A_1117 : memref<1x128x64xf32, #tpu.memory_space<vmem>> -> memref<128x64xf32, #tpu.memory_space<vmem>>
          tpu.wait_dma2 semaphore(%arg20 : memref<!tpu.dma_semaphore, #tpu.memory_space<semaphore_mem>>) src(%dma_wait3A_1118 : memref<128x64xf32, #tpu.memory_space<vmem>>) dst(%dma_wait3A_1114 : memref<128x64xf32, #tpu.memory_space<hbm>>)
        } else {
        }
        %dma_start3A_1089 = arith.constant 4 : i32
        %dma_start3A_1090 = arith.constant 0 : i32
        %dma_start3A_1091 = arith.constant 0 : i32
        %dma_start3A_1092 = tpu.memref_slice %arg7[%dma_start3A_1089, %dma_start3A_1090, %dma_start3A_1091] : memref<8x128x64xf32, #tpu.memory_space<vmem>> -> memref<1x128x64xf32, #tpu.memory_space<vmem>>
        %dma_start3A_1093 = tpu.memref_squeeze %dma_start3A_1092 : memref<1x128x64xf32, #tpu.memory_space<vmem>> -> memref<128x64xf32, #tpu.memory_space<vmem>>
        %dma_start3A_1094 = arith.constant 0 : i32
        %dma_start3A_1095 = tpu.memref_slice %arg4[%mul3A_2, %dma_start3A_1094] : memref<4096x64xf32, #tpu.memory_space<hbm>> -> memref<128x64xf32, #tpu.memory_space<hbm>>
        %dma_start3A_1096 = arith.constant 0 : i32
        %dma_start3A_1097 = arith.constant 0 : i32
        %dma_start3A_1098 = tpu.memref_slice %arg7[%dma_start3A_1089, %dma_start3A_1096, %dma_start3A_1097] : memref<8x128x64xf32, #tpu.memory_space<vmem>> -> memref<1x128x64xf32, #tpu.memory_space<vmem>>
        %dma_start3A_1099 = tpu.memref_squeeze %dma_start3A_1098 : memref<1x128x64xf32, #tpu.memory_space<vmem>> -> memref<128x64xf32, #tpu.memory_space<vmem>>
        %dma_start3A_1100 = arith.constant 0 : i32
        %dma_start3A_1101 = tpu.memref_slice %arg4[%mul3A_2, %dma_start3A_1100] : memref<4096x64xf32, #tpu.memory_space<hbm>> -> memref<128x64xf32, #tpu.memory_space<hbm>>
        tpu.enqueue_dma source(%dma_start3A_1101 : memref<128x64xf32, #tpu.memory_space<hbm>>) target(%dma_start3A_1099 : memref<128x64xf32, #tpu.memory_space<vmem>>) target_semaphore(%arg28 : memref<!tpu.dma_semaphore, #tpu.memory_space<semaphore_mem>>)
      } else {
      }
      %add3A_894 = arith.constant 8 : i32
      %add3A_895 = arith.addi %add3A_818, %add3A_894 : i32
      %sub3A_896 = arith.constant 2 : i32
      %sub3A_897 = arith.subi %add3A_895, %sub3A_896 : i32
      %ge3A_898 = arith.constant 6 : i32
      %ge3A_899 = arith.cmpi sge, %sub3A_897, %ge3A_898 : i32
      %lt3A_900 = arith.constant 64 : i32
      %lt3A_901 = arith.cmpi slt, %sub3A_897, %lt3A_900 : i32
      %and3A_902 = arith.andi %ge3A_899, %lt3A_901 : i1
      %convert_element_type3A_903 = arith.extui %and3A_902 : i1 to i32
      %cond3A_904 = arith.constant 0 : i32
      %cond3A_905 = arith.cmpi ne, %convert_element_type3A_903, %cond3A_904 : i32
      scf.if %cond3A_905 {
        %dma_wait3A_1084 = arith.constant 3 : i32
        %dma_wait3A_1085 = arith.constant 0 : i32
        %dma_wait3A_1086 = arith.constant 0 : i32
        %dma_wait3A_1087 = tpu.memref_slice %arg7[%dma_wait3A_1084, %dma_wait3A_1085, %dma_wait3A_1086] : memref<8x128x64xf32, #tpu.memory_space<vmem>> -> memref<1x128x64xf32, #tpu.memory_space<vmem>>
        %dma_wait3A_1088 = tpu.memref_squeeze %dma_wait3A_1087 : memref<1x128x64xf32, #tpu.memory_space<vmem>> -> memref<128x64xf32, #tpu.memory_space<vmem>>
        %dma_wait3A_1089 = arith.constant 0 : i32
        %dma_wait3A_1090 = tpu.memref_slice %arg4[%mul3A_2, %dma_wait3A_1089] : memref<4096x64xf32, #tpu.memory_space<hbm>> -> memref<128x64xf32, #tpu.memory_space<hbm>>
        %dma_wait3A_1091 = arith.constant 0 : i32
        %dma_wait3A_1092 = arith.constant 0 : i32
        %dma_wait3A_1093 = tpu.memref_slice %arg7[%dma_wait3A_1084, %dma_wait3A_1091, %dma_wait3A_1092] : memref<8x128x64xf32, #tpu.memory_space<vmem>> -> memref<1x128x64xf32, #tpu.memory_space<vmem>>
        %dma_wait3A_1094 = tpu.memref_squeeze %dma_wait3A_1093 : memref<1x128x64xf32, #tpu.memory_space<vmem>> -> memref<128x64xf32, #tpu.memory_space<vmem>>
        %dma_wait3A_1095 = arith.constant 0 : i32
        %dma_wait3A_1096 = tpu.memref_slice %arg4[%mul3A_2, %dma_wait3A_1095] : memref<4096x64xf32, #tpu.memory_space<hbm>> -> memref<128x64xf32, #tpu.memory_space<hbm>>
        tpu.wait_dma2 semaphore(%arg27 : memref<!tpu.dma_semaphore, #tpu.memory_space<semaphore_mem>>) src(%dma_wait3A_1096 : memref<128x64xf32, #tpu.memory_space<hbm>>) dst(%dma_wait3A_1094 : memref<128x64xf32, #tpu.memory_space<vmem>>)
        %jit3A_1097 = arith.constant 8 : i32
        %div3A_1098 = arith.divsi %sub3A_897, %jit3A_1097 : i32
        %sign3A_1099 = arith.constant 0 : i32
        %sign3A_1100 = arith.cmpi sgt, %sub3A_897, %sign3A_1099 : i32
        %sign3A_1101 = arith.extui %sign3A_1100 : i1 to i32
        %sign3A_1102 = arith.constant 0 : i32
        %sign3A_1103 = arith.cmpi slt, %sub3A_897, %sign3A_1102 : i32
        %sign3A_1104 = arith.extui %sign3A_1103 : i1 to i32
        %sign3A_1105 = arith.subi %sign3A_1101, %sign3A_1104 : i32
        %sign3A_1106 = arith.constant 0 : i32
        %sign3A_1107 = arith.cmpi sgt, %jit3A_1097, %sign3A_1106 : i32
        %sign3A_1108 = arith.extui %sign3A_1107 : i1 to i32
        %sign3A_1109 = arith.constant 0 : i32
        %sign3A_1110 = arith.cmpi slt, %jit3A_1097, %sign3A_1109 : i32
        %sign3A_1111 = arith.extui %sign3A_1110 : i1 to i32
        %sign3A_1112 = arith.subi %sign3A_1108, %sign3A_1111 : i32
        %ne3A_1113 = arith.cmpi ne, %sign3A_1105, %sign3A_1112 : i32
        %rem3A_1114 = arith.remsi %sub3A_897, %jit3A_1097 : i32
        %ne3A_1115 = arith.constant 0 : i32
        %ne3A_1116 = arith.cmpi ne, %rem3A_1114, %ne3A_1115 : i32
        %and3A_1117 = arith.andi %ne3A_1113, %ne3A_1116 : i1
        %sub3A_1118 = arith.constant 1 : i32
        %sub3A_1119 = arith.subi %div3A_1098, %sub3A_1118 : i32
        %select_n3A_1120 = arith.select %and3A_1117, %sub3A_1119, %div3A_1098 : i32
        %jit3A_1121 = arith.constant 8 : i32
        %eq3A_1122 = arith.constant 0 : i32
        %eq3A_1123 = arith.cmpi eq, %jit3A_1121, %eq3A_1122 : i32
        %jit3A_1124 = arith.constant 1 : i32
        %select_n3A_1125 = arith.select %eq3A_1123, %jit3A_1124, %jit3A_1121 : i32
        %rem3A_1126 = arith.remsi %sub3A_897, %select_n3A_1125 : i32
        %ne3A_1127 = arith.constant 0 : i32
        %ne3A_1128 = arith.cmpi ne, %rem3A_1126, %ne3A_1127 : i32
        %lt3A_1129 = arith.constant 0 : i32
        %lt3A_1130 = arith.cmpi slt, %rem3A_1126, %lt3A_1129 : i32
        %lt3A_1131 = arith.constant 0 : i32
        %lt3A_1132 = arith.cmpi slt, %select_n3A_1125, %lt3A_1131 : i32
        %ne3A_1133 = arith.xori %lt3A_1130, %lt3A_1132 : i1
        %and3A_1134 = arith.andi %ne3A_1133, %ne3A_1128 : i1
        %add3A_1135 = arith.addi %rem3A_1126, %select_n3A_1125 : i32
        %select_n3A_1136 = arith.select %and3A_1134, %add3A_1135, %rem3A_1126 : i32
        %dma_start3A_1137 = arith.constant 3 : i32
        %dma_start3A_1138 = arith.constant 0 : i32
        %dma_start3A_1139 = arith.constant 0 : i32
        %dma_start3A_1140 = tpu.memref_slice %arg7[%dma_start3A_1137, %dma_start3A_1138, %dma_start3A_1139] : memref<8x128x64xf32, #tpu.memory_space<vmem>> -> memref<1x128x64xf32, #tpu.memory_space<vmem>>
        %dma_start3A_1141 = tpu.memref_squeeze %dma_start3A_1140 : memref<1x128x64xf32, #tpu.memory_space<vmem>> -> memref<128x64xf32, #tpu.memory_space<vmem>>
        %dma_start3A_1142 = arith.constant 0 : i32
        %dma_start3A_1143 = tpu.memref_slice %arg6[%select_n3A_1120, %select_n3A_1136, %dma_start3A_1142] : memref<8x8x128xi32, #tpu.memory_space<vmem>> -> memref<1x1x128xi32, #tpu.memory_space<vmem>>
        %dma_start3A_1144 = tpu.memref_squeeze %dma_start3A_1143 : memref<1x1x128xi32, #tpu.memory_space<vmem>> -> memref<128xi32, #tpu.memory_space<vmem>>
        %dma_start3A_1145 = arith.constant 0 : i32
        %dma_start3A_1146 = arith.constant 0 : i32
        %dma_start3A_1147 = tpu.memref_slice %arg3[%dma_start3A_1145, %dma_start3A_1146] : memref<100000x64xf32, #tpu.memory_space<hbm>> -> memref<100000x64xf32, #tpu.memory_space<hbm>>
        tpu.enqueue_indirect_dma source(%dma_start3A_1147 : memref<100000x64xf32, #tpu.memory_space<hbm>>) target(%dma_start3A_1141 : memref<128x64xf32, #tpu.memory_space<vmem>>) offsets(%dma_start3A_1144 : memref<128xi32, #tpu.memory_space<vmem>>) semaphore(%arg11 : memref<!tpu.dma_semaphore, #tpu.memory_space<semaphore_mem>>) {add = true}
      } else {
      }
      %add3A_906 = arith.constant 6 : i32
      %add3A_907 = arith.addi %add3A_384, %add3A_906 : i32
      %jit3A_908 = arith.constant 8 : i32
      %div3A_909 = arith.divsi %add3A_907, %jit3A_908 : i32
      %sign3A_910 = arith.constant 0 : i32
      %sign3A_911 = arith.cmpi sgt, %add3A_907, %sign3A_910 : i32
      %sign3A_912 = arith.extui %sign3A_911 : i1 to i32
      %sign3A_913 = arith.constant 0 : i32
      %sign3A_914 = arith.cmpi slt, %add3A_907, %sign3A_913 : i32
      %sign3A_915 = arith.extui %sign3A_914 : i1 to i32
      %sign3A_916 = arith.subi %sign3A_912, %sign3A_915 : i32
      %sign3A_917 = arith.constant 0 : i32
      %sign3A_918 = arith.cmpi sgt, %jit3A_908, %sign3A_917 : i32
      %sign3A_919 = arith.extui %sign3A_918 : i1 to i32
      %sign3A_920 = arith.constant 0 : i32
      %sign3A_921 = arith.cmpi slt, %jit3A_908, %sign3A_920 : i32
      %sign3A_922 = arith.extui %sign3A_921 : i1 to i32
      %sign3A_923 = arith.subi %sign3A_919, %sign3A_922 : i32
      %ne3A_924 = arith.cmpi ne, %sign3A_916, %sign3A_923 : i32
      %rem3A_925 = arith.remsi %add3A_907, %jit3A_908 : i32
      %ne3A_926 = arith.constant 0 : i32
      %ne3A_927 = arith.cmpi ne, %rem3A_925, %ne3A_926 : i32
      %and3A_928 = arith.andi %ne3A_924, %ne3A_927 : i1
      %sub3A_929 = arith.constant 1 : i32
      %sub3A_930 = arith.subi %div3A_909, %sub3A_929 : i32
      %select_n3A_931 = arith.select %and3A_928, %sub3A_930, %div3A_909 : i32
      %jit3A_932 = arith.constant 8 : i32
      %eq3A_933 = arith.constant 0 : i32
      %eq3A_934 = arith.cmpi eq, %jit3A_932, %eq3A_933 : i32
      %jit3A_935 = arith.constant 1 : i32
      %select_n3A_936 = arith.select %eq3A_934, %jit3A_935, %jit3A_932 : i32
      %rem3A_937 = arith.remsi %add3A_907, %select_n3A_936 : i32
      %ne3A_938 = arith.constant 0 : i32
      %ne3A_939 = arith.cmpi ne, %rem3A_937, %ne3A_938 : i32
      %lt3A_940 = arith.constant 0 : i32
      %lt3A_941 = arith.cmpi slt, %rem3A_937, %lt3A_940 : i32
      %lt3A_942 = arith.constant 0 : i32
      %lt3A_943 = arith.cmpi slt, %select_n3A_936, %lt3A_942 : i32
      %ne3A_944 = arith.xori %lt3A_941, %lt3A_943 : i1
      %and3A_945 = arith.andi %ne3A_944, %ne3A_939 : i1
      %add3A_946 = arith.addi %rem3A_937, %select_n3A_936 : i32
      %select_n3A_947 = arith.select %and3A_945, %add3A_946, %rem3A_937 : i32
      %dma_wait3A_948 = arith.constant 6 : i32
      %dma_wait3A_949 = arith.constant 0 : i32
      %dma_wait3A_950 = arith.constant 0 : i32
      %dma_wait3A_951 = tpu.memref_slice %arg7[%dma_wait3A_948, %dma_wait3A_949, %dma_wait3A_950] : memref<8x128x64xf32, #tpu.memory_space<vmem>> -> memref<1x128x64xf32, #tpu.memory_space<vmem>>
      %dma_wait3A_952 = tpu.memref_squeeze %dma_wait3A_951 : memref<1x128x64xf32, #tpu.memory_space<vmem>> -> memref<128x64xf32, #tpu.memory_space<vmem>>
      %dma_wait3A_953 = arith.constant 0 : i32
      %dma_wait3A_954 = tpu.memref_slice %arg6[%select_n3A_931, %select_n3A_947, %dma_wait3A_953] : memref<8x8x128xi32, #tpu.memory_space<vmem>> -> memref<1x1x128xi32, #tpu.memory_space<vmem>>
      %dma_wait3A_955 = tpu.memref_squeeze %dma_wait3A_954 : memref<1x1x128xi32, #tpu.memory_space<vmem>> -> memref<128xi32, #tpu.memory_space<vmem>>
      %dma_wait3A_956 = arith.constant 0 : i32
      %dma_wait3A_957 = arith.constant 0 : i32
      %dma_wait3A_958 = tpu.memref_slice %arg3[%dma_wait3A_956, %dma_wait3A_957] : memref<100000x64xf32, #tpu.memory_space<hbm>> -> memref<100000x64xf32, #tpu.memory_space<hbm>>
      tpu.wait_indirect_dma semaphore(%arg14 : memref<!tpu.dma_semaphore, #tpu.memory_space<semaphore_mem>>) src(%dma_wait3A_958 : memref<100000x64xf32, #tpu.memory_space<hbm>>) dst(%dma_wait3A_952 : memref<128x64xf32, #tpu.memory_space<vmem>>)
      %dma_start3A_959 = arith.constant 6 : i32
      %dma_start3A_960 = arith.constant 0 : i32
      %dma_start3A_961 = arith.constant 0 : i32
      %dma_start3A_962 = tpu.memref_slice %arg7[%dma_start3A_959, %dma_start3A_960, %dma_start3A_961] : memref<8x128x64xf32, #tpu.memory_space<vmem>> -> memref<1x128x64xf32, #tpu.memory_space<vmem>>
      %dma_start3A_963 = tpu.memref_squeeze %dma_start3A_962 : memref<1x128x64xf32, #tpu.memory_space<vmem>> -> memref<128x64xf32, #tpu.memory_space<vmem>>
      %dma_start3A_964 = arith.constant 0 : i32
      %dma_start3A_965 = tpu.memref_slice %arg5[%add3A_907, %mul3A_2, %dma_start3A_964] : memref<64x4096x128xf32, #tpu.memory_space<hbm>> -> memref<1x128x64xf32, #tpu.memory_space<hbm>>
      %dma_start3A_966 = tpu.memref_squeeze %dma_start3A_965 : memref<1x128x64xf32, #tpu.memory_space<hbm>> -> memref<128x64xf32, #tpu.memory_space<hbm>>
      %dma_start3A_967 = arith.constant 0 : i32
      %dma_start3A_968 = tpu.memref_slice %arg5[%add3A_907, %mul3A_2, %dma_start3A_967] : memref<64x4096x128xf32, #tpu.memory_space<hbm>> -> memref<1x128x64xf32, #tpu.memory_space<hbm>>
      %dma_start3A_969 = tpu.memref_squeeze %dma_start3A_968 : memref<1x128x64xf32, #tpu.memory_space<hbm>> -> memref<128x64xf32, #tpu.memory_space<hbm>>
      %dma_start3A_970 = arith.constant 0 : i32
      %dma_start3A_971 = arith.constant 0 : i32
      %dma_start3A_972 = tpu.memref_slice %arg7[%dma_start3A_959, %dma_start3A_970, %dma_start3A_971] : memref<8x128x64xf32, #tpu.memory_space<vmem>> -> memref<1x128x64xf32, #tpu.memory_space<vmem>>
      %dma_start3A_973 = tpu.memref_squeeze %dma_start3A_972 : memref<1x128x64xf32, #tpu.memory_space<vmem>> -> memref<128x64xf32, #tpu.memory_space<vmem>>
      tpu.enqueue_dma source(%dma_start3A_973 : memref<128x64xf32, #tpu.memory_space<vmem>>) target(%dma_start3A_969 : memref<128x64xf32, #tpu.memory_space<hbm>>) target_semaphore(%arg22 : memref<!tpu.dma_semaphore, #tpu.memory_space<semaphore_mem>>)
      %add3A_974 = arith.constant 8 : i32
      %add3A_975 = arith.addi %add3A_907, %add3A_974 : i32
      %sub3A_976 = arith.constant 1 : i32
      %sub3A_977 = arith.subi %add3A_975, %sub3A_976 : i32
      %lt3A_978 = arith.constant 64 : i32
      %lt3A_979 = arith.cmpi slt, %sub3A_977, %lt3A_978 : i32
      %convert_element_type3A_980 = arith.extui %lt3A_979 : i1 to i32
      %cond3A_981 = arith.constant 0 : i32
      %cond3A_982 = arith.cmpi ne, %convert_element_type3A_980, %cond3A_981 : i32
      scf.if %cond3A_982 {
        %ge3A_1084 = arith.constant 8 : i32
        %ge3A_1085 = arith.cmpi sge, %sub3A_977, %ge3A_1084 : i32
        %convert_element_type3A_1086 = arith.extui %ge3A_1085 : i1 to i32
        %cond3A_1087 = arith.constant 0 : i32
        %cond3A_1088 = arith.cmpi ne, %convert_element_type3A_1086, %cond3A_1087 : i32
        scf.if %cond3A_1088 {
          %sub3A_1102 = arith.constant 8 : i32
          %sub3A_1103 = arith.subi %sub3A_977, %sub3A_1102 : i32
          %dma_wait3A_1104 = arith.constant 5 : i32
          %dma_wait3A_1105 = arith.constant 0 : i32
          %dma_wait3A_1106 = arith.constant 0 : i32
          %dma_wait3A_1107 = tpu.memref_slice %arg7[%dma_wait3A_1104, %dma_wait3A_1105, %dma_wait3A_1106] : memref<8x128x64xf32, #tpu.memory_space<vmem>> -> memref<1x128x64xf32, #tpu.memory_space<vmem>>
          %dma_wait3A_1108 = tpu.memref_squeeze %dma_wait3A_1107 : memref<1x128x64xf32, #tpu.memory_space<vmem>> -> memref<128x64xf32, #tpu.memory_space<vmem>>
          %dma_wait3A_1109 = arith.constant 0 : i32
          %dma_wait3A_1110 = tpu.memref_slice %arg5[%sub3A_1103, %mul3A_2, %dma_wait3A_1109] : memref<64x4096x128xf32, #tpu.memory_space<hbm>> -> memref<1x128x64xf32, #tpu.memory_space<hbm>>
          %dma_wait3A_1111 = tpu.memref_squeeze %dma_wait3A_1110 : memref<1x128x64xf32, #tpu.memory_space<hbm>> -> memref<128x64xf32, #tpu.memory_space<hbm>>
          %dma_wait3A_1112 = arith.constant 0 : i32
          %dma_wait3A_1113 = tpu.memref_slice %arg5[%sub3A_1103, %mul3A_2, %dma_wait3A_1112] : memref<64x4096x128xf32, #tpu.memory_space<hbm>> -> memref<1x128x64xf32, #tpu.memory_space<hbm>>
          %dma_wait3A_1114 = tpu.memref_squeeze %dma_wait3A_1113 : memref<1x128x64xf32, #tpu.memory_space<hbm>> -> memref<128x64xf32, #tpu.memory_space<hbm>>
          %dma_wait3A_1115 = arith.constant 0 : i32
          %dma_wait3A_1116 = arith.constant 0 : i32
          %dma_wait3A_1117 = tpu.memref_slice %arg7[%dma_wait3A_1104, %dma_wait3A_1115, %dma_wait3A_1116] : memref<8x128x64xf32, #tpu.memory_space<vmem>> -> memref<1x128x64xf32, #tpu.memory_space<vmem>>
          %dma_wait3A_1118 = tpu.memref_squeeze %dma_wait3A_1117 : memref<1x128x64xf32, #tpu.memory_space<vmem>> -> memref<128x64xf32, #tpu.memory_space<vmem>>
          tpu.wait_dma2 semaphore(%arg21 : memref<!tpu.dma_semaphore, #tpu.memory_space<semaphore_mem>>) src(%dma_wait3A_1118 : memref<128x64xf32, #tpu.memory_space<vmem>>) dst(%dma_wait3A_1114 : memref<128x64xf32, #tpu.memory_space<hbm>>)
        } else {
        }
        %dma_start3A_1089 = arith.constant 5 : i32
        %dma_start3A_1090 = arith.constant 0 : i32
        %dma_start3A_1091 = arith.constant 0 : i32
        %dma_start3A_1092 = tpu.memref_slice %arg7[%dma_start3A_1089, %dma_start3A_1090, %dma_start3A_1091] : memref<8x128x64xf32, #tpu.memory_space<vmem>> -> memref<1x128x64xf32, #tpu.memory_space<vmem>>
        %dma_start3A_1093 = tpu.memref_squeeze %dma_start3A_1092 : memref<1x128x64xf32, #tpu.memory_space<vmem>> -> memref<128x64xf32, #tpu.memory_space<vmem>>
        %dma_start3A_1094 = arith.constant 0 : i32
        %dma_start3A_1095 = tpu.memref_slice %arg4[%mul3A_2, %dma_start3A_1094] : memref<4096x64xf32, #tpu.memory_space<hbm>> -> memref<128x64xf32, #tpu.memory_space<hbm>>
        %dma_start3A_1096 = arith.constant 0 : i32
        %dma_start3A_1097 = arith.constant 0 : i32
        %dma_start3A_1098 = tpu.memref_slice %arg7[%dma_start3A_1089, %dma_start3A_1096, %dma_start3A_1097] : memref<8x128x64xf32, #tpu.memory_space<vmem>> -> memref<1x128x64xf32, #tpu.memory_space<vmem>>
        %dma_start3A_1099 = tpu.memref_squeeze %dma_start3A_1098 : memref<1x128x64xf32, #tpu.memory_space<vmem>> -> memref<128x64xf32, #tpu.memory_space<vmem>>
        %dma_start3A_1100 = arith.constant 0 : i32
        %dma_start3A_1101 = tpu.memref_slice %arg4[%mul3A_2, %dma_start3A_1100] : memref<4096x64xf32, #tpu.memory_space<hbm>> -> memref<128x64xf32, #tpu.memory_space<hbm>>
        tpu.enqueue_dma source(%dma_start3A_1101 : memref<128x64xf32, #tpu.memory_space<hbm>>) target(%dma_start3A_1099 : memref<128x64xf32, #tpu.memory_space<vmem>>) target_semaphore(%arg29 : memref<!tpu.dma_semaphore, #tpu.memory_space<semaphore_mem>>)
      } else {
      }
      %add3A_983 = arith.constant 8 : i32
      %add3A_984 = arith.addi %add3A_907, %add3A_983 : i32
      %sub3A_985 = arith.constant 2 : i32
      %sub3A_986 = arith.subi %add3A_984, %sub3A_985 : i32
      %ge3A_987 = arith.constant 6 : i32
      %ge3A_988 = arith.cmpi sge, %sub3A_986, %ge3A_987 : i32
      %lt3A_989 = arith.constant 64 : i32
      %lt3A_990 = arith.cmpi slt, %sub3A_986, %lt3A_989 : i32
      %and3A_991 = arith.andi %ge3A_988, %lt3A_990 : i1
      %convert_element_type3A_992 = arith.extui %and3A_991 : i1 to i32
      %cond3A_993 = arith.constant 0 : i32
      %cond3A_994 = arith.cmpi ne, %convert_element_type3A_992, %cond3A_993 : i32
      scf.if %cond3A_994 {
        %dma_wait3A_1084 = arith.constant 4 : i32
        %dma_wait3A_1085 = arith.constant 0 : i32
        %dma_wait3A_1086 = arith.constant 0 : i32
        %dma_wait3A_1087 = tpu.memref_slice %arg7[%dma_wait3A_1084, %dma_wait3A_1085, %dma_wait3A_1086] : memref<8x128x64xf32, #tpu.memory_space<vmem>> -> memref<1x128x64xf32, #tpu.memory_space<vmem>>
        %dma_wait3A_1088 = tpu.memref_squeeze %dma_wait3A_1087 : memref<1x128x64xf32, #tpu.memory_space<vmem>> -> memref<128x64xf32, #tpu.memory_space<vmem>>
        %dma_wait3A_1089 = arith.constant 0 : i32
        %dma_wait3A_1090 = tpu.memref_slice %arg4[%mul3A_2, %dma_wait3A_1089] : memref<4096x64xf32, #tpu.memory_space<hbm>> -> memref<128x64xf32, #tpu.memory_space<hbm>>
        %dma_wait3A_1091 = arith.constant 0 : i32
        %dma_wait3A_1092 = arith.constant 0 : i32
        %dma_wait3A_1093 = tpu.memref_slice %arg7[%dma_wait3A_1084, %dma_wait3A_1091, %dma_wait3A_1092] : memref<8x128x64xf32, #tpu.memory_space<vmem>> -> memref<1x128x64xf32, #tpu.memory_space<vmem>>
        %dma_wait3A_1094 = tpu.memref_squeeze %dma_wait3A_1093 : memref<1x128x64xf32, #tpu.memory_space<vmem>> -> memref<128x64xf32, #tpu.memory_space<vmem>>
        %dma_wait3A_1095 = arith.constant 0 : i32
        %dma_wait3A_1096 = tpu.memref_slice %arg4[%mul3A_2, %dma_wait3A_1095] : memref<4096x64xf32, #tpu.memory_space<hbm>> -> memref<128x64xf32, #tpu.memory_space<hbm>>
        tpu.wait_dma2 semaphore(%arg28 : memref<!tpu.dma_semaphore, #tpu.memory_space<semaphore_mem>>) src(%dma_wait3A_1096 : memref<128x64xf32, #tpu.memory_space<hbm>>) dst(%dma_wait3A_1094 : memref<128x64xf32, #tpu.memory_space<vmem>>)
        %jit3A_1097 = arith.constant 8 : i32
        %div3A_1098 = arith.divsi %sub3A_986, %jit3A_1097 : i32
        %sign3A_1099 = arith.constant 0 : i32
        %sign3A_1100 = arith.cmpi sgt, %sub3A_986, %sign3A_1099 : i32
        %sign3A_1101 = arith.extui %sign3A_1100 : i1 to i32
        %sign3A_1102 = arith.constant 0 : i32
        %sign3A_1103 = arith.cmpi slt, %sub3A_986, %sign3A_1102 : i32
        %sign3A_1104 = arith.extui %sign3A_1103 : i1 to i32
        %sign3A_1105 = arith.subi %sign3A_1101, %sign3A_1104 : i32
        %sign3A_1106 = arith.constant 0 : i32
        %sign3A_1107 = arith.cmpi sgt, %jit3A_1097, %sign3A_1106 : i32
        %sign3A_1108 = arith.extui %sign3A_1107 : i1 to i32
        %sign3A_1109 = arith.constant 0 : i32
        %sign3A_1110 = arith.cmpi slt, %jit3A_1097, %sign3A_1109 : i32
        %sign3A_1111 = arith.extui %sign3A_1110 : i1 to i32
        %sign3A_1112 = arith.subi %sign3A_1108, %sign3A_1111 : i32
        %ne3A_1113 = arith.cmpi ne, %sign3A_1105, %sign3A_1112 : i32
        %rem3A_1114 = arith.remsi %sub3A_986, %jit3A_1097 : i32
        %ne3A_1115 = arith.constant 0 : i32
        %ne3A_1116 = arith.cmpi ne, %rem3A_1114, %ne3A_1115 : i32
        %and3A_1117 = arith.andi %ne3A_1113, %ne3A_1116 : i1
        %sub3A_1118 = arith.constant 1 : i32
        %sub3A_1119 = arith.subi %div3A_1098, %sub3A_1118 : i32
        %select_n3A_1120 = arith.select %and3A_1117, %sub3A_1119, %div3A_1098 : i32
        %jit3A_1121 = arith.constant 8 : i32
        %eq3A_1122 = arith.constant 0 : i32
        %eq3A_1123 = arith.cmpi eq, %jit3A_1121, %eq3A_1122 : i32
        %jit3A_1124 = arith.constant 1 : i32
        %select_n3A_1125 = arith.select %eq3A_1123, %jit3A_1124, %jit3A_1121 : i32
        %rem3A_1126 = arith.remsi %sub3A_986, %select_n3A_1125 : i32
        %ne3A_1127 = arith.constant 0 : i32
        %ne3A_1128 = arith.cmpi ne, %rem3A_1126, %ne3A_1127 : i32
        %lt3A_1129 = arith.constant 0 : i32
        %lt3A_1130 = arith.cmpi slt, %rem3A_1126, %lt3A_1129 : i32
        %lt3A_1131 = arith.constant 0 : i32
        %lt3A_1132 = arith.cmpi slt, %select_n3A_1125, %lt3A_1131 : i32
        %ne3A_1133 = arith.xori %lt3A_1130, %lt3A_1132 : i1
        %and3A_1134 = arith.andi %ne3A_1133, %ne3A_1128 : i1
        %add3A_1135 = arith.addi %rem3A_1126, %select_n3A_1125 : i32
        %select_n3A_1136 = arith.select %and3A_1134, %add3A_1135, %rem3A_1126 : i32
        %dma_start3A_1137 = arith.constant 4 : i32
        %dma_start3A_1138 = arith.constant 0 : i32
        %dma_start3A_1139 = arith.constant 0 : i32
        %dma_start3A_1140 = tpu.memref_slice %arg7[%dma_start3A_1137, %dma_start3A_1138, %dma_start3A_1139] : memref<8x128x64xf32, #tpu.memory_space<vmem>> -> memref<1x128x64xf32, #tpu.memory_space<vmem>>
        %dma_start3A_1141 = tpu.memref_squeeze %dma_start3A_1140 : memref<1x128x64xf32, #tpu.memory_space<vmem>> -> memref<128x64xf32, #tpu.memory_space<vmem>>
        %dma_start3A_1142 = arith.constant 0 : i32
        %dma_start3A_1143 = tpu.memref_slice %arg6[%select_n3A_1120, %select_n3A_1136, %dma_start3A_1142] : memref<8x8x128xi32, #tpu.memory_space<vmem>> -> memref<1x1x128xi32, #tpu.memory_space<vmem>>
        %dma_start3A_1144 = tpu.memref_squeeze %dma_start3A_1143 : memref<1x1x128xi32, #tpu.memory_space<vmem>> -> memref<128xi32, #tpu.memory_space<vmem>>
        %dma_start3A_1145 = arith.constant 0 : i32
        %dma_start3A_1146 = arith.constant 0 : i32
        %dma_start3A_1147 = tpu.memref_slice %arg3[%dma_start3A_1145, %dma_start3A_1146] : memref<100000x64xf32, #tpu.memory_space<hbm>> -> memref<100000x64xf32, #tpu.memory_space<hbm>>
        tpu.enqueue_indirect_dma source(%dma_start3A_1147 : memref<100000x64xf32, #tpu.memory_space<hbm>>) target(%dma_start3A_1141 : memref<128x64xf32, #tpu.memory_space<vmem>>) offsets(%dma_start3A_1144 : memref<128xi32, #tpu.memory_space<vmem>>) semaphore(%arg12 : memref<!tpu.dma_semaphore, #tpu.memory_space<semaphore_mem>>) {add = true}
      } else {
      }
      %add3A_995 = arith.constant 7 : i32
      %add3A_996 = arith.addi %add3A_384, %add3A_995 : i32
      %jit3A_997 = arith.constant 8 : i32
      %div3A_998 = arith.divsi %add3A_996, %jit3A_997 : i32
      %sign3A_999 = arith.constant 0 : i32
      %sign3A_1000 = arith.cmpi sgt, %add3A_996, %sign3A_999 : i32
      %sign3A_1001 = arith.extui %sign3A_1000 : i1 to i32
      %sign3A_1002 = arith.constant 0 : i32
      %sign3A_1003 = arith.cmpi slt, %add3A_996, %sign3A_1002 : i32
      %sign3A_1004 = arith.extui %sign3A_1003 : i1 to i32
      %sign3A_1005 = arith.subi %sign3A_1001, %sign3A_1004 : i32
      %sign3A_1006 = arith.constant 0 : i32
      %sign3A_1007 = arith.cmpi sgt, %jit3A_997, %sign3A_1006 : i32
      %sign3A_1008 = arith.extui %sign3A_1007 : i1 to i32
      %sign3A_1009 = arith.constant 0 : i32
      %sign3A_1010 = arith.cmpi slt, %jit3A_997, %sign3A_1009 : i32
      %sign3A_1011 = arith.extui %sign3A_1010 : i1 to i32
      %sign3A_1012 = arith.subi %sign3A_1008, %sign3A_1011 : i32
      %ne3A_1013 = arith.cmpi ne, %sign3A_1005, %sign3A_1012 : i32
      %rem3A_1014 = arith.remsi %add3A_996, %jit3A_997 : i32
      %ne3A_1015 = arith.constant 0 : i32
      %ne3A_1016 = arith.cmpi ne, %rem3A_1014, %ne3A_1015 : i32
      %and3A_1017 = arith.andi %ne3A_1013, %ne3A_1016 : i1
      %sub3A_1018 = arith.constant 1 : i32
      %sub3A_1019 = arith.subi %div3A_998, %sub3A_1018 : i32
      %select_n3A_1020 = arith.select %and3A_1017, %sub3A_1019, %div3A_998 : i32
      %jit3A_1021 = arith.constant 8 : i32
      %eq3A_1022 = arith.constant 0 : i32
      %eq3A_1023 = arith.cmpi eq, %jit3A_1021, %eq3A_1022 : i32
      %jit3A_1024 = arith.constant 1 : i32
      %select_n3A_1025 = arith.select %eq3A_1023, %jit3A_1024, %jit3A_1021 : i32
      %rem3A_1026 = arith.remsi %add3A_996, %select_n3A_1025 : i32
      %ne3A_1027 = arith.constant 0 : i32
      %ne3A_1028 = arith.cmpi ne, %rem3A_1026, %ne3A_1027 : i32
      %lt3A_1029 = arith.constant 0 : i32
      %lt3A_1030 = arith.cmpi slt, %rem3A_1026, %lt3A_1029 : i32
      %lt3A_1031 = arith.constant 0 : i32
      %lt3A_1032 = arith.cmpi slt, %select_n3A_1025, %lt3A_1031 : i32
      %ne3A_1033 = arith.xori %lt3A_1030, %lt3A_1032 : i1
      %and3A_1034 = arith.andi %ne3A_1033, %ne3A_1028 : i1
      %add3A_1035 = arith.addi %rem3A_1026, %select_n3A_1025 : i32
      %select_n3A_1036 = arith.select %and3A_1034, %add3A_1035, %rem3A_1026 : i32
      %dma_wait3A_1037 = arith.constant 7 : i32
      %dma_wait3A_1038 = arith.constant 0 : i32
      %dma_wait3A_1039 = arith.constant 0 : i32
      %dma_wait3A_1040 = tpu.memref_slice %arg7[%dma_wait3A_1037, %dma_wait3A_1038, %dma_wait3A_1039] : memref<8x128x64xf32, #tpu.memory_space<vmem>> -> memref<1x128x64xf32, #tpu.memory_space<vmem>>
      %dma_wait3A_1041 = tpu.memref_squeeze %dma_wait3A_1040 : memref<1x128x64xf32, #tpu.memory_space<vmem>> -> memref<128x64xf32, #tpu.memory_space<vmem>>
      %dma_wait3A_1042 = arith.constant 0 : i32
      %dma_wait3A_1043 = tpu.memref_slice %arg6[%select_n3A_1020, %select_n3A_1036, %dma_wait3A_1042] : memref<8x8x128xi32, #tpu.memory_space<vmem>> -> memref<1x1x128xi32, #tpu.memory_space<vmem>>
      %dma_wait3A_1044 = tpu.memref_squeeze %dma_wait3A_1043 : memref<1x1x128xi32, #tpu.memory_space<vmem>> -> memref<128xi32, #tpu.memory_space<vmem>>
      %dma_wait3A_1045 = arith.constant 0 : i32
      %dma_wait3A_1046 = arith.constant 0 : i32
      %dma_wait3A_1047 = tpu.memref_slice %arg3[%dma_wait3A_1045, %dma_wait3A_1046] : memref<100000x64xf32, #tpu.memory_space<hbm>> -> memref<100000x64xf32, #tpu.memory_space<hbm>>
      tpu.wait_indirect_dma semaphore(%arg15 : memref<!tpu.dma_semaphore, #tpu.memory_space<semaphore_mem>>) src(%dma_wait3A_1047 : memref<100000x64xf32, #tpu.memory_space<hbm>>) dst(%dma_wait3A_1041 : memref<128x64xf32, #tpu.memory_space<vmem>>)
      %dma_start3A_1048 = arith.constant 7 : i32
      %dma_start3A_1049 = arith.constant 0 : i32
      %dma_start3A_1050 = arith.constant 0 : i32
      %dma_start3A_1051 = tpu.memref_slice %arg7[%dma_start3A_1048, %dma_start3A_1049, %dma_start3A_1050] : memref<8x128x64xf32, #tpu.memory_space<vmem>> -> memref<1x128x64xf32, #tpu.memory_space<vmem>>
      %dma_start3A_1052 = tpu.memref_squeeze %dma_start3A_1051 : memref<1x128x64xf32, #tpu.memory_space<vmem>> -> memref<128x64xf32, #tpu.memory_space<vmem>>
      %dma_start3A_1053 = arith.constant 0 : i32
      %dma_start3A_1054 = tpu.memref_slice %arg5[%add3A_996, %mul3A_2, %dma_start3A_1053] : memref<64x4096x128xf32, #tpu.memory_space<hbm>> -> memref<1x128x64xf32, #tpu.memory_space<hbm>>
      %dma_start3A_1055 = tpu.memref_squeeze %dma_start3A_1054 : memref<1x128x64xf32, #tpu.memory_space<hbm>> -> memref<128x64xf32, #tpu.memory_space<hbm>>
      %dma_start3A_1056 = arith.constant 0 : i32
      %dma_start3A_1057 = tpu.memref_slice %arg5[%add3A_996, %mul3A_2, %dma_start3A_1056] : memref<64x4096x128xf32, #tpu.memory_space<hbm>> -> memref<1x128x64xf32, #tpu.memory_space<hbm>>
      %dma_start3A_1058 = tpu.memref_squeeze %dma_start3A_1057 : memref<1x128x64xf32, #tpu.memory_space<hbm>> -> memref<128x64xf32, #tpu.memory_space<hbm>>
      %dma_start3A_1059 = arith.constant 0 : i32
      %dma_start3A_1060 = arith.constant 0 : i32
      %dma_start3A_1061 = tpu.memref_slice %arg7[%dma_start3A_1048, %dma_start3A_1059, %dma_start3A_1060] : memref<8x128x64xf32, #tpu.memory_space<vmem>> -> memref<1x128x64xf32, #tpu.memory_space<vmem>>
      %dma_start3A_1062 = tpu.memref_squeeze %dma_start3A_1061 : memref<1x128x64xf32, #tpu.memory_space<vmem>> -> memref<128x64xf32, #tpu.memory_space<vmem>>
      tpu.enqueue_dma source(%dma_start3A_1062 : memref<128x64xf32, #tpu.memory_space<vmem>>) target(%dma_start3A_1058 : memref<128x64xf32, #tpu.memory_space<hbm>>) target_semaphore(%arg23 : memref<!tpu.dma_semaphore, #tpu.memory_space<semaphore_mem>>)
      %add3A_1063 = arith.constant 8 : i32
      %add3A_1064 = arith.addi %add3A_996, %add3A_1063 : i32
      %sub3A_1065 = arith.constant 1 : i32
      %sub3A_1066 = arith.subi %add3A_1064, %sub3A_1065 : i32
      %lt3A_1067 = arith.constant 64 : i32
      %lt3A_1068 = arith.cmpi slt, %sub3A_1066, %lt3A_1067 : i32
      %convert_element_type3A_1069 = arith.extui %lt3A_1068 : i1 to i32
      %cond3A_1070 = arith.constant 0 : i32
      %cond3A_1071 = arith.cmpi ne, %convert_element_type3A_1069, %cond3A_1070 : i32
      scf.if %cond3A_1071 {
        %ge3A_1084 = arith.constant 8 : i32
        %ge3A_1085 = arith.cmpi sge, %sub3A_1066, %ge3A_1084 : i32
        %convert_element_type3A_1086 = arith.extui %ge3A_1085 : i1 to i32
        %cond3A_1087 = arith.constant 0 : i32
        %cond3A_1088 = arith.cmpi ne, %convert_element_type3A_1086, %cond3A_1087 : i32
        scf.if %cond3A_1088 {
          %sub3A_1102 = arith.constant 8 : i32
          %sub3A_1103 = arith.subi %sub3A_1066, %sub3A_1102 : i32
          %dma_wait3A_1104 = arith.constant 6 : i32
          %dma_wait3A_1105 = arith.constant 0 : i32
          %dma_wait3A_1106 = arith.constant 0 : i32
          %dma_wait3A_1107 = tpu.memref_slice %arg7[%dma_wait3A_1104, %dma_wait3A_1105, %dma_wait3A_1106] : memref<8x128x64xf32, #tpu.memory_space<vmem>> -> memref<1x128x64xf32, #tpu.memory_space<vmem>>
          %dma_wait3A_1108 = tpu.memref_squeeze %dma_wait3A_1107 : memref<1x128x64xf32, #tpu.memory_space<vmem>> -> memref<128x64xf32, #tpu.memory_space<vmem>>
          %dma_wait3A_1109 = arith.constant 0 : i32
          %dma_wait3A_1110 = tpu.memref_slice %arg5[%sub3A_1103, %mul3A_2, %dma_wait3A_1109] : memref<64x4096x128xf32, #tpu.memory_space<hbm>> -> memref<1x128x64xf32, #tpu.memory_space<hbm>>
          %dma_wait3A_1111 = tpu.memref_squeeze %dma_wait3A_1110 : memref<1x128x64xf32, #tpu.memory_space<hbm>> -> memref<128x64xf32, #tpu.memory_space<hbm>>
          %dma_wait3A_1112 = arith.constant 0 : i32
          %dma_wait3A_1113 = tpu.memref_slice %arg5[%sub3A_1103, %mul3A_2, %dma_wait3A_1112] : memref<64x4096x128xf32, #tpu.memory_space<hbm>> -> memref<1x128x64xf32, #tpu.memory_space<hbm>>
          %dma_wait3A_1114 = tpu.memref_squeeze %dma_wait3A_1113 : memref<1x128x64xf32, #tpu.memory_space<hbm>> -> memref<128x64xf32, #tpu.memory_space<hbm>>
          %dma_wait3A_1115 = arith.constant 0 : i32
          %dma_wait3A_1116 = arith.constant 0 : i32
          %dma_wait3A_1117 = tpu.memref_slice %arg7[%dma_wait3A_1104, %dma_wait3A_1115, %dma_wait3A_1116] : memref<8x128x64xf32, #tpu.memory_space<vmem>> -> memref<1x128x64xf32, #tpu.memory_space<vmem>>
          %dma_wait3A_1118 = tpu.memref_squeeze %dma_wait3A_1117 : memref<1x128x64xf32, #tpu.memory_space<vmem>> -> memref<128x64xf32, #tpu.memory_space<vmem>>
          tpu.wait_dma2 semaphore(%arg22 : memref<!tpu.dma_semaphore, #tpu.memory_space<semaphore_mem>>) src(%dma_wait3A_1118 : memref<128x64xf32, #tpu.memory_space<vmem>>) dst(%dma_wait3A_1114 : memref<128x64xf32, #tpu.memory_space<hbm>>)
        } else {
        }
        %dma_start3A_1089 = arith.constant 6 : i32
        %dma_start3A_1090 = arith.constant 0 : i32
        %dma_start3A_1091 = arith.constant 0 : i32
        %dma_start3A_1092 = tpu.memref_slice %arg7[%dma_start3A_1089, %dma_start3A_1090, %dma_start3A_1091] : memref<8x128x64xf32, #tpu.memory_space<vmem>> -> memref<1x128x64xf32, #tpu.memory_space<vmem>>
        %dma_start3A_1093 = tpu.memref_squeeze %dma_start3A_1092 : memref<1x128x64xf32, #tpu.memory_space<vmem>> -> memref<128x64xf32, #tpu.memory_space<vmem>>
        %dma_start3A_1094 = arith.constant 0 : i32
        %dma_start3A_1095 = tpu.memref_slice %arg4[%mul3A_2, %dma_start3A_1094] : memref<4096x64xf32, #tpu.memory_space<hbm>> -> memref<128x64xf32, #tpu.memory_space<hbm>>
        %dma_start3A_1096 = arith.constant 0 : i32
        %dma_start3A_1097 = arith.constant 0 : i32
        %dma_start3A_1098 = tpu.memref_slice %arg7[%dma_start3A_1089, %dma_start3A_1096, %dma_start3A_1097] : memref<8x128x64xf32, #tpu.memory_space<vmem>> -> memref<1x128x64xf32, #tpu.memory_space<vmem>>
        %dma_start3A_1099 = tpu.memref_squeeze %dma_start3A_1098 : memref<1x128x64xf32, #tpu.memory_space<vmem>> -> memref<128x64xf32, #tpu.memory_space<vmem>>
        %dma_start3A_1100 = arith.constant 0 : i32
        %dma_start3A_1101 = tpu.memref_slice %arg4[%mul3A_2, %dma_start3A_1100] : memref<4096x64xf32, #tpu.memory_space<hbm>> -> memref<128x64xf32, #tpu.memory_space<hbm>>
        tpu.enqueue_dma source(%dma_start3A_1101 : memref<128x64xf32, #tpu.memory_space<hbm>>) target(%dma_start3A_1099 : memref<128x64xf32, #tpu.memory_space<vmem>>) target_semaphore(%arg30 : memref<!tpu.dma_semaphore, #tpu.memory_space<semaphore_mem>>)
      } else {
      }
      %add3A_1072 = arith.constant 8 : i32
      %add3A_1073 = arith.addi %add3A_996, %add3A_1072 : i32
      %sub3A_1074 = arith.constant 2 : i32
      %sub3A_1075 = arith.subi %add3A_1073, %sub3A_1074 : i32
      %ge3A_1076 = arith.constant 6 : i32
      %ge3A_1077 = arith.cmpi sge, %sub3A_1075, %ge3A_1076 : i32
      %lt3A_1078 = arith.constant 64 : i32
      %lt3A_1079 = arith.cmpi slt, %sub3A_1075, %lt3A_1078 : i32
      %and3A_1080 = arith.andi %ge3A_1077, %lt3A_1079 : i1
      %convert_element_type3A_1081 = arith.extui %and3A_1080 : i1 to i32
      %cond3A_1082 = arith.constant 0 : i32
      %cond3A_1083 = arith.cmpi ne, %convert_element_type3A_1081, %cond3A_1082 : i32
      scf.if %cond3A_1083 {
        %dma_wait3A_1084 = arith.constant 5 : i32
        %dma_wait3A_1085 = arith.constant 0 : i32
        %dma_wait3A_1086 = arith.constant 0 : i32
        %dma_wait3A_1087 = tpu.memref_slice %arg7[%dma_wait3A_1084, %dma_wait3A_1085, %dma_wait3A_1086] : memref<8x128x64xf32, #tpu.memory_space<vmem>> -> memref<1x128x64xf32, #tpu.memory_space<vmem>>
        %dma_wait3A_1088 = tpu.memref_squeeze %dma_wait3A_1087 : memref<1x128x64xf32, #tpu.memory_space<vmem>> -> memref<128x64xf32, #tpu.memory_space<vmem>>
        %dma_wait3A_1089 = arith.constant 0 : i32
        %dma_wait3A_1090 = tpu.memref_slice %arg4[%mul3A_2, %dma_wait3A_1089] : memref<4096x64xf32, #tpu.memory_space<hbm>> -> memref<128x64xf32, #tpu.memory_space<hbm>>
        %dma_wait3A_1091 = arith.constant 0 : i32
        %dma_wait3A_1092 = arith.constant 0 : i32
        %dma_wait3A_1093 = tpu.memref_slice %arg7[%dma_wait3A_1084, %dma_wait3A_1091, %dma_wait3A_1092] : memref<8x128x64xf32, #tpu.memory_space<vmem>> -> memref<1x128x64xf32, #tpu.memory_space<vmem>>
        %dma_wait3A_1094 = tpu.memref_squeeze %dma_wait3A_1093 : memref<1x128x64xf32, #tpu.memory_space<vmem>> -> memref<128x64xf32, #tpu.memory_space<vmem>>
        %dma_wait3A_1095 = arith.constant 0 : i32
        %dma_wait3A_1096 = tpu.memref_slice %arg4[%mul3A_2, %dma_wait3A_1095] : memref<4096x64xf32, #tpu.memory_space<hbm>> -> memref<128x64xf32, #tpu.memory_space<hbm>>
        tpu.wait_dma2 semaphore(%arg29 : memref<!tpu.dma_semaphore, #tpu.memory_space<semaphore_mem>>) src(%dma_wait3A_1096 : memref<128x64xf32, #tpu.memory_space<hbm>>) dst(%dma_wait3A_1094 : memref<128x64xf32, #tpu.memory_space<vmem>>)
        %jit3A_1097 = arith.constant 8 : i32
        %div3A_1098 = arith.divsi %sub3A_1075, %jit3A_1097 : i32
        %sign3A_1099 = arith.constant 0 : i32
        %sign3A_1100 = arith.cmpi sgt, %sub3A_1075, %sign3A_1099 : i32
        %sign3A_1101 = arith.extui %sign3A_1100 : i1 to i32
        %sign3A_1102 = arith.constant 0 : i32
        %sign3A_1103 = arith.cmpi slt, %sub3A_1075, %sign3A_1102 : i32
        %sign3A_1104 = arith.extui %sign3A_1103 : i1 to i32
        %sign3A_1105 = arith.subi %sign3A_1101, %sign3A_1104 : i32
        %sign3A_1106 = arith.constant 0 : i32
        %sign3A_1107 = arith.cmpi sgt, %jit3A_1097, %sign3A_1106 : i32
        %sign3A_1108 = arith.extui %sign3A_1107 : i1 to i32
        %sign3A_1109 = arith.constant 0 : i32
        %sign3A_1110 = arith.cmpi slt, %jit3A_1097, %sign3A_1109 : i32
        %sign3A_1111 = arith.extui %sign3A_1110 : i1 to i32
        %sign3A_1112 = arith.subi %sign3A_1108, %sign3A_1111 : i32
        %ne3A_1113 = arith.cmpi ne, %sign3A_1105, %sign3A_1112 : i32
        %rem3A_1114 = arith.remsi %sub3A_1075, %jit3A_1097 : i32
        %ne3A_1115 = arith.constant 0 : i32
        %ne3A_1116 = arith.cmpi ne, %rem3A_1114, %ne3A_1115 : i32
        %and3A_1117 = arith.andi %ne3A_1113, %ne3A_1116 : i1
        %sub3A_1118 = arith.constant 1 : i32
        %sub3A_1119 = arith.subi %div3A_1098, %sub3A_1118 : i32
        %select_n3A_1120 = arith.select %and3A_1117, %sub3A_1119, %div3A_1098 : i32
        %jit3A_1121 = arith.constant 8 : i32
        %eq3A_1122 = arith.constant 0 : i32
        %eq3A_1123 = arith.cmpi eq, %jit3A_1121, %eq3A_1122 : i32
        %jit3A_1124 = arith.constant 1 : i32
        %select_n3A_1125 = arith.select %eq3A_1123, %jit3A_1124, %jit3A_1121 : i32
        %rem3A_1126 = arith.remsi %sub3A_1075, %select_n3A_1125 : i32
        %ne3A_1127 = arith.constant 0 : i32
        %ne3A_1128 = arith.cmpi ne, %rem3A_1126, %ne3A_1127 : i32
        %lt3A_1129 = arith.constant 0 : i32
        %lt3A_1130 = arith.cmpi slt, %rem3A_1126, %lt3A_1129 : i32
        %lt3A_1131 = arith.constant 0 : i32
        %lt3A_1132 = arith.cmpi slt, %select_n3A_1125, %lt3A_1131 : i32
        %ne3A_1133 = arith.xori %lt3A_1130, %lt3A_1132 : i1
        %and3A_1134 = arith.andi %ne3A_1133, %ne3A_1128 : i1
        %add3A_1135 = arith.addi %rem3A_1126, %select_n3A_1125 : i32
        %select_n3A_1136 = arith.select %and3A_1134, %add3A_1135, %rem3A_1126 : i32
        %dma_start3A_1137 = arith.constant 5 : i32
        %dma_start3A_1138 = arith.constant 0 : i32
        %dma_start3A_1139 = arith.constant 0 : i32
        %dma_start3A_1140 = tpu.memref_slice %arg7[%dma_start3A_1137, %dma_start3A_1138, %dma_start3A_1139] : memref<8x128x64xf32, #tpu.memory_space<vmem>> -> memref<1x128x64xf32, #tpu.memory_space<vmem>>
        %dma_start3A_1141 = tpu.memref_squeeze %dma_start3A_1140 : memref<1x128x64xf32, #tpu.memory_space<vmem>> -> memref<128x64xf32, #tpu.memory_space<vmem>>
        %dma_start3A_1142 = arith.constant 0 : i32
        %dma_start3A_1143 = tpu.memref_slice %arg6[%select_n3A_1120, %select_n3A_1136, %dma_start3A_1142] : memref<8x8x128xi32, #tpu.memory_space<vmem>> -> memref<1x1x128xi32, #tpu.memory_space<vmem>>
        %dma_start3A_1144 = tpu.memref_squeeze %dma_start3A_1143 : memref<1x1x128xi32, #tpu.memory_space<vmem>> -> memref<128xi32, #tpu.memory_space<vmem>>
        %dma_start3A_1145 = arith.constant 0 : i32
        %dma_start3A_1146 = arith.constant 0 : i32
        %dma_start3A_1147 = tpu.memref_slice %arg3[%dma_start3A_1145, %dma_start3A_1146] : memref<100000x64xf32, #tpu.memory_space<hbm>> -> memref<100000x64xf32, #tpu.memory_space<hbm>>
        tpu.enqueue_indirect_dma source(%dma_start3A_1147 : memref<100000x64xf32, #tpu.memory_space<hbm>>) target(%dma_start3A_1141 : memref<128x64xf32, #tpu.memory_space<vmem>>) offsets(%dma_start3A_1144 : memref<128xi32, #tpu.memory_space<vmem>>) semaphore(%arg13 : memref<!tpu.dma_semaphore, #tpu.memory_space<semaphore_mem>>) {add = true}
      } else {
      }
    }
    %scan3A_251 = arith.constant 8 : i32
    %dma_wait3A_252 = arith.constant 0 : i32
    %dma_wait3A_253 = arith.constant 56 : i32
    %dma_wait3A_254 = arith.constant 0 : i32
    %dma_wait3A_255 = arith.constant 0 : i32
    %dma_wait3A_256 = tpu.memref_slice %arg7[%dma_wait3A_252, %dma_wait3A_254, %dma_wait3A_255] : memref<8x128x64xf32, #tpu.memory_space<vmem>> -> memref<1x128x64xf32, #tpu.memory_space<vmem>>
    %dma_wait3A_257 = tpu.memref_squeeze %dma_wait3A_256 : memref<1x128x64xf32, #tpu.memory_space<vmem>> -> memref<128x64xf32, #tpu.memory_space<vmem>>
    %dma_wait3A_258 = arith.constant 0 : i32
    %dma_wait3A_259 = tpu.memref_slice %arg5[%dma_wait3A_253, %mul3A_2, %dma_wait3A_258] : memref<64x4096x128xf32, #tpu.memory_space<hbm>> -> memref<1x128x64xf32, #tpu.memory_space<hbm>>
    %dma_wait3A_260 = tpu.memref_squeeze %dma_wait3A_259 : memref<1x128x64xf32, #tpu.memory_space<hbm>> -> memref<128x64xf32, #tpu.memory_space<hbm>>
    %dma_wait3A_261 = arith.constant 0 : i32
    %dma_wait3A_262 = tpu.memref_slice %arg5[%dma_wait3A_253, %mul3A_2, %dma_wait3A_261] : memref<64x4096x128xf32, #tpu.memory_space<hbm>> -> memref<1x128x64xf32, #tpu.memory_space<hbm>>
    %dma_wait3A_263 = tpu.memref_squeeze %dma_wait3A_262 : memref<1x128x64xf32, #tpu.memory_space<hbm>> -> memref<128x64xf32, #tpu.memory_space<hbm>>
    %dma_wait3A_264 = arith.constant 0 : i32
    %dma_wait3A_265 = arith.constant 0 : i32
    %dma_wait3A_266 = tpu.memref_slice %arg7[%dma_wait3A_252, %dma_wait3A_264, %dma_wait3A_265] : memref<8x128x64xf32, #tpu.memory_space<vmem>> -> memref<1x128x64xf32, #tpu.memory_space<vmem>>
    %dma_wait3A_267 = tpu.memref_squeeze %dma_wait3A_266 : memref<1x128x64xf32, #tpu.memory_space<vmem>> -> memref<128x64xf32, #tpu.memory_space<vmem>>
    tpu.wait_dma2 semaphore(%arg16 : memref<!tpu.dma_semaphore, #tpu.memory_space<semaphore_mem>>) src(%dma_wait3A_267 : memref<128x64xf32, #tpu.memory_space<vmem>>) dst(%dma_wait3A_263 : memref<128x64xf32, #tpu.memory_space<hbm>>)
    %dma_wait3A_268 = arith.constant 1 : i32
    %dma_wait3A_269 = arith.constant 57 : i32
    %dma_wait3A_270 = arith.constant 0 : i32
    %dma_wait3A_271 = arith.constant 0 : i32
    %dma_wait3A_272 = tpu.memref_slice %arg7[%dma_wait3A_268, %dma_wait3A_270, %dma_wait3A_271] : memref<8x128x64xf32, #tpu.memory_space<vmem>> -> memref<1x128x64xf32, #tpu.memory_space<vmem>>
    %dma_wait3A_273 = tpu.memref_squeeze %dma_wait3A_272 : memref<1x128x64xf32, #tpu.memory_space<vmem>> -> memref<128x64xf32, #tpu.memory_space<vmem>>
    %dma_wait3A_274 = arith.constant 0 : i32
    %dma_wait3A_275 = tpu.memref_slice %arg5[%dma_wait3A_269, %mul3A_2, %dma_wait3A_274] : memref<64x4096x128xf32, #tpu.memory_space<hbm>> -> memref<1x128x64xf32, #tpu.memory_space<hbm>>
    %dma_wait3A_276 = tpu.memref_squeeze %dma_wait3A_275 : memref<1x128x64xf32, #tpu.memory_space<hbm>> -> memref<128x64xf32, #tpu.memory_space<hbm>>
    %dma_wait3A_277 = arith.constant 0 : i32
    %dma_wait3A_278 = tpu.memref_slice %arg5[%dma_wait3A_269, %mul3A_2, %dma_wait3A_277] : memref<64x4096x128xf32, #tpu.memory_space<hbm>> -> memref<1x128x64xf32, #tpu.memory_space<hbm>>
    %dma_wait3A_279 = tpu.memref_squeeze %dma_wait3A_278 : memref<1x128x64xf32, #tpu.memory_space<hbm>> -> memref<128x64xf32, #tpu.memory_space<hbm>>
    %dma_wait3A_280 = arith.constant 0 : i32
    %dma_wait3A_281 = arith.constant 0 : i32
    %dma_wait3A_282 = tpu.memref_slice %arg7[%dma_wait3A_268, %dma_wait3A_280, %dma_wait3A_281] : memref<8x128x64xf32, #tpu.memory_space<vmem>> -> memref<1x128x64xf32, #tpu.memory_space<vmem>>
    %dma_wait3A_283 = tpu.memref_squeeze %dma_wait3A_282 : memref<1x128x64xf32, #tpu.memory_space<vmem>> -> memref<128x64xf32, #tpu.memory_space<vmem>>
    tpu.wait_dma2 semaphore(%arg17 : memref<!tpu.dma_semaphore, #tpu.memory_space<semaphore_mem>>) src(%dma_wait3A_283 : memref<128x64xf32, #tpu.memory_space<vmem>>) dst(%dma_wait3A_279 : memref<128x64xf32, #tpu.memory_space<hbm>>)
    %dma_wait3A_284 = arith.constant 2 : i32
    %dma_wait3A_285 = arith.constant 58 : i32
    %dma_wait3A_286 = arith.constant 0 : i32
    %dma_wait3A_287 = arith.constant 0 : i32
    %dma_wait3A_288 = tpu.memref_slice %arg7[%dma_wait3A_284, %dma_wait3A_286, %dma_wait3A_287] : memref<8x128x64xf32, #tpu.memory_space<vmem>> -> memref<1x128x64xf32, #tpu.memory_space<vmem>>
    %dma_wait3A_289 = tpu.memref_squeeze %dma_wait3A_288 : memref<1x128x64xf32, #tpu.memory_space<vmem>> -> memref<128x64xf32, #tpu.memory_space<vmem>>
    %dma_wait3A_290 = arith.constant 0 : i32
    %dma_wait3A_291 = tpu.memref_slice %arg5[%dma_wait3A_285, %mul3A_2, %dma_wait3A_290] : memref<64x4096x128xf32, #tpu.memory_space<hbm>> -> memref<1x128x64xf32, #tpu.memory_space<hbm>>
    %dma_wait3A_292 = tpu.memref_squeeze %dma_wait3A_291 : memref<1x128x64xf32, #tpu.memory_space<hbm>> -> memref<128x64xf32, #tpu.memory_space<hbm>>
    %dma_wait3A_293 = arith.constant 0 : i32
    %dma_wait3A_294 = tpu.memref_slice %arg5[%dma_wait3A_285, %mul3A_2, %dma_wait3A_293] : memref<64x4096x128xf32, #tpu.memory_space<hbm>> -> memref<1x128x64xf32, #tpu.memory_space<hbm>>
    %dma_wait3A_295 = tpu.memref_squeeze %dma_wait3A_294 : memref<1x128x64xf32, #tpu.memory_space<hbm>> -> memref<128x64xf32, #tpu.memory_space<hbm>>
    %dma_wait3A_296 = arith.constant 0 : i32
    %dma_wait3A_297 = arith.constant 0 : i32
    %dma_wait3A_298 = tpu.memref_slice %arg7[%dma_wait3A_284, %dma_wait3A_296, %dma_wait3A_297] : memref<8x128x64xf32, #tpu.memory_space<vmem>> -> memref<1x128x64xf32, #tpu.memory_space<vmem>>
    %dma_wait3A_299 = tpu.memref_squeeze %dma_wait3A_298 : memref<1x128x64xf32, #tpu.memory_space<vmem>> -> memref<128x64xf32, #tpu.memory_space<vmem>>
    tpu.wait_dma2 semaphore(%arg18 : memref<!tpu.dma_semaphore, #tpu.memory_space<semaphore_mem>>) src(%dma_wait3A_299 : memref<128x64xf32, #tpu.memory_space<vmem>>) dst(%dma_wait3A_295 : memref<128x64xf32, #tpu.memory_space<hbm>>)
    %dma_wait3A_300 = arith.constant 3 : i32
    %dma_wait3A_301 = arith.constant 59 : i32
    %dma_wait3A_302 = arith.constant 0 : i32
    %dma_wait3A_303 = arith.constant 0 : i32
    %dma_wait3A_304 = tpu.memref_slice %arg7[%dma_wait3A_300, %dma_wait3A_302, %dma_wait3A_303] : memref<8x128x64xf32, #tpu.memory_space<vmem>> -> memref<1x128x64xf32, #tpu.memory_space<vmem>>
    %dma_wait3A_305 = tpu.memref_squeeze %dma_wait3A_304 : memref<1x128x64xf32, #tpu.memory_space<vmem>> -> memref<128x64xf32, #tpu.memory_space<vmem>>
    %dma_wait3A_306 = arith.constant 0 : i32
    %dma_wait3A_307 = tpu.memref_slice %arg5[%dma_wait3A_301, %mul3A_2, %dma_wait3A_306] : memref<64x4096x128xf32, #tpu.memory_space<hbm>> -> memref<1x128x64xf32, #tpu.memory_space<hbm>>
    %dma_wait3A_308 = tpu.memref_squeeze %dma_wait3A_307 : memref<1x128x64xf32, #tpu.memory_space<hbm>> -> memref<128x64xf32, #tpu.memory_space<hbm>>
    %dma_wait3A_309 = arith.constant 0 : i32
    %dma_wait3A_310 = tpu.memref_slice %arg5[%dma_wait3A_301, %mul3A_2, %dma_wait3A_309] : memref<64x4096x128xf32, #tpu.memory_space<hbm>> -> memref<1x128x64xf32, #tpu.memory_space<hbm>>
    %dma_wait3A_311 = tpu.memref_squeeze %dma_wait3A_310 : memref<1x128x64xf32, #tpu.memory_space<hbm>> -> memref<128x64xf32, #tpu.memory_space<hbm>>
    %dma_wait3A_312 = arith.constant 0 : i32
    %dma_wait3A_313 = arith.constant 0 : i32
    %dma_wait3A_314 = tpu.memref_slice %arg7[%dma_wait3A_300, %dma_wait3A_312, %dma_wait3A_313] : memref<8x128x64xf32, #tpu.memory_space<vmem>> -> memref<1x128x64xf32, #tpu.memory_space<vmem>>
    %dma_wait3A_315 = tpu.memref_squeeze %dma_wait3A_314 : memref<1x128x64xf32, #tpu.memory_space<vmem>> -> memref<128x64xf32, #tpu.memory_space<vmem>>
    tpu.wait_dma2 semaphore(%arg19 : memref<!tpu.dma_semaphore, #tpu.memory_space<semaphore_mem>>) src(%dma_wait3A_315 : memref<128x64xf32, #tpu.memory_space<vmem>>) dst(%dma_wait3A_311 : memref<128x64xf32, #tpu.memory_space<hbm>>)
    %dma_wait3A_316 = arith.constant 4 : i32
    %dma_wait3A_317 = arith.constant 60 : i32
    %dma_wait3A_318 = arith.constant 0 : i32
    %dma_wait3A_319 = arith.constant 0 : i32
    %dma_wait3A_320 = tpu.memref_slice %arg7[%dma_wait3A_316, %dma_wait3A_318, %dma_wait3A_319] : memref<8x128x64xf32, #tpu.memory_space<vmem>> -> memref<1x128x64xf32, #tpu.memory_space<vmem>>
    %dma_wait3A_321 = tpu.memref_squeeze %dma_wait3A_320 : memref<1x128x64xf32, #tpu.memory_space<vmem>> -> memref<128x64xf32, #tpu.memory_space<vmem>>
    %dma_wait3A_322 = arith.constant 0 : i32
    %dma_wait3A_323 = tpu.memref_slice %arg5[%dma_wait3A_317, %mul3A_2, %dma_wait3A_322] : memref<64x4096x128xf32, #tpu.memory_space<hbm>> -> memref<1x128x64xf32, #tpu.memory_space<hbm>>
    %dma_wait3A_324 = tpu.memref_squeeze %dma_wait3A_323 : memref<1x128x64xf32, #tpu.memory_space<hbm>> -> memref<128x64xf32, #tpu.memory_space<hbm>>
    %dma_wait3A_325 = arith.constant 0 : i32
    %dma_wait3A_326 = tpu.memref_slice %arg5[%dma_wait3A_317, %mul3A_2, %dma_wait3A_325] : memref<64x4096x128xf32, #tpu.memory_space<hbm>> -> memref<1x128x64xf32, #tpu.memory_space<hbm>>
    %dma_wait3A_327 = tpu.memref_squeeze %dma_wait3A_326 : memref<1x128x64xf32, #tpu.memory_space<hbm>> -> memref<128x64xf32, #tpu.memory_space<hbm>>
    %dma_wait3A_328 = arith.constant 0 : i32
    %dma_wait3A_329 = arith.constant 0 : i32
    %dma_wait3A_330 = tpu.memref_slice %arg7[%dma_wait3A_316, %dma_wait3A_328, %dma_wait3A_329] : memref<8x128x64xf32, #tpu.memory_space<vmem>> -> memref<1x128x64xf32, #tpu.memory_space<vmem>>
    %dma_wait3A_331 = tpu.memref_squeeze %dma_wait3A_330 : memref<1x128x64xf32, #tpu.memory_space<vmem>> -> memref<128x64xf32, #tpu.memory_space<vmem>>
    tpu.wait_dma2 semaphore(%arg20 : memref<!tpu.dma_semaphore, #tpu.memory_space<semaphore_mem>>) src(%dma_wait3A_331 : memref<128x64xf32, #tpu.memory_space<vmem>>) dst(%dma_wait3A_327 : memref<128x64xf32, #tpu.memory_space<hbm>>)
    %dma_wait3A_332 = arith.constant 5 : i32
    %dma_wait3A_333 = arith.constant 61 : i32
    %dma_wait3A_334 = arith.constant 0 : i32
    %dma_wait3A_335 = arith.constant 0 : i32
    %dma_wait3A_336 = tpu.memref_slice %arg7[%dma_wait3A_332, %dma_wait3A_334, %dma_wait3A_335] : memref<8x128x64xf32, #tpu.memory_space<vmem>> -> memref<1x128x64xf32, #tpu.memory_space<vmem>>
    %dma_wait3A_337 = tpu.memref_squeeze %dma_wait3A_336 : memref<1x128x64xf32, #tpu.memory_space<vmem>> -> memref<128x64xf32, #tpu.memory_space<vmem>>
    %dma_wait3A_338 = arith.constant 0 : i32
    %dma_wait3A_339 = tpu.memref_slice %arg5[%dma_wait3A_333, %mul3A_2, %dma_wait3A_338] : memref<64x4096x128xf32, #tpu.memory_space<hbm>> -> memref<1x128x64xf32, #tpu.memory_space<hbm>>
    %dma_wait3A_340 = tpu.memref_squeeze %dma_wait3A_339 : memref<1x128x64xf32, #tpu.memory_space<hbm>> -> memref<128x64xf32, #tpu.memory_space<hbm>>
    %dma_wait3A_341 = arith.constant 0 : i32
    %dma_wait3A_342 = tpu.memref_slice %arg5[%dma_wait3A_333, %mul3A_2, %dma_wait3A_341] : memref<64x4096x128xf32, #tpu.memory_space<hbm>> -> memref<1x128x64xf32, #tpu.memory_space<hbm>>
    %dma_wait3A_343 = tpu.memref_squeeze %dma_wait3A_342 : memref<1x128x64xf32, #tpu.memory_space<hbm>> -> memref<128x64xf32, #tpu.memory_space<hbm>>
    %dma_wait3A_344 = arith.constant 0 : i32
    %dma_wait3A_345 = arith.constant 0 : i32
    %dma_wait3A_346 = tpu.memref_slice %arg7[%dma_wait3A_332, %dma_wait3A_344, %dma_wait3A_345] : memref<8x128x64xf32, #tpu.memory_space<vmem>> -> memref<1x128x64xf32, #tpu.memory_space<vmem>>
    %dma_wait3A_347 = tpu.memref_squeeze %dma_wait3A_346 : memref<1x128x64xf32, #tpu.memory_space<vmem>> -> memref<128x64xf32, #tpu.memory_space<vmem>>
    tpu.wait_dma2 semaphore(%arg21 : memref<!tpu.dma_semaphore, #tpu.memory_space<semaphore_mem>>) src(%dma_wait3A_347 : memref<128x64xf32, #tpu.memory_space<vmem>>) dst(%dma_wait3A_343 : memref<128x64xf32, #tpu.memory_space<hbm>>)
    %dma_wait3A_348 = arith.constant 6 : i32
    %dma_wait3A_349 = arith.constant 62 : i32
    %dma_wait3A_350 = arith.constant 0 : i32
    %dma_wait3A_351 = arith.constant 0 : i32
    %dma_wait3A_352 = tpu.memref_slice %arg7[%dma_wait3A_348, %dma_wait3A_350, %dma_wait3A_351] : memref<8x128x64xf32, #tpu.memory_space<vmem>> -> memref<1x128x64xf32, #tpu.memory_space<vmem>>
    %dma_wait3A_353 = tpu.memref_squeeze %dma_wait3A_352 : memref<1x128x64xf32, #tpu.memory_space<vmem>> -> memref<128x64xf32, #tpu.memory_space<vmem>>
    %dma_wait3A_354 = arith.constant 0 : i32
    %dma_wait3A_355 = tpu.memref_slice %arg5[%dma_wait3A_349, %mul3A_2, %dma_wait3A_354] : memref<64x4096x128xf32, #tpu.memory_space<hbm>> -> memref<1x128x64xf32, #tpu.memory_space<hbm>>
    %dma_wait3A_356 = tpu.memref_squeeze %dma_wait3A_355 : memref<1x128x64xf32, #tpu.memory_space<hbm>> -> memref<128x64xf32, #tpu.memory_space<hbm>>
    %dma_wait3A_357 = arith.constant 0 : i32
    %dma_wait3A_358 = tpu.memref_slice %arg5[%dma_wait3A_349, %mul3A_2, %dma_wait3A_357] : memref<64x4096x128xf32, #tpu.memory_space<hbm>> -> memref<1x128x64xf32, #tpu.memory_space<hbm>>
    %dma_wait3A_359 = tpu.memref_squeeze %dma_wait3A_358 : memref<1x128x64xf32, #tpu.memory_space<hbm>> -> memref<128x64xf32, #tpu.memory_space<hbm>>
    %dma_wait3A_360 = arith.constant 0 : i32
    %dma_wait3A_361 = arith.constant 0 : i32
    %dma_wait3A_362 = tpu.memref_slice %arg7[%dma_wait3A_348, %dma_wait3A_360, %dma_wait3A_361] : memref<8x128x64xf32, #tpu.memory_space<vmem>> -> memref<1x128x64xf32, #tpu.memory_space<vmem>>
    %dma_wait3A_363 = tpu.memref_squeeze %dma_wait3A_362 : memref<1x128x64xf32, #tpu.memory_space<vmem>> -> memref<128x64xf32, #tpu.memory_space<vmem>>
    tpu.wait_dma2 semaphore(%arg22 : memref<!tpu.dma_semaphore, #tpu.memory_space<semaphore_mem>>) src(%dma_wait3A_363 : memref<128x64xf32, #tpu.memory_space<vmem>>) dst(%dma_wait3A_359 : memref<128x64xf32, #tpu.memory_space<hbm>>)
    %dma_wait3A_364 = arith.constant 7 : i32
    %dma_wait3A_365 = arith.constant 63 : i32
    %dma_wait3A_366 = arith.constant 0 : i32
    %dma_wait3A_367 = arith.constant 0 : i32
    %dma_wait3A_368 = tpu.memref_slice %arg7[%dma_wait3A_364, %dma_wait3A_366, %dma_wait3A_367] : memref<8x128x64xf32, #tpu.memory_space<vmem>> -> memref<1x128x64xf32, #tpu.memory_space<vmem>>
    %dma_wait3A_369 = tpu.memref_squeeze %dma_wait3A_368 : memref<1x128x64xf32, #tpu.memory_space<vmem>> -> memref<128x64xf32, #tpu.memory_space<vmem>>
    %dma_wait3A_370 = arith.constant 0 : i32
    %dma_wait3A_371 = tpu.memref_slice %arg5[%dma_wait3A_365, %mul3A_2, %dma_wait3A_370] : memref<64x4096x128xf32, #tpu.memory_space<hbm>> -> memref<1x128x64xf32, #tpu.memory_space<hbm>>
    %dma_wait3A_372 = tpu.memref_squeeze %dma_wait3A_371 : memref<1x128x64xf32, #tpu.memory_space<hbm>> -> memref<128x64xf32, #tpu.memory_space<hbm>>
    %dma_wait3A_373 = arith.constant 0 : i32
    %dma_wait3A_374 = tpu.memref_slice %arg5[%dma_wait3A_365, %mul3A_2, %dma_wait3A_373] : memref<64x4096x128xf32, #tpu.memory_space<hbm>> -> memref<1x128x64xf32, #tpu.memory_space<hbm>>
    %dma_wait3A_375 = tpu.memref_squeeze %dma_wait3A_374 : memref<1x128x64xf32, #tpu.memory_space<hbm>> -> memref<128x64xf32, #tpu.memory_space<hbm>>
    %dma_wait3A_376 = arith.constant 0 : i32
    %dma_wait3A_377 = arith.constant 0 : i32
    %dma_wait3A_378 = tpu.memref_slice %arg7[%dma_wait3A_364, %dma_wait3A_376, %dma_wait3A_377] : memref<8x128x64xf32, #tpu.memory_space<vmem>> -> memref<1x128x64xf32, #tpu.memory_space<vmem>>
    %dma_wait3A_379 = tpu.memref_squeeze %dma_wait3A_378 : memref<1x128x64xf32, #tpu.memory_space<vmem>> -> memref<128x64xf32, #tpu.memory_space<vmem>>
    tpu.wait_dma2 semaphore(%arg23 : memref<!tpu.dma_semaphore, #tpu.memory_space<semaphore_mem>>) src(%dma_wait3A_379 : memref<128x64xf32, #tpu.memory_space<vmem>>) dst(%dma_wait3A_375 : memref<128x64xf32, #tpu.memory_space<hbm>>)
    return
  }
}

</mosaic_0001>

<sc_bundles>
// kernel: kernel.3.cloned.1.call-start
scs
__scs_entry_jumppad:
0x0: {  	(pc) =	sbr.rel $0x88, $3  }
0x1: {  	(tag) =	ssettag $0x0;
	lr =	simm.s32 $0x1  }
0x2: {  	[smem:$0x3F9E] =	sst lr;
	_ =	strace $0xD0000000  }
0x3: {  	_ = 	snop  }
0x4: {  	_ = 	snop  }
0x5: {  	_ = 	snop  }
0x6: {  	_ = 	snop  }
0x7: {  	_ = 	snop  }
__scs_overlays_trampoline_lowered:
0x8: {  	[smem:$0x3FAD] =	sst s0  }
0x9: {  	[smem:$0x3FAE] =	sst s1  }
0xa: {  	[smem:$0x3FAF] =	sst s2  }
0xb: {  	[smem:$0x3FB0] =	sst s3  }
0xc: {  	[smem:$0x3FB1] =	sst s4  }
0xd: {  	[smem:$0x3FB2] =	sst s5  }
0xe: {  	[smem:$0x3FB3] =	sst s6  }
0xf: {  	[smem:$0x3FB4] =	sst s7  }
0x10: {  	[smem:$0x3FB5] =	sst s8  }
0x11: {  	[smem:$0x3FB6] =	sst s9;
	s0 =	simm.s32 @!p0 $0x0  }
0x12: {  	s1 =	sld [smem:$0x3F9C];
	s0 =	simm.s32 @p0 $0x1  }
0x13: {  	[smem:$0x3FB7] =	sst s0;
	s0 =	simm.s32 @!p1 $0x0  }
0x14: {  	s2 =	sld [smem:$0x3F9B];
	s0 =	simm.s32 @p1 $0x1  }
0x15: {  	[smem:$0x3FB8] =	sst s0;
	s0 =	simm.s32 @!p2 $0x0  }
0x16: {  	s3 =	sld [smem:$0x3FDB];
	s0 =	simm.s32 @p2 $0x1  }
0x17: {  	s4 =	simm.s32 $0x1BF5;
	[smem:$0x3FBA] =	sst s0  }
0x18: {  	s0 =	sld [smem:$0x3F9D];
	_ =	swait.ge [sflag:s4], $0x0  }
0x19: {  	s7 =	sld [smem:$0x3F9E]  }
0x1a: {  	s8 =	sadd.s32 $0xFFFFE003, lr  }
0x1b: {  	s9 =	sadd.s32 $0xFFFFFEF7, lr;
	s5 =	simm.s32 $0xFFFFFFFF;
	p2 =	slt.u32 s8, $0xFFFFF086  }
0x1c: {  	p1 =	slt.u32 s9, $0xF7A;
	s5 =	simm.s32 @!p2 $0x0  }
0x1d: {  	s5 =	simm.s32 @p1 $0x1;
	p0 =	seq.s32 s7, s2  }
0x1e: {  	s7 =	smul.u32 @!p0 $0xF7A, s2;
	p2 =	seq.s32 @!p0 s5, $0x0  }
0x1f: {  	s9 =	smul.u32 $0xF7A, s1;
	s8 =	simm.s32 @!p0 $0x1BF5;
	p2 =	por !p2, p0  }
0x20: {  	[sflag:s8] =	ssyncset.s32 @!p0 $0xFFFFF086;
	s6 =	sadd.s32 @!p0 s3, s7;
	s7 =	simm.s32 @!p0 $0x108  }
0x21: {  	s3 =	sadd.s32 s3, s9;
	s6 =	sadd.s32 @!p0 $0x88, s6;
	s7 =	simm.s32 @p2 $0x1082  }
0x22: {  	[simem:s7], [sflag:s8] =	dma.local @!p0 [hbm:s6], $0xF7A  }
0x23: {  	s9 =	sor.u32 $0xD0000000, s2;
	s6 =	simm.s32 $0x108;
	_ =	swait.ge @!p0 [sflag:s8], $0x0  }
0x24: {  	s3 =	sadd.s32 $0x88, s3;
	s6 =	simm.s32 @!p1 $0x1082;
	[sflag:s4] =	ssyncset.s32 $0xFFFFF086  }
0x25: {  	[simem:s6], [sflag:s4] =	dma.local [hbm:s3], $0xF7A  }
0x26: {  	[smem:$0x3F9E] =	sst s1;
	(tag) =	ssettag s2;
	_ =	strace s9  }
0x27: {  	s1 =	sld [smem:$0x3FAE]  }
0x28: {  	s2 =	sld [smem:$0x3FAF]  }
0x29: {  	s4 =	sld [smem:$0x3FB1]  }
0x2a: {  	p0 =	seq.s32 s5, $0x0;
	s5 =	sld [smem:$0x3FB2]  }
0x2b: {  	s6 =	sld [smem:$0x3FB3]  }
0x2c: {  	s7 =	sld [smem:$0x3FB4]  }
0x2d: {  	s3 =	simm.s32 $0x108;
	s8 =	sld [smem:$0x3FB5]  }
0x2e: {  	s3 =	simm.s32 @!p0 $0x1082;
	s9 =	sld [smem:$0x3FB6]  }
0x2f: {  	lr =	sadd.s32 s0, s3;
	s0 =	sld [smem:$0x3FAD]  }
0x30: {  	s3 =	sld [smem:$0x3FB0]  }
0x31: {  	[smem:$0x3FB9] =	sst s10  }
0x32: {  	s10 =	sld [smem:$0x3FB7];
	_ =	sdelay $0x3  }
0x33: {  	p0 =	seq.s32 s10, $0x1;
	s10 =	sld [smem:$0x3FB9];
	_ =	sdelay $0x3  }
0x34: {  	[smem:$0x3FB9] =	sst s10  }
0x35: {  	s10 =	sld [smem:$0x3FB8];
	_ =	sdelay $0x3  }
0x36: {  	p1 =	seq.s32 s10, $0x1;
	s10 =	sld [smem:$0x3FB9];
	_ =	sdelay $0x3  }
0x37: {  	[smem:$0x3FB9] =	sst s10  }
0x38: {  	s10 =	sld [smem:$0x3FBA]  }
0x39: {  	_ = 	snop;
	(pc) =	sbr.ind lr, $3  }
0x3a: {  	_ = 	snop  }
0x3b: {  	_ = 	snop  }
0x3c: {  	p2 =	seq.s32 s10, $0x1;
	s10 =	sld [smem:$0x3FB9]  }
0x3d: {  	_ =	shalt  }
0x3e: {  	_ =	shalt  }
0x3f: {  	_ =	shalt  }
0x40: {  	_ =	shalt  }
0x41: {  	_ =	shalt  }
0x42: {  	_ =	shalt  }
0x43: {  	_ =	shalt  }
0x44: {  	_ =	shalt  }
0x45: {  	_ =	shalt  }
0x46: {  	_ =	shalt  }
0x47: {  	_ =	shalt  }
0x48: {  	_ =	shalt  }
0x49: {  	_ =	shalt  }
0x4a: {  	_ =	shalt  }
0x4b: {  	_ =	shalt  }
0x4c: {  	_ =	shalt  }
0x4d: {  	_ =	shalt  }
0x4e: {  	_ =	shalt  }
0x4f: {  	_ =	shalt  }
0x50: {  	_ =	shalt  }
0x51: {  	_ =	shalt  }
0x52: {  	_ =	shalt  }
0x53: {  	_ =	shalt  }
0x54: {  	_ =	shalt  }
0x55: {  	_ =	shalt  }
0x56: {  	_ =	shalt  }
0x57: {  	_ =	shalt  }
0x58: {  	_ =	shalt  }
0x59: {  	_ =	shalt  }
0x5a: {  	_ =	shalt  }
0x5b: {  	_ =	shalt  }
0x5c: {  	_ =	shalt  }
0x5d: {  	_ =	shalt  }
0x5e: {  	_ =	shalt  }
0x5f: {  	_ =	shalt  }
0x60: {  	_ =	shalt  }
0x61: {  	_ =	shalt  }
0x62: {  	_ =	shalt  }
0x63: {  	_ =	shalt  }
0x64: {  	_ =	shalt  }
0x65: {  	_ =	shalt  }
0x66: {  	_ =	shalt  }
0x67: {  	_ =	shalt  }
0x68: {  	_ =	shalt  }
0x69: {  	_ =	shalt  }
0x6a: {  	_ =	shalt  }
0x6b: {  	_ =	shalt  }
0x6c: {  	_ =	shalt  }
0x6d: {  	_ =	shalt  }
0x6e: {  	_ =	shalt  }
0x6f: {  	_ =	shalt  }
0x70: {  	_ =	shalt  }
0x71: {  	_ =	shalt  }
0x72: {  	_ =	shalt  }
0x73: {  	_ =	shalt  }
0x74: {  	_ =	shalt  }
0x75: {  	_ =	shalt  }
0x76: {  	_ =	shalt  }
0x77: {  	_ =	shalt  }
0x78: {  	_ =	shalt  }
0x79: {  	_ =	shalt  }
0x7a: {  	_ =	shalt  }
0x7b: {  	_ =	shalt  }
0x7c: {  	_ =	shalt  }
0x7d: {  	_ =	shalt  }
0x7e: {  	_ =	shalt  }
0x7f: {  	_ =	shalt  }
0x80: {  	_ =	shalt  }
0x81: {  	_ =	shalt  }
0x82: {  	_ =	shalt  }
0x83: {  	_ =	shalt  }
0x84: {  	_ =	shalt  }
0x85: {  	_ =	shalt  }
0x86: {  	_ =	shalt  }
0x87: {  	_ =	shalt  }
.Lfunc_end0:
.L_simem_size_0:
called_computation.1_lowered:
.L_overlay_start_0:
0x88: {  	s2 =	sld [smem:$0x3FD9]  }
0x89: {  	s3 =	sld [smem:$0x3FFE];
	_ =	sdelay $0x1  }
0x8a: {  	s1 =	srdreg.scid  }
0x8b: {  	s0 =	sand.u32 $0x1, s1  }
0x8c: {  	s17 =	sshll.u32 s0, $0xA;
	s2 =	sadd.s32 s3, s2  }
0x8d: {  	s2 =	sadd.s32 s2, s17  }
0x8e: {  	[smem:$0x3FC5] =	sst s2  }
0x8f: {  	_ = 	snop  }
0x90: {  	s2 =	sld [smem:$0x3FC9];
	(tm) =	ssettm $0x1  }
0x91: {  	s18 =	sld [smem:$0x3FFB];
	_ =	sdelay $0x3  }
0x92: {  	_ =	strace s18  }
0x93: {  	s3 =	sld [smem:$0x3FFC];
	_ =	sdelay $0x3  }
0x94: {  	_ =	strace s3  }
0x95: {  	s3 =	sld [smem:$0x3FFD];
	_ =	sdelay $0x3  }
0x96: {  	_ =	strace s3  }
0x97: {  	_ =	strace $0x8FFFFFFF  }
0x98: {  	s19 =	sld [smem:$0x3FDB];
	_ =	sdelay $0x1  }
0x99: {  	s4 =	simm.s32 $_scs_section_size  }
0x9a: {  	s5 =	simm.s32 $_size__tile_overlayer_lowered;
	s6 =	simm.s32 $_tile_overlayer_lowered  }
0x9b: {  	s22 =	simm.s32 $0x1BFF;
	s21 =	sshll.u32 s6, $0x1;
	s3 =	sadd.s32 s4, s19  }
0x9c: {  	s7 =	simm.s32 $0x0;
	s20 =	sshll.u32 s5, $0x1;
	s5 =	sadd.s32 s21, s3  }
0x9d: {  	[timem:s7], [sflag:s22] =	dma.local [hbm:s5], s20  }
0x9e: {  	_ =	swait.ge [sflag:s22], s20  }
0x9f: {  	s4 =	ssub.s32 $0x0, s20;
	[sflag:s22] =	ssyncset.done $0x0  }
0xa0: {  	[sflag:s22] =	ssyncadd.s32 s4;
	_ =	sdelay $0x1  }
0xa1: {  	s23 =	simm.s32 $0x1B8B  }
0xa2: {  	_ =	swait.ge [sflag:s23], $0x1  }
0xa3: {  	[sflag:s23] =	ssyncset.done $0x0  }
0xa4: {  	s25 =	simm.s32 $0x1B8E;
	s24 =	sld [smem:$0x3FFE];
	[sflag:s23] =	ssyncadd.s32 $0xFFFFFFFF  }
0xa5: {  	s26 =	simm.s32 $execute0_lowered;
	[smem:$0x3FD2] =	sst s25  }
0xa6: {  	s5 =	sshll.u32 s26, $0x1;
	_ =	strace $0x80000046;
	[dreg:$0x1] =	wrdreg $0xFFFFFFFF  }
0xa7: {  	s28 =	simm.s32 $_size_execute0_lowered;
	s3 =	sadd.s32 s3, s5;
	[dreg:$0x0] =	wrdreg $0x0  }
0xa8: {  	s5 =	sshll.u32 s28, $0x1;
	[dreg:$0x2] =	wrdreg s3  }
0xa9: {  	[dreg:$0x3] =	wrdreg s5  }
0xaa: {  	[dreg:$0x4] =	wrdreg $0xC0  }
0xab: {  	_ =	task [dreg:s7], $0x5FFFF  }
0xac: {  	[dreg:$0x1] =	wrdreg $0xFFFFFFFF  }
0xad: {  	[dreg:$0x0] =	wrdreg $0x60  }
0xae: {  	[dreg:$0x2] =	wrdreg s2  }
0xaf: {  	[dreg:$0x3] =	wrdreg s24  }
0xb0: {  	[dreg:$0x4] =	wrdreg $0x9  }
0xb1: {  	_ =	task.clear_ibuf [dreg:s7], $0x5FFFF;
	_ =	strace $0x90000046  }
0xb2: {  	s29 =	simm.s32 $0x9;
	_ =	strace $0x80000048  }
0xb3: {  	_ =	swait.ge [sflag:s29], $0x1  }
0xb4: {  	[sflag:s29] =	ssyncadd.s32 $0xFFFFFFFF  }
0xb5: {  	_ =	strace $0x90000048  }
0xb6: {  	_ =	sfence  }
0xb7: {  	s30 =	sld [smem:$0x0];
	_ =	sdelay $0x2  }
0xb8: {  	s31 =	sshll.u32 s1, $0xD;
	s1 =	sshrl.u32 s1, $0x2  }
0xb9: {  	s3 =	sand.u32 $0x4000, s31;
	s1 =	sadd.s32 s1, s30  }
0xba: {  	s0 =	sor.u32 s3, s0;
	s1 =	sshll.u32 s1, $0x11  }
0xbb: {  	s0 =	sor.u32 s1, s0  }
0xbc: {  	s0 =	sadd.s32 $0x8F2B, s0  }
0xbd: {  	[sflag:s0] =	ssyncadd.remote.s32 $0x1  }
0xbe: {  	_ =	sfence.sel $0xFFFF  }
0xbf: {  	[dreg:$0x0] =	wrdreg $0xFFFFFFFF;
	(pc) =	sbr.abs _section_cstart, $3  }
0xc0: {  	[dreg:$0x1] =	wrdreg $0xFFFFFFFF  }
0xc1: {  	_ =	task.clear_ibuf [dreg:s7], $0x2FFFF;
	_ =	strace $0x9FFFFFFF  }
0xc2: {  	(tm) =	ssettm $0x7FFFFFFF  }
0xc3: {  	_ =	shalt  }
tec
execute0_lowered:
.L_overlay_start_1:
0x0: {  	(tag) =	ssettag $0x1  }
0x1: {  	s0 =	rddreg [dreg:$0x0]  }
0x2: {  	s1 =	rddreg [dreg:$0x1]  }
0x3: {  	s11 =	simm.s32 $0x0;
	s3 =	srdreg.scid;
	s2 =	stileid.u32  }
0x4: {  	s12 =	simm.s32 $0xA000;
	s13 =	simm.s32 $0xE000;
	s18 =	simm.s32 $0x80  }
0x5: {  	s30 =	simm.s32 $0x40;
	s31 =	simm.s32 $0x10000;
	s21 =	simm.s32 $0x3  }
0x6: {  	s23 =	simm.s32 $0x5;
	s28 =	simm.s32 $0x8;
	s19 =	simm.s32 $0xE  }
0x7: {  	s20 =	simm.s32 $0xF;
	[smem:$0x7FF] =	sst s11;
	s4 =	sand.u32 $0x1, s3  }
0x8: {  	s24 =	sshll.u32 s2, $0x1;
	s3 =	sadd.s32 $0x8800, s1;
	s7 =	sshll.u32 s2, $0xC  }
0x9: {  	_ =	strace $0x80000047;
	s5 =	sor.u32 s4, s24;
	s25 =	ssub.s32 $0x2, s4  }
0xa: {  	s4 =	sshll.u32 s4, $0xB;
	s6 =	sshll.u32 s5, $0xA;
	s8 =	sshrl.u32 s25, $0x1  }
0xb: {  	s5 =	sshll.u32 s5, $0x7;
	s6 =	sadd.s32 s6, s1;
	s1 =	sadd.s32 s7, s1  }
.Ltmp0:
0xc: {  	s7 =	ssub.s32 s25, s8;
	s0 =	sadd.s32 s0, s5;
	(pc) =	sbr.rel .LBB2_1-.Ltmp0, $4  }
0xd: {  	s8 =	simm.s32 $0x18;
	s25 =	simm.s32 $0x7;
	[dreg:$0x3] =	wrdreg s0  }
0xe: {  	s26 =	sadd.s32 s4, s1;
	s5 =	sadd.s32 $0x800, s6;
	s29 =	smax.u32 s7, $0x1  }
0xf: {  	s0 =	simm.s32 $0x17;
	s1 =	simm.s32 $0x2;
	s6 =	simm.s32 $0x0  }
0x10: {  	[dreg:$0x4] =	wrdreg s29;
	s7 =	sadd.s32 $0xCBE00, s26;
	s26 =	simm.s32 $0x0  }
.LBB2_4:
0x11: {  	_ =	swait.ge [sflag:s28], $0x2000  }
0x12: {  	[sflag:s28] =	ssyncset.done $0x0  }
0x13: {  	s2 =	simm.s32 $0x9;
	[sflag:s28] =	ssyncadd.s32 $0xFFFFE000  }
0x14: {  	[hbm4b:s10+s30] =	stream.strided.scatter [tilespmem:s31], [sflag:$0x10], $0x2000, s18, s30, $0x38;
	[tilespmem:$0x12000] =	vst v63  }
0x15: {  	_ =	swait.ge [sflag:s2], $0x2000  }
0x16: {  	[sflag:s2] =	ssyncset.done $0x0  }
0x17: {  	s16 =	simm.s32 $0xA;
	[sflag:s2] =	ssyncadd.s32 $0xFFFFE000  }
0x18: {  	_ =	swait.ge [sflag:s16], $0x2000  }
0x19: {  	[sflag:s16] =	ssyncset.done $0x0  }
0x1a: {  	s17 =	simm.s32 $0xB;
	[sflag:s16] =	ssyncadd.s32 $0xFFFFE000  }
0x1b: {  	_ =	swait.ge [sflag:s17], $0x2000  }
0x1c: {  	[sflag:s17] =	ssyncset.done $0x0  }
0x1d: {  	s22 =	simm.s32 $0xC;
	[sflag:s17] =	ssyncadd.s32 $0xFFFFE000  }
0x1e: {  	_ =	swait.ge [sflag:s22], $0x2000  }
0x1f: {  	[sflag:s22] =	ssyncset.done $0x0  }
0x20: {  	s24 =	simm.s32 $0xD;
	[sflag:s22] =	ssyncadd.s32 $0xFFFFE000  }
0x21: {  	_ =	swait.ge [sflag:s24], $0x2000  }
0x22: {  	[sflag:s24] =	ssyncset.done $0x0  }
0x23: {  	[sflag:s24] =	ssyncadd.s32 $0xFFFFE000  }
0x24: {  	_ =	swait.ge [sflag:s19], $0x2000  }
0x25: {  	[sflag:s19] =	ssyncset.done $0x0  }
0x26: {  	[sflag:s19] =	ssyncadd.s32 $0xFFFFE000  }
0x27: {  	_ =	swait.ge [sflag:s20], $0x2000  }
0x28: {  	[sflag:s20] =	ssyncset.done $0x0  }
0x29: {  	s4 =	simm.s32 $0x10;
	[sflag:s20] =	ssyncadd.s32 $0xFFFFE000  }
0x2a: {  	_ =	swait.ge [sflag:s4], $0x2000  }
0x2b: {  	s6 =	rddreg [dreg:$0x5]  }
0x2c: {  	s29 =	rddreg [dreg:$0x4];
	s6 =	sadd.s32 $0x1, s6  }
0x2d: {  	p0 =	sne.s32 s6, s29  }
.Ltmp1:
0x2e: {  	_ = 	snop;
	(pc) =	sbr.rel @!p0 .LBB2_5-.Ltmp1, $3  }
0x2f: {  	_ =	sdelay $0x1  }
0x30: {  	[sflag:s4] =	ssyncset.done $0x0  }
0x31: {  	s11 =	simm.s32 $0x0;
	[sflag:s4] =	ssyncadd.s32 $0xFFFFE000  }
.LBB2_1:
0x32: {  	[dreg:$0x5] =	wrdreg s6  }
0x33: {  	s2 =	rddreg [dreg:$0x3]  }
0x34: {  	s4 =	simm.s32 $0x400;
	s6 =	simm.s32 $0x8000;
	s15 =	simm.s32 $0x19  }
0x35: {  	[tilespmem:s11], [sflag:$0x19] =	stream.strided.gather [hbm4b:s2+s4], $0x2000, s6, s4, $0x38;
	[tilespmem:$0x12000] =	vst v63  }
0x36: {  	_ =	swait.ge [sflag:s15], $0x2000  }
0x37: {  	[sflag:s15] =	ssyncset.done $0x0  }
0x38: {  	s16 =	simm.s32 $0x2000;
	[sflag:s15] =	ssyncadd.s32 $0xFFFFE000  }
0x39: {  	[tilespmem:s16], [sflag:$0x11] =	stream.linear.gather [hbm4b:s5+s11], $0x2000, $0x38;
	[tilespmem:$0x12000] =	vst v63  }
0x3a: {  	s17 =	simm.s32 $0x4000  }
0x3b: {  	[tilespmem:s17], [sflag:$0x12] =	stream.linear.gather [hbm4b:s5+s11], $0x2000, $0x38;
	[tilespmem:$0x12000] =	vst v63  }
0x3c: {  	s9 =	simm.s32 $0x6000  }
0x3d: {  	[tilespmem:s9], [sflag:$0x13] =	stream.linear.gather [hbm4b:s5+s11], $0x2000, $0x38;
	[tilespmem:$0x12000] =	vst v63  }
0x3e: {  	_ = 	snop  }
0x3f: {  	[tilespmem:s6], [sflag:$0x14] =	stream.linear.gather [hbm4b:s5+s11], $0x2000, $0x38;
	[tilespmem:$0x12000] =	vst v63  }
0x40: {  	_ = 	snop  }
0x41: {  	[tilespmem:s12], [sflag:$0x15] =	stream.linear.gather [hbm4b:s5+s11], $0x2000, $0x38;
	[tilespmem:$0x12000] =	vst v63  }
0x42: {  	s10 =	simm.s32 $0xC000  }
0x43: {  	[tilespmem:s10], [sflag:$0x16] =	stream.linear.gather [hbm4b:s5+s11], $0x2000, $0x38;
	[tilespmem:$0x12000] =	vst v63  }
0x44: {  	s14 =	simm.s32 $0x11  }
0x45: {  	[tilespmem:s13], [sflag:$0x17] =	stream.linear.gather [hbm4b:s5+s11], $0x2000, $0x38;
	[tilespmem:$0x12000] =	vst v63  }
0x46: {  	_ =	swait.ge [sflag:s14], $0x2000  }
0x47: {  	[sflag:s14] =	ssyncset.done $0x0  }
0x48: {  	s22 =	simm.s32 $0x12;
	[sflag:s14] =	ssyncadd.s32 $0xFFFFE000  }
0x49: {  	[tilespmem:s16], [sflag:$0x1] =	stream.indirect.gather.add.f32 [hbm:s3], $0x40, s11, s18, $0xb8;
	[tilespmem:$0x12000] =	vst v63  }
0x4a: {  	_ =	swait.ge [sflag:s22], $0x2000  }
0x4b: {  	[sflag:s22] =	ssyncset.done $0x0  }
0x4c: {  	s24 =	simm.s32 $0x13;
	[sflag:s22] =	ssyncadd.s32 $0xFFFFE000  }
0x4d: {  	[tilespmem:s17], [sflag:$0x2] =	stream.indirect.gather.add.f32 [hbm:s3], $0x40, s18, s18, $0xb8;
	[tilespmem:$0x12000] =	vst v63  }
0x4e: {  	_ =	swait.ge [sflag:s24], $0x2000  }
0x4f: {  	[sflag:s24] =	ssyncset.done $0x0  }
0x50: {  	s4 =	simm.s32 $0x100;
	s14 =	simm.s32 $0x14;
	[sflag:s24] =	ssyncadd.s32 $0xFFFFE000  }
0x51: {  	[tilespmem:s9], [sflag:$0x3] =	stream.indirect.gather.add.f32 [hbm:s3], $0x40, s4, s18, $0xb8;
	[tilespmem:$0x12000] =	vst v63  }
0x52: {  	_ =	swait.ge [sflag:s14], $0x2000  }
0x53: {  	[sflag:s14] =	ssyncset.done $0x0  }
0x54: {  	s15 =	simm.s32 $0x180;
	s16 =	simm.s32 $0x15;
	[sflag:s14] =	ssyncadd.s32 $0xFFFFE000  }
0x55: {  	[tilespmem:s6], [sflag:$0x4] =	stream.indirect.gather.add.f32 [hbm:s3], $0x40, s15, s18, $0xb8;
	[tilespmem:$0x12000] =	vst v63  }
0x56: {  	_ =	swait.ge [sflag:s16], $0x2000  }
0x57: {  	[sflag:s16] =	ssyncset.done $0x0  }
0x58: {  	s22 =	simm.s32 $0x16;
	s17 =	simm.s32 $0x200;
	[sflag:s16] =	ssyncadd.s32 $0xFFFFE000  }
0x59: {  	[tilespmem:s12], [sflag:$0x5] =	stream.indirect.gather.add.f32 [hbm:s3], $0x40, s17, s18, $0xb8;
	[tilespmem:$0x12000] =	vst v63  }
0x5a: {  	_ =	swait.ge [sflag:s22], $0x2000  }
0x5b: {  	s29 =	simm.s32 $0xA000;
	s24 =	simm.s32 $0x280;
	[sflag:s22] =	ssyncset.done $0x0  }
0x5c: {  	s9 =	simm.s32 $0x0;
	s6 =	simm.s32 $0x680;
	[sflag:s22] =	ssyncadd.s32 $0xFFFFE000  }
0x5d: {  	[tilespmem:s10], [sflag:$0x6] =	stream.indirect.gather.add.f32 [hbm:s3], $0x40, s24, s18, $0xb8;
	[tilespmem:$0x12000] =	vst v63  }
.LBB2_2:
0x5e: {  	s2 =	simm.s32 $0x1  }
0x5f: {  	_ =	swait.ge [sflag:s2], $0x2000  }
0x60: {  	s10 =	sadd.s32 s9, s7;
	p0 =	seq.s32 s9, $0x0;
	[sflag:s2] =	ssyncset.done $0x0  }
0x61: {  	s4 =	simm.s32 $0x2000;
	s17 =	simm.s32 @!p0 $0x10;
	[sflag:s2] =	ssyncadd.s32 $0xFFFFE000  }
0x62: {  	[hbm4b:s10+s30] =	stream.strided.scatter [tilespmem:s4], [sflag:$0x9], $0x2000, s18, s30, $0x38;
	[tilespmem:$0x12000] =	vst v63  }
0x63: {  	_ =	swait.ge @!p0 [sflag:s17], $0x2000  }
0x64: {  	[sflag:s17] =	ssyncset.done @!p0 $0x0  }
0x65: {  	[sflag:s17] =	ssyncadd.s32 @!p0 $0xFFFFE000  }
0x66: {  	[tilespmem:s31], [sflag:$0x18] =	stream.linear.gather [hbm4b:s5+s11], $0x2000, $0x38;
	[tilespmem:$0x12000] =	vst v63  }
0x67: {  	_ =	swait.ge [sflag:s0], $0x2000  }
0x68: {  	[sflag:s0] =	ssyncset.done $0x0  }
0x69: {  	s12 =	sadd.s32 $0xFFFFFC80, s6;
	[sflag:s0] =	ssyncadd.s32 $0xFFFFE000  }
0x6a: {  	[tilespmem:s13], [sflag:$0x7] =	stream.indirect.gather.add.f32 [hbm:s3], $0x40, s12, s18, $0xb8;
	[tilespmem:$0x12000] =	vst v63  }
0x6b: {  	_ =	swait.ge [sflag:s1], $0x2000  }
0x6c: {  	s14 =	simm.s32 $0x4000;
	p0 =	seq.s32 s9, $0x380000;
	[sflag:s1] =	ssyncset.done $0x0  }
0x6d: {  	s17 =	simm.s32 @!p0 $0x9;
	s13 =	sadd.s32 $0x10000, s10;
	[sflag:s1] =	ssyncadd.s32 $0xFFFFE000  }
0x6e: {  	[hbm4b:s13+s30] =	stream.strided.scatter [tilespmem:s14], [sflag:$0xA], $0x2000, s18, s30, $0x38;
	[tilespmem:$0x12000] =	vst v63  }
0x6f: {  	_ =	swait.ge @!p0 [sflag:s17], $0x2000  }
0x70: {  	[sflag:s17] =	ssyncset.done @!p0 $0x0  }
0x71: {  	s4 =	simm.s32 @!p0 $0x2000;
	[sflag:s17] =	ssyncadd.s32 @!p0 $0xFFFFE000;
	s17 =	simm.s32 @!p0 $0x0  }
0x72: {  	[tilespmem:s4], [sflag:$0x11] =	stream.linear.gather @!p0 [hbm4b:s5+s17], $0x2000, $0x38;
	[tilespmem:$0x12000] =	vst v63  }
0x73: {  	_ =	swait.ge [sflag:s8], $0x2000  }
0x74: {  	[sflag:s8] =	ssyncset.done $0x0  }
0x75: {  	s22 =	sadd.s32 $0xFFFFFD00, s6;
	[sflag:s8] =	ssyncadd.s32 $0xFFFFE000  }
0x76: {  	[tilespmem:s31], [sflag:$0x8] =	stream.indirect.gather.add.f32 [hbm:s3], $0x40, s22, s18, $0xb8;
	[tilespmem:$0x12000] =	vst v63  }
0x77: {  	_ =	swait.ge [sflag:s21], $0x2000  }
0x78: {  	s16 =	simm.s32 $0x6000;
	[sflag:s21] =	ssyncset.done $0x0  }
0x79: {  	s15 =	sadd.s32 $0x20000, s10;
	s22 =	simm.s32 @p0 $0x4;
	[sflag:s21] =	ssyncadd.s32 $0xFFFFE000  }
0x7a: {  	[hbm4b:s15+s30] =	stream.strided.scatter [tilespmem:s16], [sflag:$0xB], $0x2000, s18, s30, $0x38;
	[tilespmem:$0x12000] =	vst v63  }
0x7b: {  	s11 =	sadd.s32 @p0 s9, s7;
	_ =	swait.ge @p0 [sflag:s22], $0x2000  }
0x7c: {  	s12 =	simm.s32 @p0 $0x40;
	s13 =	simm.s32 @p0 $0x80;
	[sflag:s22] =	ssyncset.done @p0 $0x0  }
0x7d: {  	s15 =	simm.s32 @p0 $0x8000;
	[sflag:s22] =	ssyncadd.s32 @p0 $0xFFFFE000;
	s22 =	sadd.s32 @p0 $0x30000, s11  }
0x7e: {  	[hbm4b:s22+s12] =	stream.strided.scatter @p0 [tilespmem:s15], [sflag:$0xC], $0x2000, s13, s12, $0x38;
	[tilespmem:$0x12000] =	vst v63  }
0x7f: {  	s15 =	simm.s32 @!p0 $0xA  }
0x80: {  	_ =	swait.ge @!p0 [sflag:s15], $0x2000  }
0x81: {  	[sflag:s15] =	ssyncset.done @!p0 $0x0  }
0x82: {  	s22 =	simm.s32 @!p0 $0x11;
	[sflag:s15] =	ssyncadd.s32 @!p0 $0xFFFFE000;
	s15 =	simm.s32 @!p0 $0x4000  }
0x83: {  	[tilespmem:s15], [sflag:$0x12] =	stream.linear.gather @!p0 [hbm4b:s5+s17], $0x2000, $0x38;
	[tilespmem:$0x12000] =	vst v63  }
0x84: {  	_ =	swait.ge @!p0 [sflag:s22], $0x2000  }
0x85: {  	[sflag:s22] =	ssyncset.done @!p0 $0x0  }
0x86: {  	s14 =	sadd.s32 @!p0 $0xFFFFFD80, s6;
	[sflag:s22] =	ssyncadd.s32 @!p0 $0xFFFFE000;
	s22 =	simm.s32 @!p0 $0x80  }
0x87: {  	[tilespmem:s4], [sflag:$0x1] =	stream.indirect.gather.add.f32 @!p0 [hbm:s3], $0x40, s14, s22, $0xb8;
	[tilespmem:$0x12000] =	vst v63  }
0x88: {  	s4 =	simm.s32 @!p0 $0x4  }
0x89: {  	_ =	swait.ge @!p0 [sflag:s4], $0x2000  }
0x8a: {  	[sflag:s4] =	ssyncset.done @!p0 $0x0  }
0x8b: {  	[sflag:s4] =	ssyncadd.s32 @!p0 $0xFFFFE000;
	s4 =	sadd.s32 @!p0 s9, s7  }
0x8c: {  	s2 =	simm.s32 @!p0 $0x40;
	s16 =	simm.s32 @!p0 $0x8000;
	s14 =	sadd.s32 @!p0 $0x30000, s4  }
0x8d: {  	[hbm4b:s14+s2] =	stream.strided.scatter @!p0 [tilespmem:s16], [sflag:$0xC], $0x2000, s22, s2, $0x38;
	[tilespmem:$0x12000] =	vst v63  }
0x8e: {  	s14 =	simm.s32 @!p0 $0xB  }
0x8f: {  	_ =	swait.ge @!p0 [sflag:s14], $0x2000  }
0x90: {  	[sflag:s14] =	ssyncset.done @!p0 $0x0  }
0x91: {  	s24 =	simm.s32 @!p0 $0x12;
	[sflag:s14] =	ssyncadd.s32 @!p0 $0xFFFFE000;
	s14 =	simm.s32 @!p0 $0x6000  }
0x92: {  	[tilespmem:s14], [sflag:$0x13] =	stream.linear.gather @!p0 [hbm4b:s5+s17], $0x2000, $0x38;
	[tilespmem:$0x12000] =	vst v63  }
0x93: {  	_ =	swait.ge @!p0 [sflag:s24], $0x2000  }
0x94: {  	[sflag:s24] =	ssyncset.done @!p0 $0x0  }
0x95: {  	[sflag:s24] =	ssyncadd.s32 @!p0 $0xFFFFE000;
	s24 =	sadd.s32 @!p0 $0xFFFFFE00, s6  }
0x96: {  	[tilespmem:s15], [sflag:$0x2] =	stream.indirect.gather.add.f32 @!p0 [hbm:s3], $0x40, s24, s22, $0xb8;
	[tilespmem:$0x12000] =	vst v63  }
0x97: {  	_ =	swait.ge [sflag:s23], $0x2000  }
0x98: {  	[sflag:s23] =	ssyncset.done $0x0  }
0x99: {  	s24 =	sadd.s32 $0x40000, s10;
	s15 =	simm.s32 @p0 $0x6;
	[sflag:s23] =	ssyncadd.s32 $0xFFFFE000  }
0x9a: {  	[hbm4b:s24+s30] =	stream.strided.scatter [tilespmem:s29], [sflag:$0xD], $0x2000, s18, s30, $0x38;
	[tilespmem:$0x12000] =	vst v63  }
0x9b: {  	_ =	swait.ge @p0 [sflag:s15], $0x2000  }
0x9c: {  	[sflag:s15] =	ssyncset.done @p0 $0x0  }
0x9d: {  	s11 =	sadd.s32 @p0 $0x50000, s11;
	[sflag:s15] =	ssyncadd.s32 @p0 $0xFFFFE000;
	s15 =	simm.s32 @p0 $0xC000  }
0x9e: {  	[hbm4b:s11+s12] =	stream.strided.scatter @p0 [tilespmem:s15], [sflag:$0xE], $0x2000, s13, s12, $0x38;
	[tilespmem:$0x12000] =	vst v63  }
0x9f: {  	s11 =	simm.s32 @!p0 $0xC  }
0xa0: {  	_ =	swait.ge @!p0 [sflag:s11], $0x2000  }
0xa1: {  	[sflag:s11] =	ssyncset.done @!p0 $0x0  }
0xa2: {  	[sflag:s11] =	ssyncadd.s32 @!p0 $0xFFFFE000;
	s11 =	simm.s32 @!p0 $0x13  }
0xa3: {  	[tilespmem:s16], [sflag:$0x14] =	stream.linear.gather @!p0 [hbm4b:s5+s17], $0x2000, $0x38;
	[tilespmem:$0x12000] =	vst v63  }
0xa4: {  	_ =	swait.ge @!p0 [sflag:s11], $0x2000  }
0xa5: {  	[sflag:s11] =	ssyncset.done @!p0 $0x0  }
0xa6: {  	[sflag:s11] =	ssyncadd.s32 @!p0 $0xFFFFE000;
	s11 =	sadd.s32 @!p0 $0xFFFFFE80, s6  }
0xa7: {  	[tilespmem:s14], [sflag:$0x3] =	stream.indirect.gather.add.f32 @!p0 [hbm:s3], $0x40, s11, s22, $0xb8;
	[tilespmem:$0x12000] =	vst v63  }
0xa8: {  	s11 =	simm.s32 @!p0 $0x6  }
0xa9: {  	_ =	swait.ge @!p0 [sflag:s11], $0x2000  }
0xaa: {  	[sflag:s11] =	ssyncset.done @!p0 $0x0  }
0xab: {  	s4 =	sadd.s32 @!p0 $0x50000, s4;
	[sflag:s11] =	ssyncadd.s32 @!p0 $0xFFFFE000;
	s11 =	simm.s32 @!p0 $0xC000  }
0xac: {  	[hbm4b:s4+s2] =	stream.strided.scatter @!p0 [tilespmem:s11], [sflag:$0xE], $0x2000, s22, s2, $0x38;
	[tilespmem:$0x12000] =	vst v63  }
0xad: {  	s2 =	simm.s32 @!p0 $0xD  }
0xae: {  	_ =	swait.ge @!p0 [sflag:s2], $0x2000  }
0xaf: {  	[sflag:s2] =	ssyncset.done @!p0 $0x0  }
0xb0: {  	[sflag:s2] =	ssyncadd.s32 @!p0 $0xFFFFE000;
	s2 =	simm.s32 @!p0 $0xA000  }
0xb1: {  	[tilespmem:s2], [sflag:$0x15] =	stream.linear.gather @!p0 [hbm4b:s5+s17], $0x2000, $0x38;
	[tilespmem:$0x12000] =	vst v63  }
0xb2: {  	s2 =	simm.s32 @!p0 $0x14  }
0xb3: {  	_ =	swait.ge @!p0 [sflag:s2], $0x2000  }
0xb4: {  	[sflag:s2] =	ssyncset.done @!p0 $0x0  }
0xb5: {  	[sflag:s2] =	ssyncadd.s32 @!p0 $0xFFFFE000;
	s2 =	sadd.s32 @!p0 $0xFFFFFF00, s6  }
0xb6: {  	[tilespmem:s16], [sflag:$0x4] =	stream.indirect.gather.add.f32 @!p0 [hbm:s3], $0x40, s2, s22, $0xb8;
	[tilespmem:$0x12000] =	vst v63  }
.Ltmp2:
0xb7: {  	_ = 	snop;
	(pc) =	sbr.rel @p0 .LBB2_4-.Ltmp2, $4  }
0xb8: {  	_ =	swait.ge [sflag:s25], $0x2000  }
0xb9: {  	s29 =	sadd.s32 $0x60000, s10;
	s10 =	sadd.s32 $0x70000, s10;
	[sflag:s25] =	ssyncset.done $0x0  }
0xba: {  	s13 =	simm.s32 $0xE000;
	s12 =	simm.s32 $0xA000;
	[sflag:s25] =	ssyncadd.s32 $0xFFFFE000  }
0xbb: {  	[hbm4b:s29+s30] =	stream.strided.scatter [tilespmem:s13], [sflag:$0xF], $0x2000, s18, s30, $0x38;
	[tilespmem:$0x12000] =	vst v63  }
0xbc: {  	_ =	swait.ge [sflag:s19], $0x2000  }
0xbd: {  	[sflag:s19] =	ssyncset.done $0x0  }
0xbe: {  	s4 =	simm.s32 $0xC000;
	s2 =	simm.s32 $0x15;
	[sflag:s19] =	ssyncadd.s32 $0xFFFFE000  }
0xbf: {  	[tilespmem:s4], [sflag:$0x16] =	stream.linear.gather [hbm4b:s5+s26], $0x2000, $0x38;
	[tilespmem:$0x12000] =	vst v63  }
0xc0: {  	_ =	swait.ge [sflag:s2], $0x2000  }
0xc1: {  	[sflag:s2] =	ssyncset.done $0x0  }
0xc2: {  	s22 =	sadd.s32 $0xFFFFFF80, s6;
	[sflag:s2] =	ssyncadd.s32 $0xFFFFE000  }
0xc3: {  	[tilespmem:s12], [sflag:$0x5] =	stream.indirect.gather.add.f32 [hbm:s3], $0x40, s22, s18, $0xb8;
	[tilespmem:$0x12000] =	vst v63  }
0xc4: {  	_ =	swait.ge [sflag:s28], $0x2000  }
0xc5: {  	[sflag:s28] =	ssyncset.done $0x0  }
0xc6: {  	[sflag:s28] =	ssyncadd.s32 $0xFFFFE000  }
0xc7: {  	[hbm4b:s10+s30] =	stream.strided.scatter [tilespmem:s31], [sflag:$0x10], $0x2000, s18, s30, $0x38;
	[tilespmem:$0x12000] =	vst v63  }
0xc8: {  	_ =	swait.ge [sflag:s20], $0x2000  }
0xc9: {  	[sflag:s20] =	ssyncset.done $0x0  }
0xca: {  	s24 =	simm.s32 $0x16;
	[sflag:s20] =	ssyncadd.s32 $0xFFFFE000  }
0xcb: {  	[tilespmem:s13], [sflag:$0x17] =	stream.linear.gather [hbm4b:s5+s26], $0x2000, $0x38;
	[tilespmem:$0x12000] =	vst v63  }
.Ltmp3:
0xcc: {  	_ =	swait.ge [sflag:s24], $0x2000;
	(pc) =	sbr.rel .LBB2_2-.Ltmp3, $4  }
0xcd: {  	[sflag:s24] =	ssyncset.done $0x0  }
0xce: {  	s9 =	sadd.s32 $0x80000, s9;
	[sflag:s24] =	ssyncadd.s32 $0xFFFFE000  }
0xcf: {  	[tilespmem:s4], [sflag:$0x6] =	stream.indirect.gather.add.f32 [hbm:s3], $0x40, s6, s18, $0xb8;
	[tilespmem:$0x12000] =	vst v63  }
0xd0: {  	s11 =	simm.s32 $0x0;
	s29 =	simm.s32 $0xA000;
	s6 =	sadd.s32 $0x400, s6  }
.LBB2_5:
0xd1: {  	_ =	sfence.sel $0x180000  }
0xd2: {  	[bflag:$0x0] =	sbarrier.arrive $0xFFFF  }
0xd3: {  	_ =	strace $0x90000047  }
0xd4: {  	s0 =	stileid.u32;
	[bflag:$0x2] =	sbarrier.arrive $0xFFFF  }
0xd5: {  	p0 =	sne.s32 s0, $0x0;
	s0 =	rddreg [dreg:$0x2]  }
0xd6: {  	s0 =	sadd.s32 @!p0 $0x100000, s0  }
0xd7: {  	[sflag:s0] =	ssyncadd.tile.s32 @!p0 $0x1;
	_ =	shalt  }
.Lfunc_end2:
_tile_overlayer_lowered:
.L_overlay_start_2:
0xd8: {  	(tag) =	ssettag $0x2  }
0xd9: {  	s0 =	rddreg [dreg:$0x0];
	s2 =	stileid.u32  }
0xda: {  	s1 =	rddreg [dreg:$0x1];
	p0 =	sne.s32 s2, $0x0  }
0xdb: {  	s3 =	rddreg [dreg:$0x2];
	[bflag:$0x3] =	sbarrier.arrive $0xFFFF;
	s2 =	simm.s32 @!p0 $0x1C19  }
0xdc: {  	[timem:s3], [sflag:s2] =	dma.local @!p0 [hbm:s0], s1  }
0xdd: {  	s0 =	simm.s32 @!p0 $0x19  }
0xde: {  	_ =	swait.ge @!p0 [sflag:s0], s1  }
0xdf: {  	s1 =	ssub.s32 @!p0 $0x0, s1;
	[sflag:s0] =	ssyncset.done @!p0 $0x0  }
0xe0: {  	[sflag:s0] =	ssyncadd.s32 @!p0 s1  }
0xe1: {  	[bflag:$0x3] =	sbarrier.arrive $0xFFFF  }
0xe2: {  	_ =	shalt  }

// kernel: sparse-core-data-format-call.cloned.1.call-start
scs
called_computation_lowered:
.L_overlay_start_0:
0x0: {  	s2 =	sld [smem:$0x3FD9]  }
0x1: {  	s3 =	sld [smem:$0x3FFE];
	_ =	sdelay $0x1  }
0x2: {  	s1 =	srdreg.scid  }
0x3: {  	s0 =	sand.u32 $0x1, s1  }
0x4: {  	s18 =	sshll.u32 s0, $0xA;
	s2 =	sadd.s32 s3, s2  }
0x5: {  	s2 =	sadd.s32 s2, s18  }
0x6: {  	[smem:$0x3FC5] =	sst s2  }
0x7: {  	_ = 	snop  }
0x8: {  	s2 =	sld [smem:$0x3FD0];
	(tm) =	ssettm $0x1  }
0x9: {  	s19 =	sld [smem:$0x3FFB];
	_ =	sdelay $0x3  }
0xa: {  	_ =	strace s19  }
0xb: {  	s3 =	sld [smem:$0x3FFC];
	_ =	sdelay $0x3  }
0xc: {  	_ =	strace s3  }
0xd: {  	s3 =	sld [smem:$0x3FFD];
	_ =	sdelay $0x3  }
0xe: {  	_ =	strace s3  }
0xf: {  	_ =	strace $0x8FFFFFFF  }
0x10: {  	s20 =	sld [smem:$0x3FDB];
	_ =	sdelay $0x1  }
0x11: {  	s4 =	simm.s32 $_scs_section_size  }
0x12: {  	s5 =	simm.s32 $_size__tile_overlayer_lowered;
	s6 =	simm.s32 $_tile_overlayer_lowered  }
0x13: {  	s23 =	simm.s32 $0x1BFF;
	s22 =	sshll.u32 s6, $0x1;
	s3 =	sadd.s32 s4, s20  }
0x14: {  	s7 =	simm.s32 $0x0;
	s21 =	sshll.u32 s5, $0x1;
	s5 =	sadd.s32 s22, s3  }
0x15: {  	[timem:s7], [sflag:s23] =	dma.local [hbm:s5], s21  }
0x16: {  	_ =	swait.ge [sflag:s23], s21  }
0x17: {  	s4 =	ssub.s32 $0x0, s21;
	[sflag:s23] =	ssyncset.done $0x0  }
0x18: {  	[sflag:s23] =	ssyncadd.s32 s4;
	_ =	sdelay $0x1  }
0x19: {  	s24 =	simm.s32 $0x1B8B  }
0x1a: {  	_ =	swait.ge [sflag:s24], $0x1  }
0x1b: {  	[sflag:s24] =	ssyncset.done $0x0  }
0x1c: {  	s26 =	simm.s32 $0x1B8E;
	s25 =	sld [smem:$0x3FFE];
	[sflag:s24] =	ssyncadd.s32 $0xFFFFFFFF  }
0x1d: {  	s27 =	simm.s32 $execute0_lowered;
	[smem:$0x3FD2] =	sst s26  }
0x1e: {  	s5 =	sshll.u32 s27, $0x1;
	_ =	strace $0x80000049;
	[dreg:$0x1] =	wrdreg $0xFFFFFFFF  }
0x1f: {  	s28 =	simm.s32 $_size_execute0_lowered;
	s3 =	sadd.s32 s3, s5;
	[dreg:$0x0] =	wrdreg $0x0  }
0x20: {  	s5 =	sshll.u32 s28, $0x1;
	[dreg:$0x2] =	wrdreg s3  }
0x21: {  	[dreg:$0x3] =	wrdreg s5  }
0x22: {  	[dreg:$0x4] =	wrdreg $0xC0  }
0x23: {  	_ =	task [dreg:s7], $0x5FFFF  }
0x24: {  	[dreg:$0x1] =	wrdreg $0xFFFFFFFF  }
0x25: {  	[dreg:$0x0] =	wrdreg $0x60  }
0x26: {  	[dreg:$0x2] =	wrdreg s25  }
0x27: {  	[dreg:$0x3] =	wrdreg s2  }
0x28: {  	[dreg:$0x4] =	wrdreg $0x9  }
0x29: {  	_ =	task.clear_ibuf [dreg:s7], $0x5FFFF;
	_ =	strace $0x90000049  }
0x2a: {  	s29 =	simm.s32 $0x9;
	_ =	strace $0x8000004B  }
0x2b: {  	_ =	swait.ge [sflag:s29], $0x1  }
0x2c: {  	[sflag:s29] =	ssyncadd.s32 $0xFFFFFFFF  }
0x2d: {  	_ =	strace $0x9000004B  }
0x2e: {  	_ =	sfence  }
0x2f: {  	s30 =	sld [smem:$0x0];
	_ =	sdelay $0x2  }
0x30: {  	s31 =	sshll.u32 s1, $0xD;
	s1 =	sshrl.u32 s1, $0x2  }
0x31: {  	s3 =	sand.u32 $0x4000, s31;
	s1 =	sadd.s32 s1, s30  }
0x32: {  	s0 =	sor.u32 s3, s0;
	s1 =	sshll.u32 s1, $0x11  }
0x33: {  	s0 =	sor.u32 s1, s0  }
0x34: {  	s0 =	sadd.s32 $0x8F2B, s0  }
0x35: {  	[sflag:s0] =	ssyncadd.remote.s32 $0x1  }
0x36: {  	_ =	sfence.sel $0xFFFF  }
0x37: {  	[dreg:$0x0] =	wrdreg $0xFFFFFFFF;
	(pc) =	sbr.abs _section_cstart, $3  }
0x38: {  	[dreg:$0x1] =	wrdreg $0xFFFFFFFF  }
0x39: {  	_ =	task.clear_ibuf [dreg:s7], $0x2FFFF;
	_ =	strace $0x9FFFFFFF  }
0x3a: {  	(tm) =	ssettm $0x7FFFFFFF  }
0x3b: {  	_ =	shalt  }
tec
execute0_lowered:
.L_overlay_start_1:
0x0: {  	(tag) =	ssettag $0x1  }
0x1: {  	s0 =	srdreg.scid  }
0x2: {  	s7 =	rddreg [dreg:$0x0];
	s1 =	sshll.u32 s0, $0x4  }
0x3: {  	s3 =	rddreg [dreg:$0x1];
	s0 =	stileid.u32;
	s1 =	sand.u32 $0x10, s1  }
0x4: {  	s6 =	simm.s32 $0x1;
	s31 =	simm.s32 $0x2;
	s1 =	sor.u32 s0, s1  }
0x5: {  	s13 =	simm.s32 $0x0;
	s9 =	simm.s32 $0x8000;
	s2 =	sshll.u32 s1, $0x1  }
0x6: {  	s14 =	simm.s32 $0x0;
	s10 =	simm.s32 $0x0;
	s4 =	ssub.s32 $0x40, s2  }
0x7: {  	s12 =	simm.s32 $0x0;
	s1 =	rddreg [dreg:$0x2];
	s5 =	sand.u32 $0x3E, s4  }
.Ltmp0:
0x8: {  	_ =	strace $0x8000004A;
	p0 =	sne.s32 s5, $0x0;
	(pc) =	sbr.rel .LBB1_1-.Ltmp0, $4  }
0x9: {  	s11 =	smov.u32 s2;
	s8 =	sshrl.u32 s4, $0x6;
	s6 =	simm.s32 @!p0 $0x0  }
0xa: {  	s4 =	sadd.s32 $0xCBE00, s7;
	s5 =	simm.s32 $0x1;
	s6 =	sadd.s32 s6, s8  }
0xb: {  	s7 =	sadd.s32 $0xDBE00, s7;
	[sflag:s5] =	ssyncpa.u1 $0x0;
	s6 =	sshll.u32 s6, $0x5  }
0xc: {  	p0 =	por $0x0, $0x0;
	[sflag:s31] =	ssyncpa.u1 $0x0;
	s8 =	sor.u32 $0x1, s6  }
.LBB1_7:
0xd: {  	s15 =	sadd.s32 $0x80, s10  }
0xe: {  	s13 =	sadd.s32 $0x40, s11;
	s17 =	smov.u32 s11;
	p2 =	sgt.s32 s15, $0xFFF  }
0xf: {  	s17 =	smov.u32 @p2 s13  }
0x10: {  	s15 =	simm.s32 @p2 $0x0;
	p2 =	sgt.s32 s17, $0x3F  }
0x11: {  	s17 =	smov.u32 @p2 s2;
	p2 =	sne.s32 s12, s8  }
.Ltmp1:
0x12: {  	p1 =	slt.u32 s12, $0x2;
	(pc) =	sbr.rel @!p2 .LBB1_8-.Ltmp1, $4  }
0x13: {  	s16 =	simm.s32 @!p1 $0x2  }
0x14: {  	s14 =	smov.u32 s11;
	p0 =	por !p0, !p0;
	_ =	swait.ge @!p1 [sflag:s16], $0x4000  }
0x15: {  	s13 =	smov.u32 s10;
	[sflag:s16] =	ssyncset.done @!p1 $0x0;
	s10 =	smov.u32 s15  }
0x16: {  	s12 =	sadd.s32 $0x1, s12;
	[sflag:s16] =	ssyncadd.s32 @!p1 $0xFFFFC000;
	s11 =	smov.u32 s17  }
.LBB1_1:
0x17: {  	p1 =	sge.u32 s12, s6  }
0x18: {  	s15 =	sxor.u32 @!p1 $0xFFFFFFFF, s12;
	s16 =	sshll.u32 @!p1 s11, $0x10  }
0x19: {  	s17 =	sshll.u32 @!p1 s10, $0x4;
	s19 =	simm.s32 @!p1 $0x40;
	s20 =	simm.s32 @!p1 $0x80  }
0x1a: {  	s15 =	sshll.u32 @!p1 s15, $0xE;
	s17 =	sand.u32 @!p1 $0xFFF0, s17;
	s18 =	sadd.s32 @!p1 s4, s16  }
0x1b: {  	s16 =	sadd.s32 @!p1 s16, s7;
	s15 =	sand.u32 @!p1 $0x4000, s15;
	s18 =	sadd.s32 @!p1 s17, s18  }
0x1c: {  	[tilespmem:s15], [sflag:$0x1] =	stream.strided.gather @!p1 [hbm4b:s18+s19], $0x2000, s20, s19, $0x38;
	[tilespmem:$0x10100] =	vst v63  }
0x1d: {  	s31 =	sadd.s32 $0xFFFFFFFF, s12;
	s16 =	sadd.s32 @!p1 s17, s16;
	s15 =	sor.u32 @!p1 $0x2000, s15  }
0x1e: {  	[tilespmem:s15], [sflag:$0x1] =	stream.strided.gather @!p1 [hbm4b:s16+s19], $0x2000, s20, s19, $0x38;
	[tilespmem:$0x10100] =	vst v63  }
0x1f: {  	p1 =	sge.u32 s31, s6  }
.Ltmp2:
0x20: {  	_ = 	snop;
	(pc) =	sbr.rel @p1 .LBB1_7-.Ltmp2, $1  }
0x21: {  	_ =	sdelay $0x3  }
0x22: {  	s15 =	simm.s32 $0x1;
	s17 =	sand.u32 $0x1, s12  }
0x23: {  	_ =	swait.ge [sflag:s5], $0x4000;
	s15 =	simm.s32 @!p0 $0x0;
	s17 =	smul.u32 $0x10200, s17  }
0x24: {  	p2 =	por $0x1, $0x1;
	[sflag:s5] =	ssyncset.done $0x0;
	s16 =	smul.u32 $0x10200, s15  }
0x25: {  	s18 =	sshll.u32 s15, $0x10;
	[sflag:s5] =	ssyncadd.s32 $0xFFFFC000;
	s30 =	sshrl.u32 s17, $0x2  }
0x26: {  	s31 =	sshrl.u32 s18, $0x2;
	s18 =	simm.s32 $0x0;
	s16 =	sshrl.u32 s16, $0x2  }
0x27: {  	s15 =	sor.u32 $0x8000, s30;
	s17 =	sadd.s32 $0x20, s31;
	s16 =	sor.u32 $0x8000, s16  }
.LBB1_3:
0x28: {  	s19 =	sshll.u32 s18, $0xD  }
0x29: {  	s19 =	sand.u32 $0x3FFFE000, s19  }
0x2a: {  	s21 =	sadd.s32 s19, s17  }
0x2b: {  	s31 =	smul.u32 $0x8100, s18;
	v3 =	vld [tilespmem:s21+$0x10]  }
0x2c: {  	v1 =	vld [tilespmem:s21+$0xFFFFFFF0]  }
0x2d: {  	s18 =	sshra.s32 s31, $0x2;
	v0 =	vld [tilespmem:s21+$0x0]  }
0x2e: {  	s18 =	sadd.s32 s18, s16;
	v2 =	vld [tilespmem:s21+$0xFFFFFFE0]  }
0x2f: {  	s19 =	sadd.s32 $0x0, s18  }
0x30: {  	p1 =	por p2, p2;
	s20 =	simm.s32 $0x4;
	s21 =	sadd.s32 $0x40, s21;
	[tilespmem:s19+$0x1830 ss:$0x81] =	vst.msk $0xffff, v3  }
.LBB1_4:
0x31: {  	v3 =	vld [tilespmem:s21+$0x10];
	p2 =	sne.s32 s20, $0x1FC;
	[tilespmem:s19+$0x810 ss:$0x81] =	vst.msk $0xffff, v1;
	s22 =	smov.u32 s20;
	s20 =	sadd.s32 $0x4, s20  }
.Ltmp3:
0x32: {  	v1 =	vld [tilespmem:s21+$0xFFFFFFF0];
	[tilespmem:s19+$0x1020 ss:$0x81] =	vst.msk $0xffff, v0;
	(pc) =	sbr.rel @p2 .LBB1_4-.Ltmp3, $4  }
0x33: {  	v0 =	vld [tilespmem:s21+$0x0];
	[tilespmem:s19+$0x0 ss:$0x81] =	vst.msk $0xffff, v2  }
0x34: {  	s19 =	sshra.s32 s22, $0x2;
	v2 =	vld [tilespmem:s21+$0xFFFFFFE0]  }
0x35: {  	s19 =	sadd.s32 s19, s18  }
0x36: {  	s21 =	sadd.s32 $0x40, s21;
	[tilespmem:s19+$0x1830 ss:$0x81] =	vst.msk $0xffff, v3  }
.Ltmp4:
0x37: {  	(pc) =	sbr.rel @p1 .LBB1_3-.Ltmp4, $4  }
0x38: {  	_ = 	snop  }
0x39: {  	[tilespmem:s19+$0x810 ss:$0x81] =	vst.msk $0xffff, v1  }
0x3a: {  	[tilespmem:s19+$0x1020 ss:$0x81] =	vst.msk $0xffff, v0  }
0x3b: {  	s18 =	simm.s32 $0x1;
	p2 =	por $0x0, $0x0;
	[tilespmem:s19+$0x0 ss:$0x81] =	vst.msk $0xffff, v2  }
0x3c: {  	s16 =	sshll.u32 s13, $0x3;
	s17 =	sand.u32 $0x78, s13;
	s14 =	sshll.u32 s14, $0xF  }
.Ltmp5:
0x3d: {  	s30 =	sand.u32 $0x7E00, s13;
	s16 =	sand.u32 $0xC00, s16;
	(pc) =	sbr.rel .LBB1_7-.Ltmp5, $4  }
0x3e: {  	s31 =	sand.u32 $0x7, s13;
	s14 =	sadd.s32 s3, s14;
	s16 =	sor.u32 s17, s16  }
0x3f: {  	s13 =	sshll.u32 s31, $0x12;
	s14 =	sadd.s32 s30, s14;
	s16 =	sshrl.u32 s16, $0x3  }
0x40: {  	s13 =	sor.u32 $0x400, s13;
	s14 =	sadd.s32 s16, s14  }
0x41: {  	[hbm4b:s14+s13] =	stream.strided.scatter [tilespmem:s15], [sflag:$0x2], $0x4000, s9, s13, $0x20;
	[tilespmem:$0x10100] =	vst v63  }
.LBB1_8:
0x42: {  	_ =	sfence.sel $0x180000  }
0x43: {  	s2 =	simm.s32 $0x1;
	[bflag:$0x0] =	sbarrier.arrive $0xFFFF  }
0x44: {  	s31 =	simm.s32 $0x2;
	[sflag:s2] =	ssyncpa.u1 $0x1  }
0x45: {  	[sflag:s31] =	ssyncpa.u1 $0x1  }
0x46: {  	p0 =	sne.s32 s0, $0x0;
	_ =	strace $0x9000004A  }
0x47: {  	s0 =	sadd.s32 @!p0 $0x100000, s1;
	[bflag:$0x2] =	sbarrier.arrive $0xFFFF  }
0x48: {  	[sflag:s0] =	ssyncadd.tile.s32 @!p0 $0x1;
	_ =	shalt  }
.Lfunc_end1:
_tile_overlayer_lowered:
.L_overlay_start_2:
0x49: {  	(tag) =	ssettag $0x2  }
0x4a: {  	s0 =	rddreg [dreg:$0x0];
	s2 =	stileid.u32  }
0x4b: {  	s1 =	rddreg [dreg:$0x1];
	p0 =	sne.s32 s2, $0x0  }
0x4c: {  	s3 =	rddreg [dreg:$0x2];
	[bflag:$0x3] =	sbarrier.arrive $0xFFFF;
	s2 =	simm.s32 @!p0 $0x1C01  }
0x4d: {  	[timem:s3], [sflag:s2] =	dma.local @!p0 [hbm:s0], s1  }
0x4e: {  	s0 =	simm.s32 @!p0 $0x1  }
0x4f: {  	_ =	swait.ge @!p0 [sflag:s0], s1  }
0x50: {  	s1 =	ssub.s32 @!p0 $0x0, s1;
	[sflag:s0] =	ssyncset.done @!p0 $0x0  }
0x51: {  	[sflag:s0] =	ssyncadd.s32 @!p0 s1  }
0x52: {  	[bflag:$0x3] =	sbarrier.arrive $0xFFFF  }
0x53: {  	_ =	shalt  }

</sc_bundles>
